<compile_context>
chip_gen: v7x
topology: tpu7x:2x2x1
jax: 0.10.2.dev20260603
libtpu: 0.0.44.dev20260713+nightly
codegen_flags: <defaults>
</compile_context>

<pallas_src>
import jax
import jax.numpy as jnp
from jax import lax
from jax.experimental import pallas as pl
from jax.experimental.pallas import tpu as pltpu
from jax.experimental.pallas import tpu_sc as plsc

_R, _C = 128, 32768
_K = 64
_L = 16
_NVREG = _C // _L
_GRP = 16
_CAP = 800
_TRIG = 256
_HARD = 192
_NW = 32
_ROWS_PER_W = _R // _NW
_NEG = float("-inf")
_BIGI = 0x7FFFFFF0


def _lane(vec, i):
    return jnp.squeeze(lax.slice(vec, (i,), (i + 1,)))


def _select64(regv, regi, oref, outv, outi):
    nv = (oref[0] + _L - 1) // _L
    lanes = lax.iota(jnp.int32, _L)

    def round_body(t, prev):
        mvp, mip = prev

        def scanv(j, bc):
            bv, bi = bc
            s = pl.ds(j * _L, _L)
            v = regv[s]
            i = regi[s]
            hit = (v == mvp) & (i == mip)
            v = jnp.where(hit, _NEG, v)
            regv[s] = v
            better = (v > bv) | ((v == bv) & (i < bi))
            return (jnp.where(better, v, bv), jnp.where(better, i, bi))

        bv, bi = lax.fori_loop(
            0, nv, scanv,
            (jnp.full((_L,), _NEG, jnp.float32),
             jnp.full((_L,), _BIGI, jnp.int32)))
        mv = _lane(lax.sort(bv), _L - 1)
        wi = jnp.where(bv == mv, bi, jnp.int32(_BIGI))
        mi = _lane(lax.sort(wi), 0)
        slot = pl.ds((t // _L) * _L, _L)
        lv = t % _L
        outv[slot] = jnp.where(lanes == lv, mv, outv[slot])
        outi[slot] = jnp.where(lanes == lv, mi, outi[slot])
        return (mv, mi)

    lax.fori_loop(0, _K, round_body,
                  (jnp.float32(float("inf")), jnp.int32(-1)))


def _sc_body(x_hbm, out_v_hbm, out_i_hbm,
             rowbufa, sm1, sm2, regv, regi, outv, outi, thref, oref):
    wid = lax.axis_index("s") * 2 + lax.axis_index("c")
    lanes = lax.iota(jnp.int32, _L)

    def process_row(row, rowbuf):
        oref[0] = jnp.int32(0)

        def init(j, _c):
            s = pl.ds(j * _L, _L)
            regv[s] = jnp.full((_L,), _NEG, jnp.float32)
            regi[s] = jnp.full((_L,), _BIGI, jnp.int32)
            return 0

        lax.fori_loop(0, _CAP // _L, init, 0)

        def hard_prune():
            _select64(regv, regi, oref, outv, outi)
            def put(j, _c):
                s = pl.ds(j * _L, _L)
                regv[s] = outv[s]
                regi[s] = outi[s]
                return 0
            lax.fori_loop(0, _K // _L, put, 0)

            def fill(j, _c):
                s = pl.ds(j * _L, _L)
                regv[s] = jnp.full((_L,), _NEG, jnp.float32)
                regi[s] = jnp.full((_L,), _BIGI, jnp.int32)
                return 0
            lax.fori_loop(_K // _L, _CAP // _L, fill, 0)
            oref[0] = jnp.int32(_K)
            tail = outv[pl.ds(_K - _L, _L)]
            thref[0] = jnp.maximum(thref[0], _lane(tail, _L - 1))

        def soft_prune():
            o = oref[0]
            nfull = o // _L
            c = (_K + nfull - 1) // nfull
            nv2 = (o + _L - 1) // _L

            def tstep(j, tv):
                sv = lax.sort(regv[pl.ds(j * _L, _L)])
                return jnp.minimum(tv, sv)

            tv = lax.fori_loop(0, nfull, tstep,
                               jnp.full((_L,), float("inf"), jnp.float32))
            tl = jnp.where(lanes == (_L - c), tv, float("inf"))
            t = _lane(lax.sort(tl), 0)

            def cstep(j, o2s):
                s = pl.ds(j * _L, _L)
                v = regv[s]
                i = regi[s]
                m = v >= t
                cs = plsc.cumsum(m.astype(jnp.int32))
                pos = jnp.maximum(o2s + cs - 1, 0)
                plsc.store_scatter(regv, [pos], v, mask=m)
                plsc.store_scatter(regi, [pos], i, mask=m)
                return o2s + plsc.all_reduce_population_count(m)

            o2s = lax.fori_loop(0, nv2, cstep,
                                jnp.zeros((_L,), jnp.int32))
            o2 = _lane(o2s, 0)

            def rstep(j, _c):
                s = pl.ds(j * _L, _L)
                keep = (j * _L + lanes) < o2
                regv[s] = jnp.where(keep, regv[s], _NEG)
                regi[s] = jnp.where(keep, regi[s], _BIGI)
                return 0

            lax.fori_loop(0, nv2, rstep, 0)
            thref[0] = jnp.maximum(thref[0], t)
            oref[0] = o2

            @pl.when(o2 >= _HARD)
            def _():
                hard_prune()

        def _treemax(ref, base):
            vs = [ref[pl.ds(base + u * _L, _L)] for u in range(_GRP)]
            while len(vs) > 1:
                vs = [jnp.maximum(vs[i], vs[i + 1])
                      for i in range(0, len(vs), 2)]
            return vs[0]

        def p1(g, _c):
            sm1[pl.ds(g * _L, _L)] = _treemax(rowbuf, g * (_GRP * _L))
            return 0

        lax.fori_loop(0, _NVREG // _GRP, p1, 0)

        def p2(h, _c):
            sm2[pl.ds(h * _L, _L)] = _treemax(sm1, h * (_GRP * _L))
            return 0

        lax.fori_loop(0, 8, p2, 0)

        tv0 = lax.sort(sm2[pl.ds(0, _L)])
        for h in range(1, 8):
            tv0 = jnp.minimum(tv0, lax.sort(sm2[pl.ds(h * _L, _L)]))
        thref[0] = _lane(tv0, _L - 8)

        _CHUNK = 32

        def scanchunk(ch, _c):
            th = thref[0]
            obase = jnp.zeros((_L,), jnp.int32) + oref[0]
            base = ch * (_CHUNK * _L)
            for u in range(_CHUNK):
                off = base + u * _L
                v = rowbuf[pl.ds(off, _L)]
                m = v >= th
                cs = plsc.cumsum(m.astype(jnp.int32))
                pos = jnp.maximum(obase + cs - 1, 0)
                plsc.store_scatter(regv, [pos], v, mask=m)
                plsc.store_scatter(regi, [pos], off + lanes, mask=m)
                obase = obase + plsc.all_reduce_population_count(m)
            oref[0] = _lane(obase, 0)

            @pl.when(oref[0] >= _TRIG)
            def _():
                soft_prune()

            return 0

        lax.fori_loop(0, _NVREG // _CHUNK, scanchunk, 0)

        @pl.when(oref[0] >= 128)
        def _():
            soft_prune()

        _select64(regv, regi, oref, outv, outi)
        pltpu.sync_copy(outv, out_v_hbm.at[row])
        pltpu.sync_copy(outi, out_i_hbm.at[row])

    def do_row(rj, _):
        row = wid * _ROWS_PER_W + rj
        pltpu.sync_copy(x_hbm.at[row], rowbufa)
        process_row(row, rowbufa)
        return 0

    lax.fori_loop(0, _ROWS_PER_W, do_row, 0)


@jax.jit
def _sc_topk(x):
    mesh = plsc.VectorSubcoreMesh(core_axis_name="c", subcore_axis_name="s")
    fn = pl.kernel(
        _sc_body,
        mesh=mesh,
        compiler_params=pltpu.CompilerParams(needs_layout_passes=False),
        out_type=[
            jax.ShapeDtypeStruct((_R, _K), jnp.float32),
            jax.ShapeDtypeStruct((_R, _K), jnp.int32),
        ],
        scratch_types=[
            pltpu.VMEM((_C,), jnp.float32),
            pltpu.VMEM((_C // _L,), jnp.float32),
            pltpu.VMEM((_GRP * _L // 2,), jnp.float32),
            pltpu.VMEM((_CAP,), jnp.float32),
            pltpu.VMEM((_CAP,), jnp.int32),
            pltpu.VMEM((_K,), jnp.float32),
            pltpu.VMEM((_K,), jnp.int32),
            pltpu.SMEM((1,), jnp.float32),
            pltpu.SMEM((1,), jnp.int32),
        ],
    )
    return fn(x)


def kernel(self_tensor, k, dim, largest, sorted):
    del k, dim, largest, sorted
    vals, idxs = _sc_topk(self_tensor)
    return (vals, idxs)

# --- scband reference (transcript-rebuilt; emitter-appended) ---
"""Pipeline reference for scband-model-20624432955454 (READ-ONLY COPY).

The authoritative reference and input builder live on the scoring server;
editing this copy changes nothing except your own understanding.
"""

import jax, jax.numpy as jnp
import numpy as np


def setup_inputs(seed: int = 0) -> dict:
    key = jax.random.key(seed)
    self_tensor = jax.random.normal(key, (128, 32768), dtype=jnp.float32)
    return {"self_tensor": self_tensor, "k": 64, "dim": 1, "largest": 1, "sorted": 1}


def reference(self_tensor, k, dim, largest, sorted):
    k_static = 64
    dim_static = 1
    x = jnp.moveaxis(self_tensor, dim_static, -1)
    pos_values, pos_indices = jax.lax.top_k(x, k_static)
    neg_values, neg_indices = jax.lax.top_k(-x, k_static)
    take_largest = largest != 0
    values = jnp.where(take_largest, pos_values, -neg_values)
    indices = jnp.where(take_largest, pos_indices, neg_indices)
    values = jnp.moveaxis(values, -1, dim_static)
    indices = jnp.moveaxis(indices, -1, dim_static)
    zero = (k - k_static) + (dim - dim_static) + (sorted - sorted)
    indices = indices + zero
    return (values, indices)

if __name__ == "__main__":
    import jax
    _d = setup_inputs()
    print(jax.jit(kernel)(*tuple(_d.values())))

</pallas_src>

<mosaic_0001>
#map = affine_map<(d0, d1) -> (0, 0)>
module attributes {stable_mosaic.version = 14 : i64} {
  func.func @_sc_body(%arg0: i32, %arg1: i32, %arg2: memref<128x32768xf32, #tpu.memory_space<hbm>>, %arg3: memref<128x64xf32, #tpu.memory_space<hbm>>, %arg4: memref<128x64xi32, #tpu.memory_space<hbm>>, %arg5: memref<32768xf32, #tpu.memory_space<vmem>>, %arg6: memref<2048xf32, #tpu.memory_space<vmem>>, %arg7: memref<128xf32, #tpu.memory_space<vmem>>, %arg8: memref<800xf32, #tpu.memory_space<vmem>>, %arg9: memref<800xi32, #tpu.memory_space<vmem>>, %arg10: memref<64xf32, #tpu.memory_space<vmem>>, %arg11: memref<64xi32, #tpu.memory_space<vmem>>, %arg12: memref<1xf32, #tpu.memory_space<smem>>, %arg13: memref<1xi32, #tpu.memory_space<smem>>) attributes {dimension_semantics = [#tpu.dimension_semantics<core_parallel>, #tpu.dimension_semantics<subcore_parallel>], iteration_bounds = array<i64: 2, 16>, scalar_prefetch = 0 : i64, scratch_operands = 9 : i64, tpu.core_type = #tpu.core_type<sc_vector_subcore>, window_params = [{transform_indices = #map}, {transform_indices = #map}, {transform_indices = #map}]} {
    %mul3A = arith.constant 2 : i32
    %mul3A_0 = arith.muli %arg1, %mul3A : i32
    %add3A = arith.addi %mul3A_0, %arg0 : i32
    %iota3A = tpu.iota {dimensions = array<i32: 0>} : vector<16xi32>
    %scan3A = arith.constant 0 : i32
    %scan3A_1 = arith.constant 0 : i32
    %scan3A_2 = arith.constant 4 : i32
    %scan3A_3 = arith.addi %scan3A_1, %scan3A_2 : i32
    %scan3A_4 = arith.constant 1 : i32
    %scan3A_5 = scf.for %scan3A_7 = %scan3A_1 to %scan3A_3 step %scan3A_4 iter_args(%scan3A_8 = %scan3A) -> (i32)  : i32 {
      %mul3A_9 = arith.constant 4 : i32
      %mul3A_10 = arith.muli %add3A, %mul3A_9 : i32
      %add3A_11 = arith.addi %mul3A_10, %scan3A_7 : i32
      "tpu.region"() ({
        %run_scoped3A = tpu.sem_alloc : memref<!tpu.dma_semaphore, #tpu.memory_space<semaphore_mem>>
        %dma_start3A = arith.constant 0 : i32
        %dma_start3A_136 = tpu.memref_slice %arg2[%add3A_11, %dma_start3A] : memref<128x32768xf32, #tpu.memory_space<hbm>> -> memref<1x32768xf32, #tpu.memory_space<hbm>>
        %dma_start3A_137 = tpu.memref_squeeze %dma_start3A_136 : memref<1x32768xf32, #tpu.memory_space<hbm>> -> memref<32768xf32, #tpu.memory_space<hbm>>
        %dma_start3A_138 = arith.constant 0 : i32
        %dma_start3A_139 = tpu.memref_slice %arg2[%add3A_11, %dma_start3A_138] : memref<128x32768xf32, #tpu.memory_space<hbm>> -> memref<1x32768xf32, #tpu.memory_space<hbm>>
        %dma_start3A_140 = tpu.memref_squeeze %dma_start3A_139 : memref<1x32768xf32, #tpu.memory_space<hbm>> -> memref<32768xf32, #tpu.memory_space<hbm>>
        tpu.enqueue_dma source(%dma_start3A_140 : memref<32768xf32, #tpu.memory_space<hbm>>) target(%arg5 : memref<32768xf32, #tpu.memory_space<vmem>>) target_semaphore(%run_scoped3A : memref<!tpu.dma_semaphore, #tpu.memory_space<semaphore_mem>>)
        %dma_wait3A = arith.constant 0 : i32
        %dma_wait3A_141 = tpu.memref_slice %arg2[%add3A_11, %dma_wait3A] : memref<128x32768xf32, #tpu.memory_space<hbm>> -> memref<1x32768xf32, #tpu.memory_space<hbm>>
        %dma_wait3A_142 = tpu.memref_squeeze %dma_wait3A_141 : memref<1x32768xf32, #tpu.memory_space<hbm>> -> memref<32768xf32, #tpu.memory_space<hbm>>
        %dma_wait3A_143 = arith.constant 0 : i32
        %dma_wait3A_144 = tpu.memref_slice %arg2[%add3A_11, %dma_wait3A_143] : memref<128x32768xf32, #tpu.memory_space<hbm>> -> memref<1x32768xf32, #tpu.memory_space<hbm>>
        %dma_wait3A_145 = tpu.memref_squeeze %dma_wait3A_144 : memref<1x32768xf32, #tpu.memory_space<hbm>> -> memref<32768xf32, #tpu.memory_space<hbm>>
        tpu.wait_dma2 semaphore(%run_scoped3A : memref<!tpu.dma_semaphore, #tpu.memory_space<semaphore_mem>>) src(%dma_wait3A_145 : memref<32768xf32, #tpu.memory_space<hbm>>) dst(%arg5 : memref<32768xf32, #tpu.memory_space<vmem>>)
        tpu.yield
      }) : () -> ()
      %swap3A = arith.constant 0 : i32
      %swap3A_12 = arith.constant 0 : i32
      %swap3A_13 = arith.index_cast %swap3A_12 : i32 to index
      %swap3A_14 = memref.load %arg13[%swap3A_13] : memref<1xi32, #tpu.memory_space<smem>>
      memref.store %swap3A, %arg13[%swap3A_13] : memref<1xi32, #tpu.memory_space<smem>>
      %scan3A_15 = arith.constant 0 : i32
      %scan3A_16 = arith.constant 0 : i32
      %scan3A_17 = arith.constant 50 : i32
      %scan3A_18 = arith.addi %scan3A_16, %scan3A_17 : i32
      %scan3A_19 = arith.constant 1 : i32
      %scan3A_20 = scf.for %scan3A_136 = %scan3A_16 to %scan3A_18 step %scan3A_19 iter_args(%scan3A_137 = %scan3A_15) -> (i32)  : i32 {
        %mul3A_138 = arith.constant 16 : i32
        %mul3A_139 = arith.muli %scan3A_136, %mul3A_138 : i32
        %broadcast_in_dim3A = arith.constant 0xFF800000 : f32
        %broadcast_in_dim3A_140 = vector.broadcast %broadcast_in_dim3A : f32 to vector<16xf32>
        %swap3A_141 = arith.index_cast %mul3A_139 : i32 to index
        %swap3A_142 = tpu.vector_load %arg8[%swap3A_141] {strides = array<i32>} : memref<800xf32, #tpu.memory_space<vmem>>, vector<16xf32>,
        tpu.vector_store %arg8[%swap3A_141], %broadcast_in_dim3A_140 {strides = array<i32>} : memref<800xf32, #tpu.memory_space<vmem>>, vector<16xf32>,
        %broadcast_in_dim3A_143 = arith.constant 2147483632 : i32
        %broadcast_in_dim3A_144 = vector.broadcast %broadcast_in_dim3A_143 : i32 to vector<16xi32>
        %swap3A_145 = arith.index_cast %mul3A_139 : i32 to index
        %swap3A_146 = tpu.vector_load %arg9[%swap3A_145] {strides = array<i32>} : memref<800xi32, #tpu.memory_space<vmem>>, vector<16xi32>,
        tpu.vector_store %arg9[%swap3A_145], %broadcast_in_dim3A_144 {strides = array<i32>} : memref<800xi32, #tpu.memory_space<vmem>>, vector<16xi32>,
        %scan3A_147 = arith.constant 0 : i32
        scf.yield %scan3A_147 : i32
      }
      %scan3A_21 = arith.constant 50 : i32
      %scan3A_22 = arith.constant 0 : i32
      %scan3A_23 = arith.constant 0 : i32
      %scan3A_24 = arith.constant 128 : i32
      %scan3A_25 = arith.addi %scan3A_23, %scan3A_24 : i32
      %scan3A_26 = arith.constant 1 : i32
      %scan3A_27 = scf.for %scan3A_136 = %scan3A_23 to %scan3A_25 step %scan3A_26 iter_args(%scan3A_137 = %scan3A_22) -> (i32)  : i32 {
        %mul3A_138 = arith.constant 256 : i32
        %mul3A_139 = arith.muli %scan3A_136, %mul3A_138 : i32
        %add3A_140 = arith.constant 0 : i32
        %add3A_141 = arith.addi %mul3A_139, %add3A_140 : i32
        %get3A_142 = arith.index_cast %add3A_141 : i32 to index
        %get3A_143 = tpu.vector_load %arg5[%get3A_142] {strides = array<i32>} : memref<32768xf32, #tpu.memory_space<vmem>>, vector<16xf32>,
        %add3A_144 = arith.constant 16 : i32
        %add3A_145 = arith.addi %mul3A_139, %add3A_144 : i32
        %get3A_146 = arith.index_cast %add3A_145 : i32 to index
        %get3A_147 = tpu.vector_load %arg5[%get3A_146] {strides = array<i32>} : memref<32768xf32, #tpu.memory_space<vmem>>, vector<16xf32>,
        %add3A_148 = arith.constant 32 : i32
        %add3A_149 = arith.addi %mul3A_139, %add3A_148 : i32
        %get3A_150 = arith.index_cast %add3A_149 : i32 to index
        %get3A_151 = tpu.vector_load %arg5[%get3A_150] {strides = array<i32>} : memref<32768xf32, #tpu.memory_space<vmem>>, vector<16xf32>,
        %add3A_152 = arith.constant 48 : i32
        %add3A_153 = arith.addi %mul3A_139, %add3A_152 : i32
        %get3A_154 = arith.index_cast %add3A_153 : i32 to index
        %get3A_155 = tpu.vector_load %arg5[%get3A_154] {strides = array<i32>} : memref<32768xf32, #tpu.memory_space<vmem>>, vector<16xf32>,
        %add3A_156 = arith.constant 64 : i32
        %add3A_157 = arith.addi %mul3A_139, %add3A_156 : i32
        %get3A_158 = arith.index_cast %add3A_157 : i32 to index
        %get3A_159 = tpu.vector_load %arg5[%get3A_158] {strides = array<i32>} : memref<32768xf32, #tpu.memory_space<vmem>>, vector<16xf32>,
        %add3A_160 = arith.constant 80 : i32
        %add3A_161 = arith.addi %mul3A_139, %add3A_160 : i32
        %get3A_162 = arith.index_cast %add3A_161 : i32 to index
        %get3A_163 = tpu.vector_load %arg5[%get3A_162] {strides = array<i32>} : memref<32768xf32, #tpu.memory_space<vmem>>, vector<16xf32>,
        %add3A_164 = arith.constant 96 : i32
        %add3A_165 = arith.addi %mul3A_139, %add3A_164 : i32
        %get3A_166 = arith.index_cast %add3A_165 : i32 to index
        %get3A_167 = tpu.vector_load %arg5[%get3A_166] {strides = array<i32>} : memref<32768xf32, #tpu.memory_space<vmem>>, vector<16xf32>,
        %add3A_168 = arith.constant 112 : i32
        %add3A_169 = arith.addi %mul3A_139, %add3A_168 : i32
        %get3A_170 = arith.index_cast %add3A_169 : i32 to index
        %get3A_171 = tpu.vector_load %arg5[%get3A_170] {strides = array<i32>} : memref<32768xf32, #tpu.memory_space<vmem>>, vector<16xf32>,
        %add3A_172 = arith.constant 128 : i32
        %add3A_173 = arith.addi %mul3A_139, %add3A_172 : i32
        %get3A_174 = arith.index_cast %add3A_173 : i32 to index
        %get3A_175 = tpu.vector_load %arg5[%get3A_174] {strides = array<i32>} : memref<32768xf32, #tpu.memory_space<vmem>>, vector<16xf32>,
        %add3A_176 = arith.constant 144 : i32
        %add3A_177 = arith.addi %mul3A_139, %add3A_176 : i32
        %get3A_178 = arith.index_cast %add3A_177 : i32 to index
        %get3A_179 = tpu.vector_load %arg5[%get3A_178] {strides = array<i32>} : memref<32768xf32, #tpu.memory_space<vmem>>, vector<16xf32>,
        %add3A_180 = arith.constant 160 : i32
        %add3A_181 = arith.addi %mul3A_139, %add3A_180 : i32
        %get3A_182 = arith.index_cast %add3A_181 : i32 to index
        %get3A_183 = tpu.vector_load %arg5[%get3A_182] {strides = array<i32>} : memref<32768xf32, #tpu.memory_space<vmem>>, vector<16xf32>,
        %add3A_184 = arith.constant 176 : i32
        %add3A_185 = arith.addi %mul3A_139, %add3A_184 : i32
        %get3A_186 = arith.index_cast %add3A_185 : i32 to index
        %get3A_187 = tpu.vector_load %arg5[%get3A_186] {strides = array<i32>} : memref<32768xf32, #tpu.memory_space<vmem>>, vector<16xf32>,
        %add3A_188 = arith.constant 192 : i32
        %add3A_189 = arith.addi %mul3A_139, %add3A_188 : i32
        %get3A_190 = arith.index_cast %add3A_189 : i32 to index
        %get3A_191 = tpu.vector_load %arg5[%get3A_190] {strides = array<i32>} : memref<32768xf32, #tpu.memory_space<vmem>>, vector<16xf32>,
        %add3A_192 = arith.constant 208 : i32
        %add3A_193 = arith.addi %mul3A_139, %add3A_192 : i32
        %get3A_194 = arith.index_cast %add3A_193 : i32 to index
        %get3A_195 = tpu.vector_load %arg5[%get3A_194] {strides = array<i32>} : memref<32768xf32, #tpu.memory_space<vmem>>, vector<16xf32>,
        %add3A_196 = arith.constant 224 : i32
        %add3A_197 = arith.addi %mul3A_139, %add3A_196 : i32
        %get3A_198 = arith.index_cast %add3A_197 : i32 to index
        %get3A_199 = tpu.vector_load %arg5[%get3A_198] {strides = array<i32>} : memref<32768xf32, #tpu.memory_space<vmem>>, vector<16xf32>,
        %add3A_200 = arith.constant 240 : i32
        %add3A_201 = arith.addi %mul3A_139, %add3A_200 : i32
        %get3A_202 = arith.index_cast %add3A_201 : i32 to index
        %get3A_203 = tpu.vector_load %arg5[%get3A_202] {strides = array<i32>} : memref<32768xf32, #tpu.memory_space<vmem>>, vector<16xf32>,
        %max3A = arith.maximumf %get3A_143, %get3A_147 : vector<16xf32>
        %max3A_204 = arith.maximumf %get3A_151, %get3A_155 : vector<16xf32>
        %max3A_205 = arith.maximumf %get3A_159, %get3A_163 : vector<16xf32>
        %max3A_206 = arith.maximumf %get3A_167, %get3A_171 : vector<16xf32>
        %max3A_207 = arith.maximumf %get3A_175, %get3A_179 : vector<16xf32>
        %max3A_208 = arith.maximumf %get3A_183, %get3A_187 : vector<16xf32>
        %max3A_209 = arith.maximumf %get3A_191, %get3A_195 : vector<16xf32>
        %max3A_210 = arith.maximumf %get3A_199, %get3A_203 : vector<16xf32>
        %max3A_211 = arith.maximumf %max3A, %max3A_204 : vector<16xf32>
        %max3A_212 = arith.maximumf %max3A_205, %max3A_206 : vector<16xf32>
        %max3A_213 = arith.maximumf %max3A_207, %max3A_208 : vector<16xf32>
        %max3A_214 = arith.maximumf %max3A_209, %max3A_210 : vector<16xf32>
        %max3A_215 = arith.maximumf %max3A_211, %max3A_212 : vector<16xf32>
        %max3A_216 = arith.maximumf %max3A_213, %max3A_214 : vector<16xf32>
        %max3A_217 = arith.maximumf %max3A_215, %max3A_216 : vector<16xf32>
        %mul3A_218 = arith.constant 16 : i32
        %mul3A_219 = arith.muli %scan3A_136, %mul3A_218 : i32
        %swap3A_220 = arith.index_cast %mul3A_219 : i32 to index
        %swap3A_221 = tpu.vector_load %arg6[%swap3A_220] {strides = array<i32>} : memref<2048xf32, #tpu.memory_space<vmem>>, vector<16xf32>,
        tpu.vector_store %arg6[%swap3A_220], %max3A_217 {strides = array<i32>} : memref<2048xf32, #tpu.memory_space<vmem>>, vector<16xf32>,
        %scan3A_222 = arith.constant 0 : i32
        scf.yield %scan3A_222 : i32
      }
      %scan3A_28 = arith.constant 128 : i32
      %scan3A_29 = arith.constant 0 : i32
      %scan3A_30 = arith.constant 0 : i32
      %scan3A_31 = arith.constant 8 : i32
      %scan3A_32 = arith.addi %scan3A_30, %scan3A_31 : i32
      %scan3A_33 = arith.constant 1 : i32
      %scan3A_34 = scf.for %scan3A_136 = %scan3A_30 to %scan3A_32 step %scan3A_33 iter_args(%scan3A_137 = %scan3A_29) -> (i32)  : i32 {
        %mul3A_138 = arith.constant 256 : i32
        %mul3A_139 = arith.muli %scan3A_136, %mul3A_138 : i32
        %add3A_140 = arith.constant 0 : i32
        %add3A_141 = arith.addi %mul3A_139, %add3A_140 : i32
        %get3A_142 = arith.index_cast %add3A_141 : i32 to index
        %get3A_143 = tpu.vector_load %arg6[%get3A_142] {strides = array<i32>} : memref<2048xf32, #tpu.memory_space<vmem>>, vector<16xf32>,
        %add3A_144 = arith.constant 16 : i32
        %add3A_145 = arith.addi %mul3A_139, %add3A_144 : i32
        %get3A_146 = arith.index_cast %add3A_145 : i32 to index
        %get3A_147 = tpu.vector_load %arg6[%get3A_146] {strides = array<i32>} : memref<2048xf32, #tpu.memory_space<vmem>>, vector<16xf32>,
        %add3A_148 = arith.constant 32 : i32
        %add3A_149 = arith.addi %mul3A_139, %add3A_148 : i32
        %get3A_150 = arith.index_cast %add3A_149 : i32 to index
        %get3A_151 = tpu.vector_load %arg6[%get3A_150] {strides = array<i32>} : memref<2048xf32, #tpu.memory_space<vmem>>, vector<16xf32>,
        %add3A_152 = arith.constant 48 : i32
        %add3A_153 = arith.addi %mul3A_139, %add3A_152 : i32
        %get3A_154 = arith.index_cast %add3A_153 : i32 to index
        %get3A_155 = tpu.vector_load %arg6[%get3A_154] {strides = array<i32>} : memref<2048xf32, #tpu.memory_space<vmem>>, vector<16xf32>,
        %add3A_156 = arith.constant 64 : i32
        %add3A_157 = arith.addi %mul3A_139, %add3A_156 : i32
        %get3A_158 = arith.index_cast %add3A_157 : i32 to index
        %get3A_159 = tpu.vector_load %arg6[%get3A_158] {strides = array<i32>} : memref<2048xf32, #tpu.memory_space<vmem>>, vector<16xf32>,
        %add3A_160 = arith.constant 80 : i32
        %add3A_161 = arith.addi %mul3A_139, %add3A_160 : i32
        %get3A_162 = arith.index_cast %add3A_161 : i32 to index
        %get3A_163 = tpu.vector_load %arg6[%get3A_162] {strides = array<i32>} : memref<2048xf32, #tpu.memory_space<vmem>>, vector<16xf32>,
        %add3A_164 = arith.constant 96 : i32
        %add3A_165 = arith.addi %mul3A_139, %add3A_164 : i32
        %get3A_166 = arith.index_cast %add3A_165 : i32 to index
        %get3A_167 = tpu.vector_load %arg6[%get3A_166] {strides = array<i32>} : memref<2048xf32, #tpu.memory_space<vmem>>, vector<16xf32>,
        %add3A_168 = arith.constant 112 : i32
        %add3A_169 = arith.addi %mul3A_139, %add3A_168 : i32
        %get3A_170 = arith.index_cast %add3A_169 : i32 to index
        %get3A_171 = tpu.vector_load %arg6[%get3A_170] {strides = array<i32>} : memref<2048xf32, #tpu.memory_space<vmem>>, vector<16xf32>,
        %add3A_172 = arith.constant 128 : i32
        %add3A_173 = arith.addi %mul3A_139, %add3A_172 : i32
        %get3A_174 = arith.index_cast %add3A_173 : i32 to index
        %get3A_175 = tpu.vector_load %arg6[%get3A_174] {strides = array<i32>} : memref<2048xf32, #tpu.memory_space<vmem>>, vector<16xf32>,
        %add3A_176 = arith.constant 144 : i32
        %add3A_177 = arith.addi %mul3A_139, %add3A_176 : i32
        %get3A_178 = arith.index_cast %add3A_177 : i32 to index
        %get3A_179 = tpu.vector_load %arg6[%get3A_178] {strides = array<i32>} : memref<2048xf32, #tpu.memory_space<vmem>>, vector<16xf32>,
        %add3A_180 = arith.constant 160 : i32
        %add3A_181 = arith.addi %mul3A_139, %add3A_180 : i32
        %get3A_182 = arith.index_cast %add3A_181 : i32 to index
        %get3A_183 = tpu.vector_load %arg6[%get3A_182] {strides = array<i32>} : memref<2048xf32, #tpu.memory_space<vmem>>, vector<16xf32>,
        %add3A_184 = arith.constant 176 : i32
        %add3A_185 = arith.addi %mul3A_139, %add3A_184 : i32
        %get3A_186 = arith.index_cast %add3A_185 : i32 to index
        %get3A_187 = tpu.vector_load %arg6[%get3A_186] {strides = array<i32>} : memref<2048xf32, #tpu.memory_space<vmem>>, vector<16xf32>,
        %add3A_188 = arith.constant 192 : i32
        %add3A_189 = arith.addi %mul3A_139, %add3A_188 : i32
        %get3A_190 = arith.index_cast %add3A_189 : i32 to index
        %get3A_191 = tpu.vector_load %arg6[%get3A_190] {strides = array<i32>} : memref<2048xf32, #tpu.memory_space<vmem>>, vector<16xf32>,
        %add3A_192 = arith.constant 208 : i32
        %add3A_193 = arith.addi %mul3A_139, %add3A_192 : i32
        %get3A_194 = arith.index_cast %add3A_193 : i32 to index
        %get3A_195 = tpu.vector_load %arg6[%get3A_194] {strides = array<i32>} : memref<2048xf32, #tpu.memory_space<vmem>>, vector<16xf32>,
        %add3A_196 = arith.constant 224 : i32
        %add3A_197 = arith.addi %mul3A_139, %add3A_196 : i32
        %get3A_198 = arith.index_cast %add3A_197 : i32 to index
        %get3A_199 = tpu.vector_load %arg6[%get3A_198] {strides = array<i32>} : memref<2048xf32, #tpu.memory_space<vmem>>, vector<16xf32>,
        %add3A_200 = arith.constant 240 : i32
        %add3A_201 = arith.addi %mul3A_139, %add3A_200 : i32
        %get3A_202 = arith.index_cast %add3A_201 : i32 to index
        %get3A_203 = tpu.vector_load %arg6[%get3A_202] {strides = array<i32>} : memref<2048xf32, #tpu.memory_space<vmem>>, vector<16xf32>,
        %max3A = arith.maximumf %get3A_143, %get3A_147 : vector<16xf32>
        %max3A_204 = arith.maximumf %get3A_151, %get3A_155 : vector<16xf32>
        %max3A_205 = arith.maximumf %get3A_159, %get3A_163 : vector<16xf32>
        %max3A_206 = arith.maximumf %get3A_167, %get3A_171 : vector<16xf32>
        %max3A_207 = arith.maximumf %get3A_175, %get3A_179 : vector<16xf32>
        %max3A_208 = arith.maximumf %get3A_183, %get3A_187 : vector<16xf32>
        %max3A_209 = arith.maximumf %get3A_191, %get3A_195 : vector<16xf32>
        %max3A_210 = arith.maximumf %get3A_199, %get3A_203 : vector<16xf32>
        %max3A_211 = arith.maximumf %max3A, %max3A_204 : vector<16xf32>
        %max3A_212 = arith.maximumf %max3A_205, %max3A_206 : vector<16xf32>
        %max3A_213 = arith.maximumf %max3A_207, %max3A_208 : vector<16xf32>
        %max3A_214 = arith.maximumf %max3A_209, %max3A_210 : vector<16xf32>
        %max3A_215 = arith.maximumf %max3A_211, %max3A_212 : vector<16xf32>
        %max3A_216 = arith.maximumf %max3A_213, %max3A_214 : vector<16xf32>
        %max3A_217 = arith.maximumf %max3A_215, %max3A_216 : vector<16xf32>
        %mul3A_218 = arith.constant 16 : i32
        %mul3A_219 = arith.muli %scan3A_136, %mul3A_218 : i32
        %swap3A_220 = arith.index_cast %mul3A_219 : i32 to index
        %swap3A_221 = tpu.vector_load %arg7[%swap3A_220] {strides = array<i32>} : memref<128xf32, #tpu.memory_space<vmem>>, vector<16xf32>,
        tpu.vector_store %arg7[%swap3A_220], %max3A_217 {strides = array<i32>} : memref<128xf32, #tpu.memory_space<vmem>>, vector<16xf32>,
        %scan3A_222 = arith.constant 0 : i32
        scf.yield %scan3A_222 : i32
      }
      %scan3A_35 = arith.constant 8 : i32
      %get3A = arith.constant 0 : index
      %get3A_36 = tpu.vector_load %arg7[%get3A] {strides = array<i32>} : memref<128xf32, #tpu.memory_space<vmem>>, vector<16xf32>,
      %sort3A = arith.constant dense<true> : vector<16xi1>
      %sort3A_37, %sort3A_38, %sort3A_39 = tpu.sort %get3A_36, %get3A_36 masked %sort3A : (vector<16xf32>, vector<16xf32>, vector<16xi1>) -> (vector<16xi1>, vector<16xf32>, vector<16xf32>)
      %get3A_40 = arith.constant 16 : index
      %get3A_41 = tpu.vector_load %arg7[%get3A_40] {strides = array<i32>} : memref<128xf32, #tpu.memory_space<vmem>>, vector<16xf32>,
      %sort3A_42 = arith.constant dense<true> : vector<16xi1>
      %sort3A_43, %sort3A_44, %sort3A_45 = tpu.sort %get3A_41, %get3A_41 masked %sort3A_42 : (vector<16xf32>, vector<16xf32>, vector<16xi1>) -> (vector<16xi1>, vector<16xf32>, vector<16xf32>)
      %min3A = arith.minimumf %sort3A_38, %sort3A_44 : vector<16xf32>
      %get3A_46 = arith.constant 32 : index
      %get3A_47 = tpu.vector_load %arg7[%get3A_46] {strides = array<i32>} : memref<128xf32, #tpu.memory_space<vmem>>, vector<16xf32>,
      %sort3A_48 = arith.constant dense<true> : vector<16xi1>
      %sort3A_49, %sort3A_50, %sort3A_51 = tpu.sort %get3A_47, %get3A_47 masked %sort3A_48 : (vector<16xf32>, vector<16xf32>, vector<16xi1>) -> (vector<16xi1>, vector<16xf32>, vector<16xf32>)
      %min3A_52 = arith.minimumf %min3A, %sort3A_50 : vector<16xf32>
      %get3A_53 = arith.constant 48 : index
      %get3A_54 = tpu.vector_load %arg7[%get3A_53] {strides = array<i32>} : memref<128xf32, #tpu.memory_space<vmem>>, vector<16xf32>,
      %sort3A_55 = arith.constant dense<true> : vector<16xi1>
      %sort3A_56, %sort3A_57, %sort3A_58 = tpu.sort %get3A_54, %get3A_54 masked %sort3A_55 : (vector<16xf32>, vector<16xf32>, vector<16xi1>) -> (vector<16xi1>, vector<16xf32>, vector<16xf32>)
      %min3A_59 = arith.minimumf %min3A_52, %sort3A_57 : vector<16xf32>
      %get3A_60 = arith.constant 64 : index
      %get3A_61 = tpu.vector_load %arg7[%get3A_60] {strides = array<i32>} : memref<128xf32, #tpu.memory_space<vmem>>, vector<16xf32>,
      %sort3A_62 = arith.constant dense<true> : vector<16xi1>
      %sort3A_63, %sort3A_64, %sort3A_65 = tpu.sort %get3A_61, %get3A_61 masked %sort3A_62 : (vector<16xf32>, vector<16xf32>, vector<16xi1>) -> (vector<16xi1>, vector<16xf32>, vector<16xf32>)
      %min3A_66 = arith.minimumf %min3A_59, %sort3A_64 : vector<16xf32>
      %get3A_67 = arith.constant 80 : index
      %get3A_68 = tpu.vector_load %arg7[%get3A_67] {strides = array<i32>} : memref<128xf32, #tpu.memory_space<vmem>>, vector<16xf32>,
      %sort3A_69 = arith.constant dense<true> : vector<16xi1>
      %sort3A_70, %sort3A_71, %sort3A_72 = tpu.sort %get3A_68, %get3A_68 masked %sort3A_69 : (vector<16xf32>, vector<16xf32>, vector<16xi1>) -> (vector<16xi1>, vector<16xf32>, vector<16xf32>)
      %min3A_73 = arith.minimumf %min3A_66, %sort3A_71 : vector<16xf32>
      %get3A_74 = arith.constant 96 : index
      %get3A_75 = tpu.vector_load %arg7[%get3A_74] {strides = array<i32>} : memref<128xf32, #tpu.memory_space<vmem>>, vector<16xf32>,
      %sort3A_76 = arith.constant dense<true> : vector<16xi1>
      %sort3A_77, %sort3A_78, %sort3A_79 = tpu.sort %get3A_75, %get3A_75 masked %sort3A_76 : (vector<16xf32>, vector<16xf32>, vector<16xi1>) -> (vector<16xi1>, vector<16xf32>, vector<16xf32>)
      %min3A_80 = arith.minimumf %min3A_73, %sort3A_78 : vector<16xf32>
      %get3A_81 = arith.constant 112 : index
      %get3A_82 = tpu.vector_load %arg7[%get3A_81] {strides = array<i32>} : memref<128xf32, #tpu.memory_space<vmem>>, vector<16xf32>,
      %sort3A_83 = arith.constant dense<true> : vector<16xi1>
      %sort3A_84, %sort3A_85, %sort3A_86 = tpu.sort %get3A_82, %get3A_82 masked %sort3A_83 : (vector<16xf32>, vector<16xf32>, vector<16xi1>) -> (vector<16xi1>, vector<16xf32>, vector<16xf32>)
      %min3A_87 = arith.minimumf %min3A_80, %sort3A_85 : vector<16xf32>
      %slice3A = vector.extract_strided_slice %min3A_87 {offsets = [8], sizes = [1], strides = [1]} : vector<16xf32> to vector<1xf32>
      %squeeze3A = vector.extract %slice3A[0] : f32 from vector<1xf32>
      %swap3A_88 = arith.constant 0 : i32
      %swap3A_89 = arith.index_cast %swap3A_88 : i32 to index
      %swap3A_90 = memref.load %arg12[%swap3A_89] : memref<1xf32, #tpu.memory_space<smem>>
      memref.store %squeeze3A, %arg12[%swap3A_89] : memref<1xf32, #tpu.memory_space<smem>>
      %scan3A_91 = arith.constant 0 : i32
      %scan3A_92 = arith.constant 0 : i32
      %scan3A_93 = arith.constant 64 : i32
      %scan3A_94 = arith.addi %scan3A_92, %scan3A_93 : i32
      %scan3A_95 = arith.constant 1 : i32
      %scan3A_96 = scf.for %scan3A_136 = %scan3A_92 to %scan3A_94 step %scan3A_95 iter_args(%scan3A_137 = %scan3A_91) -> (i32)  : i32 {
        %get3A_138 = arith.constant 0 : i32
        %get3A_139 = arith.index_cast %get3A_138 : i32 to index
        %get3A_140 = memref.load %arg12[%get3A_139] : memref<1xf32, #tpu.memory_space<smem>>
        %broadcast_in_dim3A = arith.constant 0 : i32
        %broadcast_in_dim3A_141 = vector.broadcast %broadcast_in_dim3A : i32 to vector<16xi32>
        %get3A_142 = arith.constant 0 : i32
        %get3A_143 = arith.index_cast %get3A_142 : i32 to index
        %get3A_144 = memref.load %arg13[%get3A_143] : memref<1xi32, #tpu.memory_space<smem>>
        %add3A_145 = vector.broadcast %get3A_144 : i32 to vector<16xi32>
        %add3A_146 = arith.addi %broadcast_in_dim3A_141, %add3A_145 : vector<16xi32>
        %mul3A_147 = arith.constant 512 : i32
        %mul3A_148 = arith.muli %scan3A_136, %mul3A_147 : i32
        %add3A_149 = arith.constant 0 : i32
        %add3A_150 = arith.addi %mul3A_148, %add3A_149 : i32
        %get3A_151 = arith.index_cast %add3A_150 : i32 to index
        %get3A_152 = tpu.vector_load %arg5[%get3A_151] {strides = array<i32>} : memref<32768xf32, #tpu.memory_space<vmem>>, vector<16xf32>,
        %ge3A_153 = vector.broadcast %get3A_140 : f32 to vector<16xf32>
        %ge3A_154 = arith.cmpf oge, %get3A_152, %ge3A_153 : vector<16xf32>
        %convert_element_type3A_155 = arith.extui %ge3A_154 : vector<16xi1> to vector<16xi32>
        %broadcast_in_dim3A_156 = arith.constant true
        %broadcast_in_dim3A_157 = vector.broadcast %broadcast_in_dim3A_156 : i1 to vector<16xi1>
        %masked_cumsum3A = tpu.scan <sum>, %convert_element_type3A_155 masked %broadcast_in_dim3A_157 : vector<16xi32>, vector<16xi1> -> vector<16xi32>
        %add3A_158 = arith.addi %add3A_146, %masked_cumsum3A : vector<16xi32>
        %sub3A_159 = arith.constant 1 : i32
        %sub3A_160 = vector.broadcast %sub3A_159 : i32 to vector<16xi32>
        %sub3A_161 = arith.subi %add3A_158, %sub3A_160 : vector<16xi32>
        %max3A = arith.constant 0 : i32
        %max3A_162 = vector.broadcast %max3A : i32 to vector<16xi32>
        %max3A_163 = arith.maxsi %sub3A_161, %max3A_162 : vector<16xi32>
        tpu.vector_store_idx %arg8[%max3A_163], %get3A_152 masked %ge3A_154 : memref<800xf32, #tpu.memory_space<vmem>>[vector<16xi32>], vector<16xf32>, vector<16xi1>
        %add3A_164 = vector.broadcast %add3A_150 : i32 to vector<16xi32>
        %add3A_165 = arith.addi %add3A_164, %iota3A : vector<16xi32>
        tpu.vector_store_idx %arg9[%max3A_163], %add3A_165 masked %ge3A_154 : memref<800xi32, #tpu.memory_space<vmem>>[vector<16xi32>], vector<16xi32>, vector<16xi1>
        %all_reduce_population_count3A = tpu.all_reduce %ge3A_154 {dim = 0 : i64, kind = #tpu.reduction_kind<sum>} : vector<16xi1> -> vector<16xi32>
        %add3A_166 = arith.addi %add3A_146, %all_reduce_population_count3A : vector<16xi32>
        %add3A_167 = arith.constant 16 : i32
        %add3A_168 = arith.addi %mul3A_148, %add3A_167 : i32
        %get3A_169 = arith.index_cast %add3A_168 : i32 to index
        %get3A_170 = tpu.vector_load %arg5[%get3A_169] {strides = array<i32>} : memref<32768xf32, #tpu.memory_space<vmem>>, vector<16xf32>,
        %ge3A_171 = vector.broadcast %get3A_140 : f32 to vector<16xf32>
        %ge3A_172 = arith.cmpf oge, %get3A_170, %ge3A_171 : vector<16xf32>
        %convert_element_type3A_173 = arith.extui %ge3A_172 : vector<16xi1> to vector<16xi32>
        %broadcast_in_dim3A_174 = arith.constant true
        %broadcast_in_dim3A_175 = vector.broadcast %broadcast_in_dim3A_174 : i1 to vector<16xi1>
        %masked_cumsum3A_176 = tpu.scan <sum>, %convert_element_type3A_173 masked %broadcast_in_dim3A_175 : vector<16xi32>, vector<16xi1> -> vector<16xi32>
        %add3A_177 = arith.addi %add3A_166, %masked_cumsum3A_176 : vector<16xi32>
        %sub3A_178 = arith.constant 1 : i32
        %sub3A_179 = vector.broadcast %sub3A_178 : i32 to vector<16xi32>
        %sub3A_180 = arith.subi %add3A_177, %sub3A_179 : vector<16xi32>
        %max3A_181 = arith.constant 0 : i32
        %max3A_182 = vector.broadcast %max3A_181 : i32 to vector<16xi32>
        %max3A_183 = arith.maxsi %sub3A_180, %max3A_182 : vector<16xi32>
        tpu.vector_store_idx %arg8[%max3A_183], %get3A_170 masked %ge3A_172 : memref<800xf32, #tpu.memory_space<vmem>>[vector<16xi32>], vector<16xf32>, vector<16xi1>
        %add3A_184 = vector.broadcast %add3A_168 : i32 to vector<16xi32>
        %add3A_185 = arith.addi %add3A_184, %iota3A : vector<16xi32>
        tpu.vector_store_idx %arg9[%max3A_183], %add3A_185 masked %ge3A_172 : memref<800xi32, #tpu.memory_space<vmem>>[vector<16xi32>], vector<16xi32>, vector<16xi1>
        %all_reduce_population_count3A_186 = tpu.all_reduce %ge3A_172 {dim = 0 : i64, kind = #tpu.reduction_kind<sum>} : vector<16xi1> -> vector<16xi32>
        %add3A_187 = arith.addi %add3A_166, %all_reduce_population_count3A_186 : vector<16xi32>
        %add3A_188 = arith.constant 32 : i32
        %add3A_189 = arith.addi %mul3A_148, %add3A_188 : i32
        %get3A_190 = arith.index_cast %add3A_189 : i32 to index
        %get3A_191 = tpu.vector_load %arg5[%get3A_190] {strides = array<i32>} : memref<32768xf32, #tpu.memory_space<vmem>>, vector<16xf32>,
        %ge3A_192 = vector.broadcast %get3A_140 : f32 to vector<16xf32>
        %ge3A_193 = arith.cmpf oge, %get3A_191, %ge3A_192 : vector<16xf32>
        %convert_element_type3A_194 = arith.extui %ge3A_193 : vector<16xi1> to vector<16xi32>
        %broadcast_in_dim3A_195 = arith.constant true
        %broadcast_in_dim3A_196 = vector.broadcast %broadcast_in_dim3A_195 : i1 to vector<16xi1>
        %masked_cumsum3A_197 = tpu.scan <sum>, %convert_element_type3A_194 masked %broadcast_in_dim3A_196 : vector<16xi32>, vector<16xi1> -> vector<16xi32>
        %add3A_198 = arith.addi %add3A_187, %masked_cumsum3A_197 : vector<16xi32>
        %sub3A_199 = arith.constant 1 : i32
        %sub3A_200 = vector.broadcast %sub3A_199 : i32 to vector<16xi32>
        %sub3A_201 = arith.subi %add3A_198, %sub3A_200 : vector<16xi32>
        %max3A_202 = arith.constant 0 : i32
        %max3A_203 = vector.broadcast %max3A_202 : i32 to vector<16xi32>
        %max3A_204 = arith.maxsi %sub3A_201, %max3A_203 : vector<16xi32>
        tpu.vector_store_idx %arg8[%max3A_204], %get3A_191 masked %ge3A_193 : memref<800xf32, #tpu.memory_space<vmem>>[vector<16xi32>], vector<16xf32>, vector<16xi1>
        %add3A_205 = vector.broadcast %add3A_189 : i32 to vector<16xi32>
        %add3A_206 = arith.addi %add3A_205, %iota3A : vector<16xi32>
        tpu.vector_store_idx %arg9[%max3A_204], %add3A_206 masked %ge3A_193 : memref<800xi32, #tpu.memory_space<vmem>>[vector<16xi32>], vector<16xi32>, vector<16xi1>
        %all_reduce_population_count3A_207 = tpu.all_reduce %ge3A_193 {dim = 0 : i64, kind = #tpu.reduction_kind<sum>} : vector<16xi1> -> vector<16xi32>
        %add3A_208 = arith.addi %add3A_187, %all_reduce_population_count3A_207 : vector<16xi32>
        %add3A_209 = arith.constant 48 : i32
        %add3A_210 = arith.addi %mul3A_148, %add3A_209 : i32
        %get3A_211 = arith.index_cast %add3A_210 : i32 to index
        %get3A_212 = tpu.vector_load %arg5[%get3A_211] {strides = array<i32>} : memref<32768xf32, #tpu.memory_space<vmem>>, vector<16xf32>,
        %ge3A_213 = vector.broadcast %get3A_140 : f32 to vector<16xf32>
        %ge3A_214 = arith.cmpf oge, %get3A_212, %ge3A_213 : vector<16xf32>
        %convert_element_type3A_215 = arith.extui %ge3A_214 : vector<16xi1> to vector<16xi32>
        %broadcast_in_dim3A_216 = arith.constant true
        %broadcast_in_dim3A_217 = vector.broadcast %broadcast_in_dim3A_216 : i1 to vector<16xi1>
        %masked_cumsum3A_218 = tpu.scan <sum>, %convert_element_type3A_215 masked %broadcast_in_dim3A_217 : vector<16xi32>, vector<16xi1> -> vector<16xi32>
        %add3A_219 = arith.addi %add3A_208, %masked_cumsum3A_218 : vector<16xi32>
        %sub3A_220 = arith.constant 1 : i32
        %sub3A_221 = vector.broadcast %sub3A_220 : i32 to vector<16xi32>
        %sub3A_222 = arith.subi %add3A_219, %sub3A_221 : vector<16xi32>
        %max3A_223 = arith.constant 0 : i32
        %max3A_224 = vector.broadcast %max3A_223 : i32 to vector<16xi32>
        %max3A_225 = arith.maxsi %sub3A_222, %max3A_224 : vector<16xi32>
        tpu.vector_store_idx %arg8[%max3A_225], %get3A_212 masked %ge3A_214 : memref<800xf32, #tpu.memory_space<vmem>>[vector<16xi32>], vector<16xf32>, vector<16xi1>
        %add3A_226 = vector.broadcast %add3A_210 : i32 to vector<16xi32>
        %add3A_227 = arith.addi %add3A_226, %iota3A : vector<16xi32>
        tpu.vector_store_idx %arg9[%max3A_225], %add3A_227 masked %ge3A_214 : memref<800xi32, #tpu.memory_space<vmem>>[vector<16xi32>], vector<16xi32>, vector<16xi1>
        %all_reduce_population_count3A_228 = tpu.all_reduce %ge3A_214 {dim = 0 : i64, kind = #tpu.reduction_kind<sum>} : vector<16xi1> -> vector<16xi32>
        %add3A_229 = arith.addi %add3A_208, %all_reduce_population_count3A_228 : vector<16xi32>
        %add3A_230 = arith.constant 64 : i32
        %add3A_231 = arith.addi %mul3A_148, %add3A_230 : i32
        %get3A_232 = arith.index_cast %add3A_231 : i32 to index
        %get3A_233 = tpu.vector_load %arg5[%get3A_232] {strides = array<i32>} : memref<32768xf32, #tpu.memory_space<vmem>>, vector<16xf32>,
        %ge3A_234 = vector.broadcast %get3A_140 : f32 to vector<16xf32>
        %ge3A_235 = arith.cmpf oge, %get3A_233, %ge3A_234 : vector<16xf32>
        %convert_element_type3A_236 = arith.extui %ge3A_235 : vector<16xi1> to vector<16xi32>
        %broadcast_in_dim3A_237 = arith.constant true
        %broadcast_in_dim3A_238 = vector.broadcast %broadcast_in_dim3A_237 : i1 to vector<16xi1>
        %masked_cumsum3A_239 = tpu.scan <sum>, %convert_element_type3A_236 masked %broadcast_in_dim3A_238 : vector<16xi32>, vector<16xi1> -> vector<16xi32>
        %add3A_240 = arith.addi %add3A_229, %masked_cumsum3A_239 : vector<16xi32>
        %sub3A_241 = arith.constant 1 : i32
        %sub3A_242 = vector.broadcast %sub3A_241 : i32 to vector<16xi32>
        %sub3A_243 = arith.subi %add3A_240, %sub3A_242 : vector<16xi32>
        %max3A_244 = arith.constant 0 : i32
        %max3A_245 = vector.broadcast %max3A_244 : i32 to vector<16xi32>
        %max3A_246 = arith.maxsi %sub3A_243, %max3A_245 : vector<16xi32>
        tpu.vector_store_idx %arg8[%max3A_246], %get3A_233 masked %ge3A_235 : memref<800xf32, #tpu.memory_space<vmem>>[vector<16xi32>], vector<16xf32>, vector<16xi1>
        %add3A_247 = vector.broadcast %add3A_231 : i32 to vector<16xi32>
        %add3A_248 = arith.addi %add3A_247, %iota3A : vector<16xi32>
        tpu.vector_store_idx %arg9[%max3A_246], %add3A_248 masked %ge3A_235 : memref<800xi32, #tpu.memory_space<vmem>>[vector<16xi32>], vector<16xi32>, vector<16xi1>
        %all_reduce_population_count3A_249 = tpu.all_reduce %ge3A_235 {dim = 0 : i64, kind = #tpu.reduction_kind<sum>} : vector<16xi1> -> vector<16xi32>
        %add3A_250 = arith.addi %add3A_229, %all_reduce_population_count3A_249 : vector<16xi32>
        %add3A_251 = arith.constant 80 : i32
        %add3A_252 = arith.addi %mul3A_148, %add3A_251 : i32
        %get3A_253 = arith.index_cast %add3A_252 : i32 to index
        %get3A_254 = tpu.vector_load %arg5[%get3A_253] {strides = array<i32>} : memref<32768xf32, #tpu.memory_space<vmem>>, vector<16xf32>,
        %ge3A_255 = vector.broadcast %get3A_140 : f32 to vector<16xf32>
        %ge3A_256 = arith.cmpf oge, %get3A_254, %ge3A_255 : vector<16xf32>
        %convert_element_type3A_257 = arith.extui %ge3A_256 : vector<16xi1> to vector<16xi32>
        %broadcast_in_dim3A_258 = arith.constant true
        %broadcast_in_dim3A_259 = vector.broadcast %broadcast_in_dim3A_258 : i1 to vector<16xi1>
        %masked_cumsum3A_260 = tpu.scan <sum>, %convert_element_type3A_257 masked %broadcast_in_dim3A_259 : vector<16xi32>, vector<16xi1> -> vector<16xi32>
        %add3A_261 = arith.addi %add3A_250, %masked_cumsum3A_260 : vector<16xi32>
        %sub3A_262 = arith.constant 1 : i32
        %sub3A_263 = vector.broadcast %sub3A_262 : i32 to vector<16xi32>
        %sub3A_264 = arith.subi %add3A_261, %sub3A_263 : vector<16xi32>
        %max3A_265 = arith.constant 0 : i32
        %max3A_266 = vector.broadcast %max3A_265 : i32 to vector<16xi32>
        %max3A_267 = arith.maxsi %sub3A_264, %max3A_266 : vector<16xi32>
        tpu.vector_store_idx %arg8[%max3A_267], %get3A_254 masked %ge3A_256 : memref<800xf32, #tpu.memory_space<vmem>>[vector<16xi32>], vector<16xf32>, vector<16xi1>
        %add3A_268 = vector.broadcast %add3A_252 : i32 to vector<16xi32>
        %add3A_269 = arith.addi %add3A_268, %iota3A : vector<16xi32>
        tpu.vector_store_idx %arg9[%max3A_267], %add3A_269 masked %ge3A_256 : memref<800xi32, #tpu.memory_space<vmem>>[vector<16xi32>], vector<16xi32>, vector<16xi1>
        %all_reduce_population_count3A_270 = tpu.all_reduce %ge3A_256 {dim = 0 : i64, kind = #tpu.reduction_kind<sum>} : vector<16xi1> -> vector<16xi32>
        %add3A_271 = arith.addi %add3A_250, %all_reduce_population_count3A_270 : vector<16xi32>
        %add3A_272 = arith.constant 96 : i32
        %add3A_273 = arith.addi %mul3A_148, %add3A_272 : i32
        %get3A_274 = arith.index_cast %add3A_273 : i32 to index
        %get3A_275 = tpu.vector_load %arg5[%get3A_274] {strides = array<i32>} : memref<32768xf32, #tpu.memory_space<vmem>>, vector<16xf32>,
        %ge3A_276 = vector.broadcast %get3A_140 : f32 to vector<16xf32>
        %ge3A_277 = arith.cmpf oge, %get3A_275, %ge3A_276 : vector<16xf32>
        %convert_element_type3A_278 = arith.extui %ge3A_277 : vector<16xi1> to vector<16xi32>
        %broadcast_in_dim3A_279 = arith.constant true
        %broadcast_in_dim3A_280 = vector.broadcast %broadcast_in_dim3A_279 : i1 to vector<16xi1>
        %masked_cumsum3A_281 = tpu.scan <sum>, %convert_element_type3A_278 masked %broadcast_in_dim3A_280 : vector<16xi32>, vector<16xi1> -> vector<16xi32>
        %add3A_282 = arith.addi %add3A_271, %masked_cumsum3A_281 : vector<16xi32>
        %sub3A_283 = arith.constant 1 : i32
        %sub3A_284 = vector.broadcast %sub3A_283 : i32 to vector<16xi32>
        %sub3A_285 = arith.subi %add3A_282, %sub3A_284 : vector<16xi32>
        %max3A_286 = arith.constant 0 : i32
        %max3A_287 = vector.broadcast %max3A_286 : i32 to vector<16xi32>
        %max3A_288 = arith.maxsi %sub3A_285, %max3A_287 : vector<16xi32>
        tpu.vector_store_idx %arg8[%max3A_288], %get3A_275 masked %ge3A_277 : memref<800xf32, #tpu.memory_space<vmem>>[vector<16xi32>], vector<16xf32>, vector<16xi1>
        %add3A_289 = vector.broadcast %add3A_273 : i32 to vector<16xi32>
        %add3A_290 = arith.addi %add3A_289, %iota3A : vector<16xi32>
        tpu.vector_store_idx %arg9[%max3A_288], %add3A_290 masked %ge3A_277 : memref<800xi32, #tpu.memory_space<vmem>>[vector<16xi32>], vector<16xi32>, vector<16xi1>
        %all_reduce_population_count3A_291 = tpu.all_reduce %ge3A_277 {dim = 0 : i64, kind = #tpu.reduction_kind<sum>} : vector<16xi1> -> vector<16xi32>
        %add3A_292 = arith.addi %add3A_271, %all_reduce_population_count3A_291 : vector<16xi32>
        %add3A_293 = arith.constant 112 : i32
        %add3A_294 = arith.addi %mul3A_148, %add3A_293 : i32
        %get3A_295 = arith.index_cast %add3A_294 : i32 to index
        %get3A_296 = tpu.vector_load %arg5[%get3A_295] {strides = array<i32>} : memref<32768xf32, #tpu.memory_space<vmem>>, vector<16xf32>,
        %ge3A_297 = vector.broadcast %get3A_140 : f32 to vector<16xf32>
        %ge3A_298 = arith.cmpf oge, %get3A_296, %ge3A_297 : vector<16xf32>
        %convert_element_type3A_299 = arith.extui %ge3A_298 : vector<16xi1> to vector<16xi32>
        %broadcast_in_dim3A_300 = arith.constant true
        %broadcast_in_dim3A_301 = vector.broadcast %broadcast_in_dim3A_300 : i1 to vector<16xi1>
        %masked_cumsum3A_302 = tpu.scan <sum>, %convert_element_type3A_299 masked %broadcast_in_dim3A_301 : vector<16xi32>, vector<16xi1> -> vector<16xi32>
        %add3A_303 = arith.addi %add3A_292, %masked_cumsum3A_302 : vector<16xi32>
        %sub3A_304 = arith.constant 1 : i32
        %sub3A_305 = vector.broadcast %sub3A_304 : i32 to vector<16xi32>
        %sub3A_306 = arith.subi %add3A_303, %sub3A_305 : vector<16xi32>
        %max3A_307 = arith.constant 0 : i32
        %max3A_308 = vector.broadcast %max3A_307 : i32 to vector<16xi32>
        %max3A_309 = arith.maxsi %sub3A_306, %max3A_308 : vector<16xi32>
        tpu.vector_store_idx %arg8[%max3A_309], %get3A_296 masked %ge3A_298 : memref<800xf32, #tpu.memory_space<vmem>>[vector<16xi32>], vector<16xf32>, vector<16xi1>
        %add3A_310 = vector.broadcast %add3A_294 : i32 to vector<16xi32>
        %add3A_311 = arith.addi %add3A_310, %iota3A : vector<16xi32>
        tpu.vector_store_idx %arg9[%max3A_309], %add3A_311 masked %ge3A_298 : memref<800xi32, #tpu.memory_space<vmem>>[vector<16xi32>], vector<16xi32>, vector<16xi1>
        %all_reduce_population_count3A_312 = tpu.all_reduce %ge3A_298 {dim = 0 : i64, kind = #tpu.reduction_kind<sum>} : vector<16xi1> -> vector<16xi32>
        %add3A_313 = arith.addi %add3A_292, %all_reduce_population_count3A_312 : vector<16xi32>
        %add3A_314 = arith.constant 128 : i32
        %add3A_315 = arith.addi %mul3A_148, %add3A_314 : i32
        %get3A_316 = arith.index_cast %add3A_315 : i32 to index
        %get3A_317 = tpu.vector_load %arg5[%get3A_316] {strides = array<i32>} : memref<32768xf32, #tpu.memory_space<vmem>>, vector<16xf32>,
        %ge3A_318 = vector.broadcast %get3A_140 : f32 to vector<16xf32>
        %ge3A_319 = arith.cmpf oge, %get3A_317, %ge3A_318 : vector<16xf32>
        %convert_element_type3A_320 = arith.extui %ge3A_319 : vector<16xi1> to vector<16xi32>
        %broadcast_in_dim3A_321 = arith.constant true
        %broadcast_in_dim3A_322 = vector.broadcast %broadcast_in_dim3A_321 : i1 to vector<16xi1>
        %masked_cumsum3A_323 = tpu.scan <sum>, %convert_element_type3A_320 masked %broadcast_in_dim3A_322 : vector<16xi32>, vector<16xi1> -> vector<16xi32>
        %add3A_324 = arith.addi %add3A_313, %masked_cumsum3A_323 : vector<16xi32>
        %sub3A_325 = arith.constant 1 : i32
        %sub3A_326 = vector.broadcast %sub3A_325 : i32 to vector<16xi32>
        %sub3A_327 = arith.subi %add3A_324, %sub3A_326 : vector<16xi32>
        %max3A_328 = arith.constant 0 : i32
        %max3A_329 = vector.broadcast %max3A_328 : i32 to vector<16xi32>
        %max3A_330 = arith.maxsi %sub3A_327, %max3A_329 : vector<16xi32>
        tpu.vector_store_idx %arg8[%max3A_330], %get3A_317 masked %ge3A_319 : memref<800xf32, #tpu.memory_space<vmem>>[vector<16xi32>], vector<16xf32>, vector<16xi1>
        %add3A_331 = vector.broadcast %add3A_315 : i32 to vector<16xi32>
        %add3A_332 = arith.addi %add3A_331, %iota3A : vector<16xi32>
        tpu.vector_store_idx %arg9[%max3A_330], %add3A_332 masked %ge3A_319 : memref<800xi32, #tpu.memory_space<vmem>>[vector<16xi32>], vector<16xi32>, vector<16xi1>
        %all_reduce_population_count3A_333 = tpu.all_reduce %ge3A_319 {dim = 0 : i64, kind = #tpu.reduction_kind<sum>} : vector<16xi1> -> vector<16xi32>
        %add3A_334 = arith.addi %add3A_313, %all_reduce_population_count3A_333 : vector<16xi32>
        %add3A_335 = arith.constant 144 : i32
        %add3A_336 = arith.addi %mul3A_148, %add3A_335 : i32
        %get3A_337 = arith.index_cast %add3A_336 : i32 to index
        %get3A_338 = tpu.vector_load %arg5[%get3A_337] {strides = array<i32>} : memref<32768xf32, #tpu.memory_space<vmem>>, vector<16xf32>,
        %ge3A_339 = vector.broadcast %get3A_140 : f32 to vector<16xf32>
        %ge3A_340 = arith.cmpf oge, %get3A_338, %ge3A_339 : vector<16xf32>
        %convert_element_type3A_341 = arith.extui %ge3A_340 : vector<16xi1> to vector<16xi32>
        %broadcast_in_dim3A_342 = arith.constant true
        %broadcast_in_dim3A_343 = vector.broadcast %broadcast_in_dim3A_342 : i1 to vector<16xi1>
        %masked_cumsum3A_344 = tpu.scan <sum>, %convert_element_type3A_341 masked %broadcast_in_dim3A_343 : vector<16xi32>, vector<16xi1> -> vector<16xi32>
        %add3A_345 = arith.addi %add3A_334, %masked_cumsum3A_344 : vector<16xi32>
        %sub3A_346 = arith.constant 1 : i32
        %sub3A_347 = vector.broadcast %sub3A_346 : i32 to vector<16xi32>
        %sub3A_348 = arith.subi %add3A_345, %sub3A_347 : vector<16xi32>
        %max3A_349 = arith.constant 0 : i32
        %max3A_350 = vector.broadcast %max3A_349 : i32 to vector<16xi32>
        %max3A_351 = arith.maxsi %sub3A_348, %max3A_350 : vector<16xi32>
        tpu.vector_store_idx %arg8[%max3A_351], %get3A_338 masked %ge3A_340 : memref<800xf32, #tpu.memory_space<vmem>>[vector<16xi32>], vector<16xf32>, vector<16xi1>
        %add3A_352 = vector.broadcast %add3A_336 : i32 to vector<16xi32>
        %add3A_353 = arith.addi %add3A_352, %iota3A : vector<16xi32>
        tpu.vector_store_idx %arg9[%max3A_351], %add3A_353 masked %ge3A_340 : memref<800xi32, #tpu.memory_space<vmem>>[vector<16xi32>], vector<16xi32>, vector<16xi1>
        %all_reduce_population_count3A_354 = tpu.all_reduce %ge3A_340 {dim = 0 : i64, kind = #tpu.reduction_kind<sum>} : vector<16xi1> -> vector<16xi32>
        %add3A_355 = arith.addi %add3A_334, %all_reduce_population_count3A_354 : vector<16xi32>
        %add3A_356 = arith.constant 160 : i32
        %add3A_357 = arith.addi %mul3A_148, %add3A_356 : i32
        %get3A_358 = arith.index_cast %add3A_357 : i32 to index
        %get3A_359 = tpu.vector_load %arg5[%get3A_358] {strides = array<i32>} : memref<32768xf32, #tpu.memory_space<vmem>>, vector<16xf32>,
        %ge3A_360 = vector.broadcast %get3A_140 : f32 to vector<16xf32>
        %ge3A_361 = arith.cmpf oge, %get3A_359, %ge3A_360 : vector<16xf32>
        %convert_element_type3A_362 = arith.extui %ge3A_361 : vector<16xi1> to vector<16xi32>
        %broadcast_in_dim3A_363 = arith.constant true
        %broadcast_in_dim3A_364 = vector.broadcast %broadcast_in_dim3A_363 : i1 to vector<16xi1>
        %masked_cumsum3A_365 = tpu.scan <sum>, %convert_element_type3A_362 masked %broadcast_in_dim3A_364 : vector<16xi32>, vector<16xi1> -> vector<16xi32>
        %add3A_366 = arith.addi %add3A_355, %masked_cumsum3A_365 : vector<16xi32>
        %sub3A_367 = arith.constant 1 : i32
        %sub3A_368 = vector.broadcast %sub3A_367 : i32 to vector<16xi32>
        %sub3A_369 = arith.subi %add3A_366, %sub3A_368 : vector<16xi32>
        %max3A_370 = arith.constant 0 : i32
        %max3A_371 = vector.broadcast %max3A_370 : i32 to vector<16xi32>
        %max3A_372 = arith.maxsi %sub3A_369, %max3A_371 : vector<16xi32>
        tpu.vector_store_idx %arg8[%max3A_372], %get3A_359 masked %ge3A_361 : memref<800xf32, #tpu.memory_space<vmem>>[vector<16xi32>], vector<16xf32>, vector<16xi1>
        %add3A_373 = vector.broadcast %add3A_357 : i32 to vector<16xi32>
        %add3A_374 = arith.addi %add3A_373, %iota3A : vector<16xi32>
        tpu.vector_store_idx %arg9[%max3A_372], %add3A_374 masked %ge3A_361 : memref<800xi32, #tpu.memory_space<vmem>>[vector<16xi32>], vector<16xi32>, vector<16xi1>
        %all_reduce_population_count3A_375 = tpu.all_reduce %ge3A_361 {dim = 0 : i64, kind = #tpu.reduction_kind<sum>} : vector<16xi1> -> vector<16xi32>
        %add3A_376 = arith.addi %add3A_355, %all_reduce_population_count3A_375 : vector<16xi32>
        %add3A_377 = arith.constant 176 : i32
        %add3A_378 = arith.addi %mul3A_148, %add3A_377 : i32
        %get3A_379 = arith.index_cast %add3A_378 : i32 to index
        %get3A_380 = tpu.vector_load %arg5[%get3A_379] {strides = array<i32>} : memref<32768xf32, #tpu.memory_space<vmem>>, vector<16xf32>,
        %ge3A_381 = vector.broadcast %get3A_140 : f32 to vector<16xf32>
        %ge3A_382 = arith.cmpf oge, %get3A_380, %ge3A_381 : vector<16xf32>
        %convert_element_type3A_383 = arith.extui %ge3A_382 : vector<16xi1> to vector<16xi32>
        %broadcast_in_dim3A_384 = arith.constant true
        %broadcast_in_dim3A_385 = vector.broadcast %broadcast_in_dim3A_384 : i1 to vector<16xi1>
        %masked_cumsum3A_386 = tpu.scan <sum>, %convert_element_type3A_383 masked %broadcast_in_dim3A_385 : vector<16xi32>, vector<16xi1> -> vector<16xi32>
        %add3A_387 = arith.addi %add3A_376, %masked_cumsum3A_386 : vector<16xi32>
        %sub3A_388 = arith.constant 1 : i32
        %sub3A_389 = vector.broadcast %sub3A_388 : i32 to vector<16xi32>
        %sub3A_390 = arith.subi %add3A_387, %sub3A_389 : vector<16xi32>
        %max3A_391 = arith.constant 0 : i32
        %max3A_392 = vector.broadcast %max3A_391 : i32 to vector<16xi32>
        %max3A_393 = arith.maxsi %sub3A_390, %max3A_392 : vector<16xi32>
        tpu.vector_store_idx %arg8[%max3A_393], %get3A_380 masked %ge3A_382 : memref<800xf32, #tpu.memory_space<vmem>>[vector<16xi32>], vector<16xf32>, vector<16xi1>
        %add3A_394 = vector.broadcast %add3A_378 : i32 to vector<16xi32>
        %add3A_395 = arith.addi %add3A_394, %iota3A : vector<16xi32>
        tpu.vector_store_idx %arg9[%max3A_393], %add3A_395 masked %ge3A_382 : memref<800xi32, #tpu.memory_space<vmem>>[vector<16xi32>], vector<16xi32>, vector<16xi1>
        %all_reduce_population_count3A_396 = tpu.all_reduce %ge3A_382 {dim = 0 : i64, kind = #tpu.reduction_kind<sum>} : vector<16xi1> -> vector<16xi32>
        %add3A_397 = arith.addi %add3A_376, %all_reduce_population_count3A_396 : vector<16xi32>
        %add3A_398 = arith.constant 192 : i32
        %add3A_399 = arith.addi %mul3A_148, %add3A_398 : i32
        %get3A_400 = arith.index_cast %add3A_399 : i32 to index
        %get3A_401 = tpu.vector_load %arg5[%get3A_400] {strides = array<i32>} : memref<32768xf32, #tpu.memory_space<vmem>>, vector<16xf32>,
        %ge3A_402 = vector.broadcast %get3A_140 : f32 to vector<16xf32>
        %ge3A_403 = arith.cmpf oge, %get3A_401, %ge3A_402 : vector<16xf32>
        %convert_element_type3A_404 = arith.extui %ge3A_403 : vector<16xi1> to vector<16xi32>
        %broadcast_in_dim3A_405 = arith.constant true
        %broadcast_in_dim3A_406 = vector.broadcast %broadcast_in_dim3A_405 : i1 to vector<16xi1>
        %masked_cumsum3A_407 = tpu.scan <sum>, %convert_element_type3A_404 masked %broadcast_in_dim3A_406 : vector<16xi32>, vector<16xi1> -> vector<16xi32>
        %add3A_408 = arith.addi %add3A_397, %masked_cumsum3A_407 : vector<16xi32>
        %sub3A_409 = arith.constant 1 : i32
        %sub3A_410 = vector.broadcast %sub3A_409 : i32 to vector<16xi32>
        %sub3A_411 = arith.subi %add3A_408, %sub3A_410 : vector<16xi32>
        %max3A_412 = arith.constant 0 : i32
        %max3A_413 = vector.broadcast %max3A_412 : i32 to vector<16xi32>
        %max3A_414 = arith.maxsi %sub3A_411, %max3A_413 : vector<16xi32>
        tpu.vector_store_idx %arg8[%max3A_414], %get3A_401 masked %ge3A_403 : memref<800xf32, #tpu.memory_space<vmem>>[vector<16xi32>], vector<16xf32>, vector<16xi1>
        %add3A_415 = vector.broadcast %add3A_399 : i32 to vector<16xi32>
        %add3A_416 = arith.addi %add3A_415, %iota3A : vector<16xi32>
        tpu.vector_store_idx %arg9[%max3A_414], %add3A_416 masked %ge3A_403 : memref<800xi32, #tpu.memory_space<vmem>>[vector<16xi32>], vector<16xi32>, vector<16xi1>
        %all_reduce_population_count3A_417 = tpu.all_reduce %ge3A_403 {dim = 0 : i64, kind = #tpu.reduction_kind<sum>} : vector<16xi1> -> vector<16xi32>
        %add3A_418 = arith.addi %add3A_397, %all_reduce_population_count3A_417 : vector<16xi32>
        %add3A_419 = arith.constant 208 : i32
        %add3A_420 = arith.addi %mul3A_148, %add3A_419 : i32
        %get3A_421 = arith.index_cast %add3A_420 : i32 to index
        %get3A_422 = tpu.vector_load %arg5[%get3A_421] {strides = array<i32>} : memref<32768xf32, #tpu.memory_space<vmem>>, vector<16xf32>,
        %ge3A_423 = vector.broadcast %get3A_140 : f32 to vector<16xf32>
        %ge3A_424 = arith.cmpf oge, %get3A_422, %ge3A_423 : vector<16xf32>
        %convert_element_type3A_425 = arith.extui %ge3A_424 : vector<16xi1> to vector<16xi32>
        %broadcast_in_dim3A_426 = arith.constant true
        %broadcast_in_dim3A_427 = vector.broadcast %broadcast_in_dim3A_426 : i1 to vector<16xi1>
        %masked_cumsum3A_428 = tpu.scan <sum>, %convert_element_type3A_425 masked %broadcast_in_dim3A_427 : vector<16xi32>, vector<16xi1> -> vector<16xi32>
        %add3A_429 = arith.addi %add3A_418, %masked_cumsum3A_428 : vector<16xi32>
        %sub3A_430 = arith.constant 1 : i32
        %sub3A_431 = vector.broadcast %sub3A_430 : i32 to vector<16xi32>
        %sub3A_432 = arith.subi %add3A_429, %sub3A_431 : vector<16xi32>
        %max3A_433 = arith.constant 0 : i32
        %max3A_434 = vector.broadcast %max3A_433 : i32 to vector<16xi32>
        %max3A_435 = arith.maxsi %sub3A_432, %max3A_434 : vector<16xi32>
        tpu.vector_store_idx %arg8[%max3A_435], %get3A_422 masked %ge3A_424 : memref<800xf32, #tpu.memory_space<vmem>>[vector<16xi32>], vector<16xf32>, vector<16xi1>
        %add3A_436 = vector.broadcast %add3A_420 : i32 to vector<16xi32>
        %add3A_437 = arith.addi %add3A_436, %iota3A : vector<16xi32>
        tpu.vector_store_idx %arg9[%max3A_435], %add3A_437 masked %ge3A_424 : memref<800xi32, #tpu.memory_space<vmem>>[vector<16xi32>], vector<16xi32>, vector<16xi1>
        %all_reduce_population_count3A_438 = tpu.all_reduce %ge3A_424 {dim = 0 : i64, kind = #tpu.reduction_kind<sum>} : vector<16xi1> -> vector<16xi32>
        %add3A_439 = arith.addi %add3A_418, %all_reduce_population_count3A_438 : vector<16xi32>
        %add3A_440 = arith.constant 224 : i32
        %add3A_441 = arith.addi %mul3A_148, %add3A_440 : i32
        %get3A_442 = arith.index_cast %add3A_441 : i32 to index
        %get3A_443 = tpu.vector_load %arg5[%get3A_442] {strides = array<i32>} : memref<32768xf32, #tpu.memory_space<vmem>>, vector<16xf32>,
        %ge3A_444 = vector.broadcast %get3A_140 : f32 to vector<16xf32>
        %ge3A_445 = arith.cmpf oge, %get3A_443, %ge3A_444 : vector<16xf32>
        %convert_element_type3A_446 = arith.extui %ge3A_445 : vector<16xi1> to vector<16xi32>
        %broadcast_in_dim3A_447 = arith.constant true
        %broadcast_in_dim3A_448 = vector.broadcast %broadcast_in_dim3A_447 : i1 to vector<16xi1>
        %masked_cumsum3A_449 = tpu.scan <sum>, %convert_element_type3A_446 masked %broadcast_in_dim3A_448 : vector<16xi32>, vector<16xi1> -> vector<16xi32>
        %add3A_450 = arith.addi %add3A_439, %masked_cumsum3A_449 : vector<16xi32>
        %sub3A_451 = arith.constant 1 : i32
        %sub3A_452 = vector.broadcast %sub3A_451 : i32 to vector<16xi32>
        %sub3A_453 = arith.subi %add3A_450, %sub3A_452 : vector<16xi32>
        %max3A_454 = arith.constant 0 : i32
        %max3A_455 = vector.broadcast %max3A_454 : i32 to vector<16xi32>
        %max3A_456 = arith.maxsi %sub3A_453, %max3A_455 : vector<16xi32>
        tpu.vector_store_idx %arg8[%max3A_456], %get3A_443 masked %ge3A_445 : memref<800xf32, #tpu.memory_space<vmem>>[vector<16xi32>], vector<16xf32>, vector<16xi1>
        %add3A_457 = vector.broadcast %add3A_441 : i32 to vector<16xi32>
        %add3A_458 = arith.addi %add3A_457, %iota3A : vector<16xi32>
        tpu.vector_store_idx %arg9[%max3A_456], %add3A_458 masked %ge3A_445 : memref<800xi32, #tpu.memory_space<vmem>>[vector<16xi32>], vector<16xi32>, vector<16xi1>
        %all_reduce_population_count3A_459 = tpu.all_reduce %ge3A_445 {dim = 0 : i64, kind = #tpu.reduction_kind<sum>} : vector<16xi1> -> vector<16xi32>
        %add3A_460 = arith.addi %add3A_439, %all_reduce_population_count3A_459 : vector<16xi32>
        %add3A_461 = arith.constant 240 : i32
        %add3A_462 = arith.addi %mul3A_148, %add3A_461 : i32
        %get3A_463 = arith.index_cast %add3A_462 : i32 to index
        %get3A_464 = tpu.vector_load %arg5[%get3A_463] {strides = array<i32>} : memref<32768xf32, #tpu.memory_space<vmem>>, vector<16xf32>,
        %ge3A_465 = vector.broadcast %get3A_140 : f32 to vector<16xf32>
        %ge3A_466 = arith.cmpf oge, %get3A_464, %ge3A_465 : vector<16xf32>
        %convert_element_type3A_467 = arith.extui %ge3A_466 : vector<16xi1> to vector<16xi32>
        %broadcast_in_dim3A_468 = arith.constant true
        %broadcast_in_dim3A_469 = vector.broadcast %broadcast_in_dim3A_468 : i1 to vector<16xi1>
        %masked_cumsum3A_470 = tpu.scan <sum>, %convert_element_type3A_467 masked %broadcast_in_dim3A_469 : vector<16xi32>, vector<16xi1> -> vector<16xi32>
        %add3A_471 = arith.addi %add3A_460, %masked_cumsum3A_470 : vector<16xi32>
        %sub3A_472 = arith.constant 1 : i32
        %sub3A_473 = vector.broadcast %sub3A_472 : i32 to vector<16xi32>
        %sub3A_474 = arith.subi %add3A_471, %sub3A_473 : vector<16xi32>
        %max3A_475 = arith.constant 0 : i32
        %max3A_476 = vector.broadcast %max3A_475 : i32 to vector<16xi32>
        %max3A_477 = arith.maxsi %sub3A_474, %max3A_476 : vector<16xi32>
        tpu.vector_store_idx %arg8[%max3A_477], %get3A_464 masked %ge3A_466 : memref<800xf32, #tpu.memory_space<vmem>>[vector<16xi32>], vector<16xf32>, vector<16xi1>
        %add3A_478 = vector.broadcast %add3A_462 : i32 to vector<16xi32>
        %add3A_479 = arith.addi %add3A_478, %iota3A : vector<16xi32>
        tpu.vector_store_idx %arg9[%max3A_477], %add3A_479 masked %ge3A_466 : memref<800xi32, #tpu.memory_space<vmem>>[vector<16xi32>], vector<16xi32>, vector<16xi1>
        %all_reduce_population_count3A_480 = tpu.all_reduce %ge3A_466 {dim = 0 : i64, kind = #tpu.reduction_kind<sum>} : vector<16xi1> -> vector<16xi32>
        %add3A_481 = arith.addi %add3A_460, %all_reduce_population_count3A_480 : vector<16xi32>
        %add3A_482 = arith.constant 256 : i32
        %add3A_483 = arith.addi %mul3A_148, %add3A_482 : i32
        %get3A_484 = arith.index_cast %add3A_483 : i32 to index
        %get3A_485 = tpu.vector_load %arg5[%get3A_484] {strides = array<i32>} : memref<32768xf32, #tpu.memory_space<vmem>>, vector<16xf32>,
        %ge3A_486 = vector.broadcast %get3A_140 : f32 to vector<16xf32>
        %ge3A_487 = arith.cmpf oge, %get3A_485, %ge3A_486 : vector<16xf32>
        %convert_element_type3A_488 = arith.extui %ge3A_487 : vector<16xi1> to vector<16xi32>
        %broadcast_in_dim3A_489 = arith.constant true
        %broadcast_in_dim3A_490 = vector.broadcast %broadcast_in_dim3A_489 : i1 to vector<16xi1>
        %masked_cumsum3A_491 = tpu.scan <sum>, %convert_element_type3A_488 masked %broadcast_in_dim3A_490 : vector<16xi32>, vector<16xi1> -> vector<16xi32>
        %add3A_492 = arith.addi %add3A_481, %masked_cumsum3A_491 : vector<16xi32>
        %sub3A_493 = arith.constant 1 : i32
        %sub3A_494 = vector.broadcast %sub3A_493 : i32 to vector<16xi32>
        %sub3A_495 = arith.subi %add3A_492, %sub3A_494 : vector<16xi32>
        %max3A_496 = arith.constant 0 : i32
        %max3A_497 = vector.broadcast %max3A_496 : i32 to vector<16xi32>
        %max3A_498 = arith.maxsi %sub3A_495, %max3A_497 : vector<16xi32>
        tpu.vector_store_idx %arg8[%max3A_498], %get3A_485 masked %ge3A_487 : memref<800xf32, #tpu.memory_space<vmem>>[vector<16xi32>], vector<16xf32>, vector<16xi1>
        %add3A_499 = vector.broadcast %add3A_483 : i32 to vector<16xi32>
        %add3A_500 = arith.addi %add3A_499, %iota3A : vector<16xi32>
        tpu.vector_store_idx %arg9[%max3A_498], %add3A_500 masked %ge3A_487 : memref<800xi32, #tpu.memory_space<vmem>>[vector<16xi32>], vector<16xi32>, vector<16xi1>
        %all_reduce_population_count3A_501 = tpu.all_reduce %ge3A_487 {dim = 0 : i64, kind = #tpu.reduction_kind<sum>} : vector<16xi1> -> vector<16xi32>
        %add3A_502 = arith.addi %add3A_481, %all_reduce_population_count3A_501 : vector<16xi32>
        %add3A_503 = arith.constant 272 : i32
        %add3A_504 = arith.addi %mul3A_148, %add3A_503 : i32
        %get3A_505 = arith.index_cast %add3A_504 : i32 to index
        %get3A_506 = tpu.vector_load %arg5[%get3A_505] {strides = array<i32>} : memref<32768xf32, #tpu.memory_space<vmem>>, vector<16xf32>,
        %ge3A_507 = vector.broadcast %get3A_140 : f32 to vector<16xf32>
        %ge3A_508 = arith.cmpf oge, %get3A_506, %ge3A_507 : vector<16xf32>
        %convert_element_type3A_509 = arith.extui %ge3A_508 : vector<16xi1> to vector<16xi32>
        %broadcast_in_dim3A_510 = arith.constant true
        %broadcast_in_dim3A_511 = vector.broadcast %broadcast_in_dim3A_510 : i1 to vector<16xi1>
        %masked_cumsum3A_512 = tpu.scan <sum>, %convert_element_type3A_509 masked %broadcast_in_dim3A_511 : vector<16xi32>, vector<16xi1> -> vector<16xi32>
        %add3A_513 = arith.addi %add3A_502, %masked_cumsum3A_512 : vector<16xi32>
        %sub3A_514 = arith.constant 1 : i32
        %sub3A_515 = vector.broadcast %sub3A_514 : i32 to vector<16xi32>
        %sub3A_516 = arith.subi %add3A_513, %sub3A_515 : vector<16xi32>
        %max3A_517 = arith.constant 0 : i32
        %max3A_518 = vector.broadcast %max3A_517 : i32 to vector<16xi32>
        %max3A_519 = arith.maxsi %sub3A_516, %max3A_518 : vector<16xi32>
        tpu.vector_store_idx %arg8[%max3A_519], %get3A_506 masked %ge3A_508 : memref<800xf32, #tpu.memory_space<vmem>>[vector<16xi32>], vector<16xf32>, vector<16xi1>
        %add3A_520 = vector.broadcast %add3A_504 : i32 to vector<16xi32>
        %add3A_521 = arith.addi %add3A_520, %iota3A : vector<16xi32>
        tpu.vector_store_idx %arg9[%max3A_519], %add3A_521 masked %ge3A_508 : memref<800xi32, #tpu.memory_space<vmem>>[vector<16xi32>], vector<16xi32>, vector<16xi1>
        %all_reduce_population_count3A_522 = tpu.all_reduce %ge3A_508 {dim = 0 : i64, kind = #tpu.reduction_kind<sum>} : vector<16xi1> -> vector<16xi32>
        %add3A_523 = arith.addi %add3A_502, %all_reduce_population_count3A_522 : vector<16xi32>
        %add3A_524 = arith.constant 288 : i32
        %add3A_525 = arith.addi %mul3A_148, %add3A_524 : i32
        %get3A_526 = arith.index_cast %add3A_525 : i32 to index
        %get3A_527 = tpu.vector_load %arg5[%get3A_526] {strides = array<i32>} : memref<32768xf32, #tpu.memory_space<vmem>>, vector<16xf32>,
        %ge3A_528 = vector.broadcast %get3A_140 : f32 to vector<16xf32>
        %ge3A_529 = arith.cmpf oge, %get3A_527, %ge3A_528 : vector<16xf32>
        %convert_element_type3A_530 = arith.extui %ge3A_529 : vector<16xi1> to vector<16xi32>
        %broadcast_in_dim3A_531 = arith.constant true
        %broadcast_in_dim3A_532 = vector.broadcast %broadcast_in_dim3A_531 : i1 to vector<16xi1>
        %masked_cumsum3A_533 = tpu.scan <sum>, %convert_element_type3A_530 masked %broadcast_in_dim3A_532 : vector<16xi32>, vector<16xi1> -> vector<16xi32>
        %add3A_534 = arith.addi %add3A_523, %masked_cumsum3A_533 : vector<16xi32>
        %sub3A_535 = arith.constant 1 : i32
        %sub3A_536 = vector.broadcast %sub3A_535 : i32 to vector<16xi32>
        %sub3A_537 = arith.subi %add3A_534, %sub3A_536 : vector<16xi32>
        %max3A_538 = arith.constant 0 : i32
        %max3A_539 = vector.broadcast %max3A_538 : i32 to vector<16xi32>
        %max3A_540 = arith.maxsi %sub3A_537, %max3A_539 : vector<16xi32>
        tpu.vector_store_idx %arg8[%max3A_540], %get3A_527 masked %ge3A_529 : memref<800xf32, #tpu.memory_space<vmem>>[vector<16xi32>], vector<16xf32>, vector<16xi1>
        %add3A_541 = vector.broadcast %add3A_525 : i32 to vector<16xi32>
        %add3A_542 = arith.addi %add3A_541, %iota3A : vector<16xi32>
        tpu.vector_store_idx %arg9[%max3A_540], %add3A_542 masked %ge3A_529 : memref<800xi32, #tpu.memory_space<vmem>>[vector<16xi32>], vector<16xi32>, vector<16xi1>
        %all_reduce_population_count3A_543 = tpu.all_reduce %ge3A_529 {dim = 0 : i64, kind = #tpu.reduction_kind<sum>} : vector<16xi1> -> vector<16xi32>
        %add3A_544 = arith.addi %add3A_523, %all_reduce_population_count3A_543 : vector<16xi32>
        %add3A_545 = arith.constant 304 : i32
        %add3A_546 = arith.addi %mul3A_148, %add3A_545 : i32
        %get3A_547 = arith.index_cast %add3A_546 : i32 to index
        %get3A_548 = tpu.vector_load %arg5[%get3A_547] {strides = array<i32>} : memref<32768xf32, #tpu.memory_space<vmem>>, vector<16xf32>,
        %ge3A_549 = vector.broadcast %get3A_140 : f32 to vector<16xf32>
        %ge3A_550 = arith.cmpf oge, %get3A_548, %ge3A_549 : vector<16xf32>
        %convert_element_type3A_551 = arith.extui %ge3A_550 : vector<16xi1> to vector<16xi32>
        %broadcast_in_dim3A_552 = arith.constant true
        %broadcast_in_dim3A_553 = vector.broadcast %broadcast_in_dim3A_552 : i1 to vector<16xi1>
        %masked_cumsum3A_554 = tpu.scan <sum>, %convert_element_type3A_551 masked %broadcast_in_dim3A_553 : vector<16xi32>, vector<16xi1> -> vector<16xi32>
        %add3A_555 = arith.addi %add3A_544, %masked_cumsum3A_554 : vector<16xi32>
        %sub3A_556 = arith.constant 1 : i32
        %sub3A_557 = vector.broadcast %sub3A_556 : i32 to vector<16xi32>
        %sub3A_558 = arith.subi %add3A_555, %sub3A_557 : vector<16xi32>
        %max3A_559 = arith.constant 0 : i32
        %max3A_560 = vector.broadcast %max3A_559 : i32 to vector<16xi32>
        %max3A_561 = arith.maxsi %sub3A_558, %max3A_560 : vector<16xi32>
        tpu.vector_store_idx %arg8[%max3A_561], %get3A_548 masked %ge3A_550 : memref<800xf32, #tpu.memory_space<vmem>>[vector<16xi32>], vector<16xf32>, vector<16xi1>
        %add3A_562 = vector.broadcast %add3A_546 : i32 to vector<16xi32>
        %add3A_563 = arith.addi %add3A_562, %iota3A : vector<16xi32>
        tpu.vector_store_idx %arg9[%max3A_561], %add3A_563 masked %ge3A_550 : memref<800xi32, #tpu.memory_space<vmem>>[vector<16xi32>], vector<16xi32>, vector<16xi1>
        %all_reduce_population_count3A_564 = tpu.all_reduce %ge3A_550 {dim = 0 : i64, kind = #tpu.reduction_kind<sum>} : vector<16xi1> -> vector<16xi32>
        %add3A_565 = arith.addi %add3A_544, %all_reduce_population_count3A_564 : vector<16xi32>
        %add3A_566 = arith.constant 320 : i32
        %add3A_567 = arith.addi %mul3A_148, %add3A_566 : i32
        %get3A_568 = arith.index_cast %add3A_567 : i32 to index
        %get3A_569 = tpu.vector_load %arg5[%get3A_568] {strides = array<i32>} : memref<32768xf32, #tpu.memory_space<vmem>>, vector<16xf32>,
        %ge3A_570 = vector.broadcast %get3A_140 : f32 to vector<16xf32>
        %ge3A_571 = arith.cmpf oge, %get3A_569, %ge3A_570 : vector<16xf32>
        %convert_element_type3A_572 = arith.extui %ge3A_571 : vector<16xi1> to vector<16xi32>
        %broadcast_in_dim3A_573 = arith.constant true
        %broadcast_in_dim3A_574 = vector.broadcast %broadcast_in_dim3A_573 : i1 to vector<16xi1>
        %masked_cumsum3A_575 = tpu.scan <sum>, %convert_element_type3A_572 masked %broadcast_in_dim3A_574 : vector<16xi32>, vector<16xi1> -> vector<16xi32>
        %add3A_576 = arith.addi %add3A_565, %masked_cumsum3A_575 : vector<16xi32>
        %sub3A_577 = arith.constant 1 : i32
        %sub3A_578 = vector.broadcast %sub3A_577 : i32 to vector<16xi32>
        %sub3A_579 = arith.subi %add3A_576, %sub3A_578 : vector<16xi32>
        %max3A_580 = arith.constant 0 : i32
        %max3A_581 = vector.broadcast %max3A_580 : i32 to vector<16xi32>
        %max3A_582 = arith.maxsi %sub3A_579, %max3A_581 : vector<16xi32>
        tpu.vector_store_idx %arg8[%max3A_582], %get3A_569 masked %ge3A_571 : memref<800xf32, #tpu.memory_space<vmem>>[vector<16xi32>], vector<16xf32>, vector<16xi1>
        %add3A_583 = vector.broadcast %add3A_567 : i32 to vector<16xi32>
        %add3A_584 = arith.addi %add3A_583, %iota3A : vector<16xi32>
        tpu.vector_store_idx %arg9[%max3A_582], %add3A_584 masked %ge3A_571 : memref<800xi32, #tpu.memory_space<vmem>>[vector<16xi32>], vector<16xi32>, vector<16xi1>
        %all_reduce_population_count3A_585 = tpu.all_reduce %ge3A_571 {dim = 0 : i64, kind = #tpu.reduction_kind<sum>} : vector<16xi1> -> vector<16xi32>
        %add3A_586 = arith.addi %add3A_565, %all_reduce_population_count3A_585 : vector<16xi32>
        %add3A_587 = arith.constant 336 : i32
        %add3A_588 = arith.addi %mul3A_148, %add3A_587 : i32
        %get3A_589 = arith.index_cast %add3A_588 : i32 to index
        %get3A_590 = tpu.vector_load %arg5[%get3A_589] {strides = array<i32>} : memref<32768xf32, #tpu.memory_space<vmem>>, vector<16xf32>,
        %ge3A_591 = vector.broadcast %get3A_140 : f32 to vector<16xf32>
        %ge3A_592 = arith.cmpf oge, %get3A_590, %ge3A_591 : vector<16xf32>
        %convert_element_type3A_593 = arith.extui %ge3A_592 : vector<16xi1> to vector<16xi32>
        %broadcast_in_dim3A_594 = arith.constant true
        %broadcast_in_dim3A_595 = vector.broadcast %broadcast_in_dim3A_594 : i1 to vector<16xi1>
        %masked_cumsum3A_596 = tpu.scan <sum>, %convert_element_type3A_593 masked %broadcast_in_dim3A_595 : vector<16xi32>, vector<16xi1> -> vector<16xi32>
        %add3A_597 = arith.addi %add3A_586, %masked_cumsum3A_596 : vector<16xi32>
        %sub3A_598 = arith.constant 1 : i32
        %sub3A_599 = vector.broadcast %sub3A_598 : i32 to vector<16xi32>
        %sub3A_600 = arith.subi %add3A_597, %sub3A_599 : vector<16xi32>
        %max3A_601 = arith.constant 0 : i32
        %max3A_602 = vector.broadcast %max3A_601 : i32 to vector<16xi32>
        %max3A_603 = arith.maxsi %sub3A_600, %max3A_602 : vector<16xi32>
        tpu.vector_store_idx %arg8[%max3A_603], %get3A_590 masked %ge3A_592 : memref<800xf32, #tpu.memory_space<vmem>>[vector<16xi32>], vector<16xf32>, vector<16xi1>
        %add3A_604 = vector.broadcast %add3A_588 : i32 to vector<16xi32>
        %add3A_605 = arith.addi %add3A_604, %iota3A : vector<16xi32>
        tpu.vector_store_idx %arg9[%max3A_603], %add3A_605 masked %ge3A_592 : memref<800xi32, #tpu.memory_space<vmem>>[vector<16xi32>], vector<16xi32>, vector<16xi1>
        %all_reduce_population_count3A_606 = tpu.all_reduce %ge3A_592 {dim = 0 : i64, kind = #tpu.reduction_kind<sum>} : vector<16xi1> -> vector<16xi32>
        %add3A_607 = arith.addi %add3A_586, %all_reduce_population_count3A_606 : vector<16xi32>
        %add3A_608 = arith.constant 352 : i32
        %add3A_609 = arith.addi %mul3A_148, %add3A_608 : i32
        %get3A_610 = arith.index_cast %add3A_609 : i32 to index
        %get3A_611 = tpu.vector_load %arg5[%get3A_610] {strides = array<i32>} : memref<32768xf32, #tpu.memory_space<vmem>>, vector<16xf32>,
        %ge3A_612 = vector.broadcast %get3A_140 : f32 to vector<16xf32>
        %ge3A_613 = arith.cmpf oge, %get3A_611, %ge3A_612 : vector<16xf32>
        %convert_element_type3A_614 = arith.extui %ge3A_613 : vector<16xi1> to vector<16xi32>
        %broadcast_in_dim3A_615 = arith.constant true
        %broadcast_in_dim3A_616 = vector.broadcast %broadcast_in_dim3A_615 : i1 to vector<16xi1>
        %masked_cumsum3A_617 = tpu.scan <sum>, %convert_element_type3A_614 masked %broadcast_in_dim3A_616 : vector<16xi32>, vector<16xi1> -> vector<16xi32>
        %add3A_618 = arith.addi %add3A_607, %masked_cumsum3A_617 : vector<16xi32>
        %sub3A_619 = arith.constant 1 : i32
        %sub3A_620 = vector.broadcast %sub3A_619 : i32 to vector<16xi32>
        %sub3A_621 = arith.subi %add3A_618, %sub3A_620 : vector<16xi32>
        %max3A_622 = arith.constant 0 : i32
        %max3A_623 = vector.broadcast %max3A_622 : i32 to vector<16xi32>
        %max3A_624 = arith.maxsi %sub3A_621, %max3A_623 : vector<16xi32>
        tpu.vector_store_idx %arg8[%max3A_624], %get3A_611 masked %ge3A_613 : memref<800xf32, #tpu.memory_space<vmem>>[vector<16xi32>], vector<16xf32>, vector<16xi1>
        %add3A_625 = vector.broadcast %add3A_609 : i32 to vector<16xi32>
        %add3A_626 = arith.addi %add3A_625, %iota3A : vector<16xi32>
        tpu.vector_store_idx %arg9[%max3A_624], %add3A_626 masked %ge3A_613 : memref<800xi32, #tpu.memory_space<vmem>>[vector<16xi32>], vector<16xi32>, vector<16xi1>
        %all_reduce_population_count3A_627 = tpu.all_reduce %ge3A_613 {dim = 0 : i64, kind = #tpu.reduction_kind<sum>} : vector<16xi1> -> vector<16xi32>
        %add3A_628 = arith.addi %add3A_607, %all_reduce_population_count3A_627 : vector<16xi32>
        %add3A_629 = arith.constant 368 : i32
        %add3A_630 = arith.addi %mul3A_148, %add3A_629 : i32
        %get3A_631 = arith.index_cast %add3A_630 : i32 to index
        %get3A_632 = tpu.vector_load %arg5[%get3A_631] {strides = array<i32>} : memref<32768xf32, #tpu.memory_space<vmem>>, vector<16xf32>,
        %ge3A_633 = vector.broadcast %get3A_140 : f32 to vector<16xf32>
        %ge3A_634 = arith.cmpf oge, %get3A_632, %ge3A_633 : vector<16xf32>
        %convert_element_type3A_635 = arith.extui %ge3A_634 : vector<16xi1> to vector<16xi32>
        %broadcast_in_dim3A_636 = arith.constant true
        %broadcast_in_dim3A_637 = vector.broadcast %broadcast_in_dim3A_636 : i1 to vector<16xi1>
        %masked_cumsum3A_638 = tpu.scan <sum>, %convert_element_type3A_635 masked %broadcast_in_dim3A_637 : vector<16xi32>, vector<16xi1> -> vector<16xi32>
        %add3A_639 = arith.addi %add3A_628, %masked_cumsum3A_638 : vector<16xi32>
        %sub3A_640 = arith.constant 1 : i32
        %sub3A_641 = vector.broadcast %sub3A_640 : i32 to vector<16xi32>
        %sub3A_642 = arith.subi %add3A_639, %sub3A_641 : vector<16xi32>
        %max3A_643 = arith.constant 0 : i32
        %max3A_644 = vector.broadcast %max3A_643 : i32 to vector<16xi32>
        %max3A_645 = arith.maxsi %sub3A_642, %max3A_644 : vector<16xi32>
        tpu.vector_store_idx %arg8[%max3A_645], %get3A_632 masked %ge3A_634 : memref<800xf32, #tpu.memory_space<vmem>>[vector<16xi32>], vector<16xf32>, vector<16xi1>
        %add3A_646 = vector.broadcast %add3A_630 : i32 to vector<16xi32>
        %add3A_647 = arith.addi %add3A_646, %iota3A : vector<16xi32>
        tpu.vector_store_idx %arg9[%max3A_645], %add3A_647 masked %ge3A_634 : memref<800xi32, #tpu.memory_space<vmem>>[vector<16xi32>], vector<16xi32>, vector<16xi1>
        %all_reduce_population_count3A_648 = tpu.all_reduce %ge3A_634 {dim = 0 : i64, kind = #tpu.reduction_kind<sum>} : vector<16xi1> -> vector<16xi32>
        %add3A_649 = arith.addi %add3A_628, %all_reduce_population_count3A_648 : vector<16xi32>
        %add3A_650 = arith.constant 384 : i32
        %add3A_651 = arith.addi %mul3A_148, %add3A_650 : i32
        %get3A_652 = arith.index_cast %add3A_651 : i32 to index
        %get3A_653 = tpu.vector_load %arg5[%get3A_652] {strides = array<i32>} : memref<32768xf32, #tpu.memory_space<vmem>>, vector<16xf32>,
        %ge3A_654 = vector.broadcast %get3A_140 : f32 to vector<16xf32>
        %ge3A_655 = arith.cmpf oge, %get3A_653, %ge3A_654 : vector<16xf32>
        %convert_element_type3A_656 = arith.extui %ge3A_655 : vector<16xi1> to vector<16xi32>
        %broadcast_in_dim3A_657 = arith.constant true
        %broadcast_in_dim3A_658 = vector.broadcast %broadcast_in_dim3A_657 : i1 to vector<16xi1>
        %masked_cumsum3A_659 = tpu.scan <sum>, %convert_element_type3A_656 masked %broadcast_in_dim3A_658 : vector<16xi32>, vector<16xi1> -> vector<16xi32>
        %add3A_660 = arith.addi %add3A_649, %masked_cumsum3A_659 : vector<16xi32>
        %sub3A_661 = arith.constant 1 : i32
        %sub3A_662 = vector.broadcast %sub3A_661 : i32 to vector<16xi32>
        %sub3A_663 = arith.subi %add3A_660, %sub3A_662 : vector<16xi32>
        %max3A_664 = arith.constant 0 : i32
        %max3A_665 = vector.broadcast %max3A_664 : i32 to vector<16xi32>
        %max3A_666 = arith.maxsi %sub3A_663, %max3A_665 : vector<16xi32>
        tpu.vector_store_idx %arg8[%max3A_666], %get3A_653 masked %ge3A_655 : memref<800xf32, #tpu.memory_space<vmem>>[vector<16xi32>], vector<16xf32>, vector<16xi1>
        %add3A_667 = vector.broadcast %add3A_651 : i32 to vector<16xi32>
        %add3A_668 = arith.addi %add3A_667, %iota3A : vector<16xi32>
        tpu.vector_store_idx %arg9[%max3A_666], %add3A_668 masked %ge3A_655 : memref<800xi32, #tpu.memory_space<vmem>>[vector<16xi32>], vector<16xi32>, vector<16xi1>
        %all_reduce_population_count3A_669 = tpu.all_reduce %ge3A_655 {dim = 0 : i64, kind = #tpu.reduction_kind<sum>} : vector<16xi1> -> vector<16xi32>
        %add3A_670 = arith.addi %add3A_649, %all_reduce_population_count3A_669 : vector<16xi32>
        %add3A_671 = arith.constant 400 : i32
        %add3A_672 = arith.addi %mul3A_148, %add3A_671 : i32
        %get3A_673 = arith.index_cast %add3A_672 : i32 to index
        %get3A_674 = tpu.vector_load %arg5[%get3A_673] {strides = array<i32>} : memref<32768xf32, #tpu.memory_space<vmem>>, vector<16xf32>,
        %ge3A_675 = vector.broadcast %get3A_140 : f32 to vector<16xf32>
        %ge3A_676 = arith.cmpf oge, %get3A_674, %ge3A_675 : vector<16xf32>
        %convert_element_type3A_677 = arith.extui %ge3A_676 : vector<16xi1> to vector<16xi32>
        %broadcast_in_dim3A_678 = arith.constant true
        %broadcast_in_dim3A_679 = vector.broadcast %broadcast_in_dim3A_678 : i1 to vector<16xi1>
        %masked_cumsum3A_680 = tpu.scan <sum>, %convert_element_type3A_677 masked %broadcast_in_dim3A_679 : vector<16xi32>, vector<16xi1> -> vector<16xi32>
        %add3A_681 = arith.addi %add3A_670, %masked_cumsum3A_680 : vector<16xi32>
        %sub3A_682 = arith.constant 1 : i32
        %sub3A_683 = vector.broadcast %sub3A_682 : i32 to vector<16xi32>
        %sub3A_684 = arith.subi %add3A_681, %sub3A_683 : vector<16xi32>
        %max3A_685 = arith.constant 0 : i32
        %max3A_686 = vector.broadcast %max3A_685 : i32 to vector<16xi32>
        %max3A_687 = arith.maxsi %sub3A_684, %max3A_686 : vector<16xi32>
        tpu.vector_store_idx %arg8[%max3A_687], %get3A_674 masked %ge3A_676 : memref<800xf32, #tpu.memory_space<vmem>>[vector<16xi32>], vector<16xf32>, vector<16xi1>
        %add3A_688 = vector.broadcast %add3A_672 : i32 to vector<16xi32>
        %add3A_689 = arith.addi %add3A_688, %iota3A : vector<16xi32>
        tpu.vector_store_idx %arg9[%max3A_687], %add3A_689 masked %ge3A_676 : memref<800xi32, #tpu.memory_space<vmem>>[vector<16xi32>], vector<16xi32>, vector<16xi1>
        %all_reduce_population_count3A_690 = tpu.all_reduce %ge3A_676 {dim = 0 : i64, kind = #tpu.reduction_kind<sum>} : vector<16xi1> -> vector<16xi32>
        %add3A_691 = arith.addi %add3A_670, %all_reduce_population_count3A_690 : vector<16xi32>
        %add3A_692 = arith.constant 416 : i32
        %add3A_693 = arith.addi %mul3A_148, %add3A_692 : i32
        %get3A_694 = arith.index_cast %add3A_693 : i32 to index
        %get3A_695 = tpu.vector_load %arg5[%get3A_694] {strides = array<i32>} : memref<32768xf32, #tpu.memory_space<vmem>>, vector<16xf32>,
        %ge3A_696 = vector.broadcast %get3A_140 : f32 to vector<16xf32>
        %ge3A_697 = arith.cmpf oge, %get3A_695, %ge3A_696 : vector<16xf32>
        %convert_element_type3A_698 = arith.extui %ge3A_697 : vector<16xi1> to vector<16xi32>
        %broadcast_in_dim3A_699 = arith.constant true
        %broadcast_in_dim3A_700 = vector.broadcast %broadcast_in_dim3A_699 : i1 to vector<16xi1>
        %masked_cumsum3A_701 = tpu.scan <sum>, %convert_element_type3A_698 masked %broadcast_in_dim3A_700 : vector<16xi32>, vector<16xi1> -> vector<16xi32>
        %add3A_702 = arith.addi %add3A_691, %masked_cumsum3A_701 : vector<16xi32>
        %sub3A_703 = arith.constant 1 : i32
        %sub3A_704 = vector.broadcast %sub3A_703 : i32 to vector<16xi32>
        %sub3A_705 = arith.subi %add3A_702, %sub3A_704 : vector<16xi32>
        %max3A_706 = arith.constant 0 : i32
        %max3A_707 = vector.broadcast %max3A_706 : i32 to vector<16xi32>
        %max3A_708 = arith.maxsi %sub3A_705, %max3A_707 : vector<16xi32>
        tpu.vector_store_idx %arg8[%max3A_708], %get3A_695 masked %ge3A_697 : memref<800xf32, #tpu.memory_space<vmem>>[vector<16xi32>], vector<16xf32>, vector<16xi1>
        %add3A_709 = vector.broadcast %add3A_693 : i32 to vector<16xi32>
        %add3A_710 = arith.addi %add3A_709, %iota3A : vector<16xi32>
        tpu.vector_store_idx %arg9[%max3A_708], %add3A_710 masked %ge3A_697 : memref<800xi32, #tpu.memory_space<vmem>>[vector<16xi32>], vector<16xi32>, vector<16xi1>
        %all_reduce_population_count3A_711 = tpu.all_reduce %ge3A_697 {dim = 0 : i64, kind = #tpu.reduction_kind<sum>} : vector<16xi1> -> vector<16xi32>
        %add3A_712 = arith.addi %add3A_691, %all_reduce_population_count3A_711 : vector<16xi32>
        %add3A_713 = arith.constant 432 : i32
        %add3A_714 = arith.addi %mul3A_148, %add3A_713 : i32
        %get3A_715 = arith.index_cast %add3A_714 : i32 to index
        %get3A_716 = tpu.vector_load %arg5[%get3A_715] {strides = array<i32>} : memref<32768xf32, #tpu.memory_space<vmem>>, vector<16xf32>,
        %ge3A_717 = vector.broadcast %get3A_140 : f32 to vector<16xf32>
        %ge3A_718 = arith.cmpf oge, %get3A_716, %ge3A_717 : vector<16xf32>
        %convert_element_type3A_719 = arith.extui %ge3A_718 : vector<16xi1> to vector<16xi32>
        %broadcast_in_dim3A_720 = arith.constant true
        %broadcast_in_dim3A_721 = vector.broadcast %broadcast_in_dim3A_720 : i1 to vector<16xi1>
        %masked_cumsum3A_722 = tpu.scan <sum>, %convert_element_type3A_719 masked %broadcast_in_dim3A_721 : vector<16xi32>, vector<16xi1> -> vector<16xi32>
        %add3A_723 = arith.addi %add3A_712, %masked_cumsum3A_722 : vector<16xi32>
        %sub3A_724 = arith.constant 1 : i32
        %sub3A_725 = vector.broadcast %sub3A_724 : i32 to vector<16xi32>
        %sub3A_726 = arith.subi %add3A_723, %sub3A_725 : vector<16xi32>
        %max3A_727 = arith.constant 0 : i32
        %max3A_728 = vector.broadcast %max3A_727 : i32 to vector<16xi32>
        %max3A_729 = arith.maxsi %sub3A_726, %max3A_728 : vector<16xi32>
        tpu.vector_store_idx %arg8[%max3A_729], %get3A_716 masked %ge3A_718 : memref<800xf32, #tpu.memory_space<vmem>>[vector<16xi32>], vector<16xf32>, vector<16xi1>
        %add3A_730 = vector.broadcast %add3A_714 : i32 to vector<16xi32>
        %add3A_731 = arith.addi %add3A_730, %iota3A : vector<16xi32>
        tpu.vector_store_idx %arg9[%max3A_729], %add3A_731 masked %ge3A_718 : memref<800xi32, #tpu.memory_space<vmem>>[vector<16xi32>], vector<16xi32>, vector<16xi1>
        %all_reduce_population_count3A_732 = tpu.all_reduce %ge3A_718 {dim = 0 : i64, kind = #tpu.reduction_kind<sum>} : vector<16xi1> -> vector<16xi32>
        %add3A_733 = arith.addi %add3A_712, %all_reduce_population_count3A_732 : vector<16xi32>
        %add3A_734 = arith.constant 448 : i32
        %add3A_735 = arith.addi %mul3A_148, %add3A_734 : i32
        %get3A_736 = arith.index_cast %add3A_735 : i32 to index
        %get3A_737 = tpu.vector_load %arg5[%get3A_736] {strides = array<i32>} : memref<32768xf32, #tpu.memory_space<vmem>>, vector<16xf32>,
        %ge3A_738 = vector.broadcast %get3A_140 : f32 to vector<16xf32>
        %ge3A_739 = arith.cmpf oge, %get3A_737, %ge3A_738 : vector<16xf32>
        %convert_element_type3A_740 = arith.extui %ge3A_739 : vector<16xi1> to vector<16xi32>
        %broadcast_in_dim3A_741 = arith.constant true
        %broadcast_in_dim3A_742 = vector.broadcast %broadcast_in_dim3A_741 : i1 to vector<16xi1>
        %masked_cumsum3A_743 = tpu.scan <sum>, %convert_element_type3A_740 masked %broadcast_in_dim3A_742 : vector<16xi32>, vector<16xi1> -> vector<16xi32>
        %add3A_744 = arith.addi %add3A_733, %masked_cumsum3A_743 : vector<16xi32>
        %sub3A_745 = arith.constant 1 : i32
        %sub3A_746 = vector.broadcast %sub3A_745 : i32 to vector<16xi32>
        %sub3A_747 = arith.subi %add3A_744, %sub3A_746 : vector<16xi32>
        %max3A_748 = arith.constant 0 : i32
        %max3A_749 = vector.broadcast %max3A_748 : i32 to vector<16xi32>
        %max3A_750 = arith.maxsi %sub3A_747, %max3A_749 : vector<16xi32>
        tpu.vector_store_idx %arg8[%max3A_750], %get3A_737 masked %ge3A_739 : memref<800xf32, #tpu.memory_space<vmem>>[vector<16xi32>], vector<16xf32>, vector<16xi1>
        %add3A_751 = vector.broadcast %add3A_735 : i32 to vector<16xi32>
        %add3A_752 = arith.addi %add3A_751, %iota3A : vector<16xi32>
        tpu.vector_store_idx %arg9[%max3A_750], %add3A_752 masked %ge3A_739 : memref<800xi32, #tpu.memory_space<vmem>>[vector<16xi32>], vector<16xi32>, vector<16xi1>
        %all_reduce_population_count3A_753 = tpu.all_reduce %ge3A_739 {dim = 0 : i64, kind = #tpu.reduction_kind<sum>} : vector<16xi1> -> vector<16xi32>
        %add3A_754 = arith.addi %add3A_733, %all_reduce_population_count3A_753 : vector<16xi32>
        %add3A_755 = arith.constant 464 : i32
        %add3A_756 = arith.addi %mul3A_148, %add3A_755 : i32
        %get3A_757 = arith.index_cast %add3A_756 : i32 to index
        %get3A_758 = tpu.vector_load %arg5[%get3A_757] {strides = array<i32>} : memref<32768xf32, #tpu.memory_space<vmem>>, vector<16xf32>,
        %ge3A_759 = vector.broadcast %get3A_140 : f32 to vector<16xf32>
        %ge3A_760 = arith.cmpf oge, %get3A_758, %ge3A_759 : vector<16xf32>
        %convert_element_type3A_761 = arith.extui %ge3A_760 : vector<16xi1> to vector<16xi32>
        %broadcast_in_dim3A_762 = arith.constant true
        %broadcast_in_dim3A_763 = vector.broadcast %broadcast_in_dim3A_762 : i1 to vector<16xi1>
        %masked_cumsum3A_764 = tpu.scan <sum>, %convert_element_type3A_761 masked %broadcast_in_dim3A_763 : vector<16xi32>, vector<16xi1> -> vector<16xi32>
        %add3A_765 = arith.addi %add3A_754, %masked_cumsum3A_764 : vector<16xi32>
        %sub3A_766 = arith.constant 1 : i32
        %sub3A_767 = vector.broadcast %sub3A_766 : i32 to vector<16xi32>
        %sub3A_768 = arith.subi %add3A_765, %sub3A_767 : vector<16xi32>
        %max3A_769 = arith.constant 0 : i32
        %max3A_770 = vector.broadcast %max3A_769 : i32 to vector<16xi32>
        %max3A_771 = arith.maxsi %sub3A_768, %max3A_770 : vector<16xi32>
        tpu.vector_store_idx %arg8[%max3A_771], %get3A_758 masked %ge3A_760 : memref<800xf32, #tpu.memory_space<vmem>>[vector<16xi32>], vector<16xf32>, vector<16xi1>
        %add3A_772 = vector.broadcast %add3A_756 : i32 to vector<16xi32>
        %add3A_773 = arith.addi %add3A_772, %iota3A : vector<16xi32>
        tpu.vector_store_idx %arg9[%max3A_771], %add3A_773 masked %ge3A_760 : memref<800xi32, #tpu.memory_space<vmem>>[vector<16xi32>], vector<16xi32>, vector<16xi1>
        %all_reduce_population_count3A_774 = tpu.all_reduce %ge3A_760 {dim = 0 : i64, kind = #tpu.reduction_kind<sum>} : vector<16xi1> -> vector<16xi32>
        %add3A_775 = arith.addi %add3A_754, %all_reduce_population_count3A_774 : vector<16xi32>
        %add3A_776 = arith.constant 480 : i32
        %add3A_777 = arith.addi %mul3A_148, %add3A_776 : i32
        %get3A_778 = arith.index_cast %add3A_777 : i32 to index
        %get3A_779 = tpu.vector_load %arg5[%get3A_778] {strides = array<i32>} : memref<32768xf32, #tpu.memory_space<vmem>>, vector<16xf32>,
        %ge3A_780 = vector.broadcast %get3A_140 : f32 to vector<16xf32>
        %ge3A_781 = arith.cmpf oge, %get3A_779, %ge3A_780 : vector<16xf32>
        %convert_element_type3A_782 = arith.extui %ge3A_781 : vector<16xi1> to vector<16xi32>
        %broadcast_in_dim3A_783 = arith.constant true
        %broadcast_in_dim3A_784 = vector.broadcast %broadcast_in_dim3A_783 : i1 to vector<16xi1>
        %masked_cumsum3A_785 = tpu.scan <sum>, %convert_element_type3A_782 masked %broadcast_in_dim3A_784 : vector<16xi32>, vector<16xi1> -> vector<16xi32>
        %add3A_786 = arith.addi %add3A_775, %masked_cumsum3A_785 : vector<16xi32>
        %sub3A_787 = arith.constant 1 : i32
        %sub3A_788 = vector.broadcast %sub3A_787 : i32 to vector<16xi32>
        %sub3A_789 = arith.subi %add3A_786, %sub3A_788 : vector<16xi32>
        %max3A_790 = arith.constant 0 : i32
        %max3A_791 = vector.broadcast %max3A_790 : i32 to vector<16xi32>
        %max3A_792 = arith.maxsi %sub3A_789, %max3A_791 : vector<16xi32>
        tpu.vector_store_idx %arg8[%max3A_792], %get3A_779 masked %ge3A_781 : memref<800xf32, #tpu.memory_space<vmem>>[vector<16xi32>], vector<16xf32>, vector<16xi1>
        %add3A_793 = vector.broadcast %add3A_777 : i32 to vector<16xi32>
        %add3A_794 = arith.addi %add3A_793, %iota3A : vector<16xi32>
        tpu.vector_store_idx %arg9[%max3A_792], %add3A_794 masked %ge3A_781 : memref<800xi32, #tpu.memory_space<vmem>>[vector<16xi32>], vector<16xi32>, vector<16xi1>
        %all_reduce_population_count3A_795 = tpu.all_reduce %ge3A_781 {dim = 0 : i64, kind = #tpu.reduction_kind<sum>} : vector<16xi1> -> vector<16xi32>
        %add3A_796 = arith.addi %add3A_775, %all_reduce_population_count3A_795 : vector<16xi32>
        %add3A_797 = arith.constant 496 : i32
        %add3A_798 = arith.addi %mul3A_148, %add3A_797 : i32
        %get3A_799 = arith.index_cast %add3A_798 : i32 to index
        %get3A_800 = tpu.vector_load %arg5[%get3A_799] {strides = array<i32>} : memref<32768xf32, #tpu.memory_space<vmem>>, vector<16xf32>,
        %ge3A_801 = vector.broadcast %get3A_140 : f32 to vector<16xf32>
        %ge3A_802 = arith.cmpf oge, %get3A_800, %ge3A_801 : vector<16xf32>
        %convert_element_type3A_803 = arith.extui %ge3A_802 : vector<16xi1> to vector<16xi32>
        %broadcast_in_dim3A_804 = arith.constant true
        %broadcast_in_dim3A_805 = vector.broadcast %broadcast_in_dim3A_804 : i1 to vector<16xi1>
        %masked_cumsum3A_806 = tpu.scan <sum>, %convert_element_type3A_803 masked %broadcast_in_dim3A_805 : vector<16xi32>, vector<16xi1> -> vector<16xi32>
        %add3A_807 = arith.addi %add3A_796, %masked_cumsum3A_806 : vector<16xi32>
        %sub3A_808 = arith.constant 1 : i32
        %sub3A_809 = vector.broadcast %sub3A_808 : i32 to vector<16xi32>
        %sub3A_810 = arith.subi %add3A_807, %sub3A_809 : vector<16xi32>
        %max3A_811 = arith.constant 0 : i32
        %max3A_812 = vector.broadcast %max3A_811 : i32 to vector<16xi32>
        %max3A_813 = arith.maxsi %sub3A_810, %max3A_812 : vector<16xi32>
        tpu.vector_store_idx %arg8[%max3A_813], %get3A_800 masked %ge3A_802 : memref<800xf32, #tpu.memory_space<vmem>>[vector<16xi32>], vector<16xf32>, vector<16xi1>
        %add3A_814 = vector.broadcast %add3A_798 : i32 to vector<16xi32>
        %add3A_815 = arith.addi %add3A_814, %iota3A : vector<16xi32>
        tpu.vector_store_idx %arg9[%max3A_813], %add3A_815 masked %ge3A_802 : memref<800xi32, #tpu.memory_space<vmem>>[vector<16xi32>], vector<16xi32>, vector<16xi1>
        %all_reduce_population_count3A_816 = tpu.all_reduce %ge3A_802 {dim = 0 : i64, kind = #tpu.reduction_kind<sum>} : vector<16xi1> -> vector<16xi32>
        %add3A_817 = arith.addi %add3A_796, %all_reduce_population_count3A_816 : vector<16xi32>
        %slice3A_818 = vector.extract_strided_slice %add3A_817 {offsets = [0], sizes = [1], strides = [1]} : vector<16xi32> to vector<1xi32>
        %squeeze3A_819 = vector.extract %slice3A_818[0] : i32 from vector<1xi32>
        %swap3A_820 = arith.constant 0 : i32
        %swap3A_821 = arith.index_cast %swap3A_820 : i32 to index
        %swap3A_822 = memref.load %arg13[%swap3A_821] : memref<1xi32, #tpu.memory_space<smem>>
        memref.store %squeeze3A_819, %arg13[%swap3A_821] : memref<1xi32, #tpu.memory_space<smem>>
        %get3A_823 = arith.constant 0 : i32
        %get3A_824 = arith.index_cast %get3A_823 : i32 to index
        %get3A_825 = memref.load %arg13[%get3A_824] : memref<1xi32, #tpu.memory_space<smem>>
        %ge3A_826 = arith.constant 256 : i32
        %ge3A_827 = arith.cmpi sge, %get3A_825, %ge3A_826 : i32
        %convert_element_type3A_828 = arith.extui %ge3A_827 : i1 to i32
        %cond3A_829 = arith.constant 0 : i32
        %cond3A_830 = arith.cmpi ne, %convert_element_type3A_828, %cond3A_829 : i32
        scf.if %cond3A_830 {
          %get3A_832 = arith.constant 0 : i32
          %get3A_833 = arith.index_cast %get3A_832 : i32 to index
          %get3A_834 = memref.load %arg13[%get3A_833] : memref<1xi32, #tpu.memory_space<smem>>
          %jit3A_835 = arith.constant 16 : i32
          %div3A_836 = arith.divsi %get3A_834, %jit3A_835 : i32
          %sign3A_837 = arith.constant 0 : i32
          %sign3A_838 = arith.cmpi sgt, %get3A_834, %sign3A_837 : i32
          %sign3A_839 = arith.extui %sign3A_838 : i1 to i32
          %sign3A_840 = arith.constant 0 : i32
          %sign3A_841 = arith.cmpi slt, %get3A_834, %sign3A_840 : i32
          %sign3A_842 = arith.extui %sign3A_841 : i1 to i32
          %sign3A_843 = arith.subi %sign3A_839, %sign3A_842 : i32
          %sign3A_844 = arith.constant 0 : i32
          %sign3A_845 = arith.cmpi sgt, %jit3A_835, %sign3A_844 : i32
          %sign3A_846 = arith.extui %sign3A_845 : i1 to i32
          %sign3A_847 = arith.constant 0 : i32
          %sign3A_848 = arith.cmpi slt, %jit3A_835, %sign3A_847 : i32
          %sign3A_849 = arith.extui %sign3A_848 : i1 to i32
          %sign3A_850 = arith.subi %sign3A_846, %sign3A_849 : i32
          %ne3A_851 = arith.cmpi ne, %sign3A_843, %sign3A_850 : i32
          %rem3A_852 = arith.remsi %get3A_834, %jit3A_835 : i32
          %ne3A_853 = arith.constant 0 : i32
          %ne3A_854 = arith.cmpi ne, %rem3A_852, %ne3A_853 : i32
          %and3A_855 = arith.andi %ne3A_851, %ne3A_854 : i1
          %sub3A_856 = arith.constant 1 : i32
          %sub3A_857 = arith.subi %div3A_836, %sub3A_856 : i32
          %select_n3A_858 = arith.select %and3A_855, %sub3A_857, %div3A_836 : i32
          %add3A_859 = arith.constant 64 : i32
          %add3A_860 = arith.addi %add3A_859, %select_n3A_858 : i32
          %sub3A_861 = arith.constant 1 : i32
          %sub3A_862 = arith.subi %add3A_860, %sub3A_861 : i32
          %div3A_863 = arith.divsi %sub3A_862, %select_n3A_858 : i32
          %sign3A_864 = arith.constant 0 : i32
          %sign3A_865 = arith.cmpi sgt, %sub3A_862, %sign3A_864 : i32
          %sign3A_866 = arith.extui %sign3A_865 : i1 to i32
          %sign3A_867 = arith.constant 0 : i32
          %sign3A_868 = arith.cmpi slt, %sub3A_862, %sign3A_867 : i32
          %sign3A_869 = arith.extui %sign3A_868 : i1 to i32
          %sign3A_870 = arith.subi %sign3A_866, %sign3A_869 : i32
          %sign3A_871 = arith.constant 0 : i32
          %sign3A_872 = arith.cmpi sgt, %select_n3A_858, %sign3A_871 : i32
          %sign3A_873 = arith.extui %sign3A_872 : i1 to i32
          %sign3A_874 = arith.constant 0 : i32
          %sign3A_875 = arith.cmpi slt, %select_n3A_858, %sign3A_874 : i32
          %sign3A_876 = arith.extui %sign3A_875 : i1 to i32
          %sign3A_877 = arith.subi %sign3A_873, %sign3A_876 : i32
          %ne3A_878 = arith.cmpi ne, %sign3A_870, %sign3A_877 : i32
          %rem3A_879 = arith.remsi %sub3A_862, %select_n3A_858 : i32
          %ne3A_880 = arith.constant 0 : i32
          %ne3A_881 = arith.cmpi ne, %rem3A_879, %ne3A_880 : i32
          %and3A_882 = arith.andi %ne3A_878, %ne3A_881 : i1
          %sub3A_883 = arith.constant 1 : i32
          %sub3A_884 = arith.subi %div3A_863, %sub3A_883 : i32
          %select_n3A_885 = arith.select %and3A_882, %sub3A_884, %div3A_863 : i32
          %add3A_886 = arith.constant 16 : i32
          %add3A_887 = arith.addi %get3A_834, %add3A_886 : i32
          %sub3A_888 = arith.constant 1 : i32
          %sub3A_889 = arith.subi %add3A_887, %sub3A_888 : i32
          %jit3A_890 = arith.constant 16 : i32
          %div3A_891 = arith.divsi %sub3A_889, %jit3A_890 : i32
          %sign3A_892 = arith.constant 0 : i32
          %sign3A_893 = arith.cmpi sgt, %sub3A_889, %sign3A_892 : i32
          %sign3A_894 = arith.extui %sign3A_893 : i1 to i32
          %sign3A_895 = arith.constant 0 : i32
          %sign3A_896 = arith.cmpi slt, %sub3A_889, %sign3A_895 : i32
          %sign3A_897 = arith.extui %sign3A_896 : i1 to i32
          %sign3A_898 = arith.subi %sign3A_894, %sign3A_897 : i32
          %sign3A_899 = arith.constant 0 : i32
          %sign3A_900 = arith.cmpi sgt, %jit3A_890, %sign3A_899 : i32
          %sign3A_901 = arith.extui %sign3A_900 : i1 to i32
          %sign3A_902 = arith.constant 0 : i32
          %sign3A_903 = arith.cmpi slt, %jit3A_890, %sign3A_902 : i32
          %sign3A_904 = arith.extui %sign3A_903 : i1 to i32
          %sign3A_905 = arith.subi %sign3A_901, %sign3A_904 : i32
          %ne3A_906 = arith.cmpi ne, %sign3A_898, %sign3A_905 : i32
          %rem3A_907 = arith.remsi %sub3A_889, %jit3A_890 : i32
          %ne3A_908 = arith.constant 0 : i32
          %ne3A_909 = arith.cmpi ne, %rem3A_907, %ne3A_908 : i32
          %and3A_910 = arith.andi %ne3A_906, %ne3A_909 : i1
          %sub3A_911 = arith.constant 1 : i32
          %sub3A_912 = arith.subi %div3A_891, %sub3A_911 : i32
          %select_n3A_913 = arith.select %and3A_910, %sub3A_912, %div3A_891 : i32
          %broadcast_in_dim3A_914 = arith.constant 0x7F800000 : f32
          %broadcast_in_dim3A_915 = vector.broadcast %broadcast_in_dim3A_914 : f32 to vector<16xf32>
          %while3A = arith.constant 0 : i32
          %while3A_916 = arith.subi %select_n3A_858, %while3A : i32
          %while3A_917 = arith.addi %while3A, %while3A_916 : i32
          %while3A_918 = arith.constant 1 : i32
          %while3A_919 = arith.divsi %while3A_916, %while3A_918 : i32
          %while3A_920 = arith.muli %while3A_919, %while3A_918 : i32
          %while3A_921 = arith.addi %while3A, %while3A_920 : i32
          %while3A_922 = arith.constant 1 : i32
          %while3A_923 = scf.for %while3A_980 = %while3A to %while3A_921 step %while3A_922 iter_args(%while3A_981 = %broadcast_in_dim3A_915) -> (vector<16xf32>)  : i32 {
            %mul3A_982 = arith.constant 16 : i32
            %mul3A_983 = arith.muli %while3A_980, %mul3A_982 : i32
            %get3A_984 = arith.index_cast %mul3A_983 : i32 to index
            %get3A_985 = tpu.vector_load %arg8[%get3A_984] {strides = array<i32>} : memref<800xf32, #tpu.memory_space<vmem>>, vector<16xf32>,
            %sort3A_986 = arith.constant dense<true> : vector<16xi1>
            %sort3A_987, %sort3A_988, %sort3A_989 = tpu.sort %get3A_985, %get3A_985 masked %sort3A_986 : (vector<16xf32>, vector<16xf32>, vector<16xi1>) -> (vector<16xi1>, vector<16xf32>, vector<16xf32>)
            %min3A_990 = arith.minimumf %while3A_981, %sort3A_988 : vector<16xf32>
            scf.yield %min3A_990 : vector<16xf32>
          }
          %while3A_924 = arith.constant 1 : i32
          %while3A_925 = scf.for %while3A_980 = %while3A_921 to %while3A_917 step %while3A_924 iter_args(%while3A_981 = %while3A_923) -> (vector<16xf32>)  : i32 {
            %mul3A_982 = arith.constant 16 : i32
            %mul3A_983 = arith.muli %while3A_980, %mul3A_982 : i32
            %get3A_984 = arith.index_cast %mul3A_983 : i32 to index
            %get3A_985 = tpu.vector_load %arg8[%get3A_984] {strides = array<i32>} : memref<800xf32, #tpu.memory_space<vmem>>, vector<16xf32>,
            %sort3A_986 = arith.constant dense<true> : vector<16xi1>
            %sort3A_987, %sort3A_988, %sort3A_989 = tpu.sort %get3A_985, %get3A_985 masked %sort3A_986 : (vector<16xf32>, vector<16xf32>, vector<16xi1>) -> (vector<16xi1>, vector<16xf32>, vector<16xf32>)
            %min3A_990 = arith.minimumf %while3A_981, %sort3A_988 : vector<16xf32>
            scf.yield %min3A_990 : vector<16xf32>
          }
          %sub3A_926 = arith.constant 16 : i32
          %sub3A_927 = arith.subi %sub3A_926, %select_n3A_885 : i32
          %eq3A = vector.broadcast %sub3A_927 : i32 to vector<16xi32>
          %eq3A_928 = arith.cmpi eq, %iota3A, %eq3A : vector<16xi32>
          %jit3A_929 = arith.constant 0x7F800000 : f32
          %broadcast_in_dim3A_930 = vector.broadcast %jit3A_929 : f32 to vector<16xf32>
          %select_n3A_931 = arith.select %eq3A_928, %while3A_925, %broadcast_in_dim3A_930 : vector<16xi1>, vector<16xf32>
          %sort3A_932 = arith.constant dense<true> : vector<16xi1>
          %sort3A_933, %sort3A_934, %sort3A_935 = tpu.sort %select_n3A_931, %select_n3A_931 masked %sort3A_932 : (vector<16xf32>, vector<16xf32>, vector<16xi1>) -> (vector<16xi1>, vector<16xf32>, vector<16xf32>)
          %slice3A_936 = vector.extract_strided_slice %sort3A_934 {offsets = [0], sizes = [1], strides = [1]} : vector<16xf32> to vector<1xf32>
          %squeeze3A_937 = vector.extract %slice3A_936[0] : f32 from vector<1xf32>
          %broadcast_in_dim3A_938 = arith.constant 0 : i32
          %broadcast_in_dim3A_939 = vector.broadcast %broadcast_in_dim3A_938 : i32 to vector<16xi32>
          %while3A_940 = arith.constant 0 : i32
          %while3A_941 = arith.subi %select_n3A_913, %while3A_940 : i32
          %while3A_942 = arith.addi %while3A_940, %while3A_941 : i32
          %while3A_943 = arith.constant 1 : i32
          %while3A_944 = arith.divsi %while3A_941, %while3A_943 : i32
          %while3A_945 = arith.muli %while3A_944, %while3A_943 : i32
          %while3A_946 = arith.addi %while3A_940, %while3A_945 : i32
          %while3A_947 = arith.constant 1 : i32
          %while3A_948 = scf.for %while3A_980 = %while3A_940 to %while3A_946 step %while3A_947 iter_args(%while3A_981 = %broadcast_in_dim3A_939) -> (vector<16xi32>)  : i32 {
            %mul3A_982 = arith.constant 16 : i32
            %mul3A_983 = arith.muli %while3A_980, %mul3A_982 : i32
            %get3A_984 = arith.index_cast %mul3A_983 : i32 to index
            %get3A_985 = tpu.vector_load %arg8[%get3A_984] {strides = array<i32>} : memref<800xf32, #tpu.memory_space<vmem>>, vector<16xf32>,
            %get3A_986 = arith.index_cast %mul3A_983 : i32 to index
            %get3A_987 = tpu.vector_load %arg9[%get3A_986] {strides = array<i32>} : memref<800xi32, #tpu.memory_space<vmem>>, vector<16xi32>,
            %ge3A_988 = vector.broadcast %squeeze3A_937 : f32 to vector<16xf32>
            %ge3A_989 = arith.cmpf oge, %get3A_985, %ge3A_988 : vector<16xf32>
            %convert_element_type3A_990 = arith.extui %ge3A_989 : vector<16xi1> to vector<16xi32>
            %broadcast_in_dim3A_991 = arith.constant true
            %broadcast_in_dim3A_992 = vector.broadcast %broadcast_in_dim3A_991 : i1 to vector<16xi1>
            %masked_cumsum3A_993 = tpu.scan <sum>, %convert_element_type3A_990 masked %broadcast_in_dim3A_992 : vector<16xi32>, vector<16xi1> -> vector<16xi32>
            %add3A_994 = arith.addi %while3A_981, %masked_cumsum3A_993 : vector<16xi32>
            %sub3A_995 = arith.constant 1 : i32
            %sub3A_996 = vector.broadcast %sub3A_995 : i32 to vector<16xi32>
            %sub3A_997 = arith.subi %add3A_994, %sub3A_996 : vector<16xi32>
            %max3A_998 = arith.constant 0 : i32
            %max3A_999 = vector.broadcast %max3A_998 : i32 to vector<16xi32>
            %max3A_1000 = arith.maxsi %sub3A_997, %max3A_999 : vector<16xi32>
            tpu.vector_store_idx %arg8[%max3A_1000], %get3A_985 masked %ge3A_989 : memref<800xf32, #tpu.memory_space<vmem>>[vector<16xi32>], vector<16xf32>, vector<16xi1>
            tpu.vector_store_idx %arg9[%max3A_1000], %get3A_987 masked %ge3A_989 : memref<800xi32, #tpu.memory_space<vmem>>[vector<16xi32>], vector<16xi32>, vector<16xi1>
            %all_reduce_population_count3A_1001 = tpu.all_reduce %ge3A_989 {dim = 0 : i64, kind = #tpu.reduction_kind<sum>} : vector<16xi1> -> vector<16xi32>
            %add3A_1002 = arith.addi %while3A_981, %all_reduce_population_count3A_1001 : vector<16xi32>
            scf.yield %add3A_1002 : vector<16xi32>
          }
          %while3A_949 = arith.constant 1 : i32
          %while3A_950 = scf.for %while3A_980 = %while3A_946 to %while3A_942 step %while3A_949 iter_args(%while3A_981 = %while3A_948) -> (vector<16xi32>)  : i32 {
            %mul3A_982 = arith.constant 16 : i32
            %mul3A_983 = arith.muli %while3A_980, %mul3A_982 : i32
            %get3A_984 = arith.index_cast %mul3A_983 : i32 to index
            %get3A_985 = tpu.vector_load %arg8[%get3A_984] {strides = array<i32>} : memref<800xf32, #tpu.memory_space<vmem>>, vector<16xf32>,
            %get3A_986 = arith.index_cast %mul3A_983 : i32 to index
            %get3A_987 = tpu.vector_load %arg9[%get3A_986] {strides = array<i32>} : memref<800xi32, #tpu.memory_space<vmem>>, vector<16xi32>,
            %ge3A_988 = vector.broadcast %squeeze3A_937 : f32 to vector<16xf32>
            %ge3A_989 = arith.cmpf oge, %get3A_985, %ge3A_988 : vector<16xf32>
            %convert_element_type3A_990 = arith.extui %ge3A_989 : vector<16xi1> to vector<16xi32>
            %broadcast_in_dim3A_991 = arith.constant true
            %broadcast_in_dim3A_992 = vector.broadcast %broadcast_in_dim3A_991 : i1 to vector<16xi1>
            %masked_cumsum3A_993 = tpu.scan <sum>, %convert_element_type3A_990 masked %broadcast_in_dim3A_992 : vector<16xi32>, vector<16xi1> -> vector<16xi32>
            %add3A_994 = arith.addi %while3A_981, %masked_cumsum3A_993 : vector<16xi32>
            %sub3A_995 = arith.constant 1 : i32
            %sub3A_996 = vector.broadcast %sub3A_995 : i32 to vector<16xi32>
            %sub3A_997 = arith.subi %add3A_994, %sub3A_996 : vector<16xi32>
            %max3A_998 = arith.constant 0 : i32
            %max3A_999 = vector.broadcast %max3A_998 : i32 to vector<16xi32>
            %max3A_1000 = arith.maxsi %sub3A_997, %max3A_999 : vector<16xi32>
            tpu.vector_store_idx %arg8[%max3A_1000], %get3A_985 masked %ge3A_989 : memref<800xf32, #tpu.memory_space<vmem>>[vector<16xi32>], vector<16xf32>, vector<16xi1>
            tpu.vector_store_idx %arg9[%max3A_1000], %get3A_987 masked %ge3A_989 : memref<800xi32, #tpu.memory_space<vmem>>[vector<16xi32>], vector<16xi32>, vector<16xi1>
            %all_reduce_population_count3A_1001 = tpu.all_reduce %ge3A_989 {dim = 0 : i64, kind = #tpu.reduction_kind<sum>} : vector<16xi1> -> vector<16xi32>
            %add3A_1002 = arith.addi %while3A_981, %all_reduce_population_count3A_1001 : vector<16xi32>
            scf.yield %add3A_1002 : vector<16xi32>
          }
          %slice3A_951 = vector.extract_strided_slice %while3A_950 {offsets = [0], sizes = [1], strides = [1]} : vector<16xi32> to vector<1xi32>
          %squeeze3A_952 = vector.extract %slice3A_951[0] : i32 from vector<1xi32>
          %while3A_953 = arith.constant 0 : i32
          %while3A_954 = arith.constant 0 : i32
          %while3A_955 = arith.subi %select_n3A_913, %while3A_953 : i32
          %while3A_956 = arith.addi %while3A_953, %while3A_955 : i32
          %while3A_957 = arith.constant 1 : i32
          %while3A_958 = arith.divsi %while3A_955, %while3A_957 : i32
          %while3A_959 = arith.muli %while3A_958, %while3A_957 : i32
          %while3A_960 = arith.addi %while3A_953, %while3A_959 : i32
          %while3A_961 = arith.constant 1 : i32
          %while3A_962 = scf.for %while3A_980 = %while3A_953 to %while3A_960 step %while3A_961 iter_args(%while3A_981 = %while3A_954) -> (i32)  : i32 {
            %mul3A_982 = arith.constant 16 : i32
            %mul3A_983 = arith.muli %while3A_980, %mul3A_982 : i32
            %mul3A_984 = arith.constant 16 : i32
            %mul3A_985 = arith.muli %while3A_980, %mul3A_984 : i32
            %add3A_986 = vector.broadcast %mul3A_985 : i32 to vector<16xi32>
            %add3A_987 = arith.addi %add3A_986, %iota3A : vector<16xi32>
            %lt3A = vector.broadcast %squeeze3A_952 : i32 to vector<16xi32>
            %lt3A_988 = arith.cmpi slt, %add3A_987, %lt3A : vector<16xi32>
            %get3A_989 = arith.index_cast %mul3A_983 : i32 to index
            %get3A_990 = tpu.vector_load %arg8[%get3A_989] {strides = array<i32>} : memref<800xf32, #tpu.memory_space<vmem>>, vector<16xf32>,
            %jit3A_991 = arith.constant 0xFF800000 : f32
            %broadcast_in_dim3A_992 = vector.broadcast %jit3A_991 : f32 to vector<16xf32>
            %select_n3A_993 = arith.select %lt3A_988, %get3A_990, %broadcast_in_dim3A_992 : vector<16xi1>, vector<16xf32>
            %swap3A_994 = arith.index_cast %mul3A_983 : i32 to index
            %swap3A_995 = tpu.vector_load %arg8[%swap3A_994] {strides = array<i32>} : memref<800xf32, #tpu.memory_space<vmem>>, vector<16xf32>,
            tpu.vector_store %arg8[%swap3A_994], %select_n3A_993 {strides = array<i32>} : memref<800xf32, #tpu.memory_space<vmem>>, vector<16xf32>,
            %get3A_996 = arith.index_cast %mul3A_983 : i32 to index
            %get3A_997 = tpu.vector_load %arg9[%get3A_996] {strides = array<i32>} : memref<800xi32, #tpu.memory_space<vmem>>, vector<16xi32>,
            %jit3A_998 = arith.constant 2147483632 : i32
            %broadcast_in_dim3A_999 = vector.broadcast %jit3A_998 : i32 to vector<16xi32>
            %select_n3A_1000 = arith.select %lt3A_988, %get3A_997, %broadcast_in_dim3A_999 : vector<16xi1>, vector<16xi32>
            %swap3A_1001 = arith.index_cast %mul3A_983 : i32 to index
            %swap3A_1002 = tpu.vector_load %arg9[%swap3A_1001] {strides = array<i32>} : memref<800xi32, #tpu.memory_space<vmem>>, vector<16xi32>,
            tpu.vector_store %arg9[%swap3A_1001], %select_n3A_1000 {strides = array<i32>} : memref<800xi32, #tpu.memory_space<vmem>>, vector<16xi32>,
            %while3A_1003 = arith.constant 0 : i32
            scf.yield %while3A_1003 : i32
          }
          %while3A_963 = arith.constant 1 : i32
          %while3A_964 = scf.for %while3A_980 = %while3A_960 to %while3A_956 step %while3A_963 iter_args(%while3A_981 = %while3A_962) -> (i32)  : i32 {
            %mul3A_982 = arith.constant 16 : i32
            %mul3A_983 = arith.muli %while3A_980, %mul3A_982 : i32
            %mul3A_984 = arith.constant 16 : i32
            %mul3A_985 = arith.muli %while3A_980, %mul3A_984 : i32
            %add3A_986 = vector.broadcast %mul3A_985 : i32 to vector<16xi32>
            %add3A_987 = arith.addi %add3A_986, %iota3A : vector<16xi32>
            %lt3A = vector.broadcast %squeeze3A_952 : i32 to vector<16xi32>
            %lt3A_988 = arith.cmpi slt, %add3A_987, %lt3A : vector<16xi32>
            %get3A_989 = arith.index_cast %mul3A_983 : i32 to index
            %get3A_990 = tpu.vector_load %arg8[%get3A_989] {strides = array<i32>} : memref<800xf32, #tpu.memory_space<vmem>>, vector<16xf32>,
            %jit3A_991 = arith.constant 0xFF800000 : f32
            %broadcast_in_dim3A_992 = vector.broadcast %jit3A_991 : f32 to vector<16xf32>
            %select_n3A_993 = arith.select %lt3A_988, %get3A_990, %broadcast_in_dim3A_992 : vector<16xi1>, vector<16xf32>
            %swap3A_994 = arith.index_cast %mul3A_983 : i32 to index
            %swap3A_995 = tpu.vector_load %arg8[%swap3A_994] {strides = array<i32>} : memref<800xf32, #tpu.memory_space<vmem>>, vector<16xf32>,
            tpu.vector_store %arg8[%swap3A_994], %select_n3A_993 {strides = array<i32>} : memref<800xf32, #tpu.memory_space<vmem>>, vector<16xf32>,
            %get3A_996 = arith.index_cast %mul3A_983 : i32 to index
            %get3A_997 = tpu.vector_load %arg9[%get3A_996] {strides = array<i32>} : memref<800xi32, #tpu.memory_space<vmem>>, vector<16xi32>,
            %jit3A_998 = arith.constant 2147483632 : i32
            %broadcast_in_dim3A_999 = vector.broadcast %jit3A_998 : i32 to vector<16xi32>
            %select_n3A_1000 = arith.select %lt3A_988, %get3A_997, %broadcast_in_dim3A_999 : vector<16xi1>, vector<16xi32>
            %swap3A_1001 = arith.index_cast %mul3A_983 : i32 to index
            %swap3A_1002 = tpu.vector_load %arg9[%swap3A_1001] {strides = array<i32>} : memref<800xi32, #tpu.memory_space<vmem>>, vector<16xi32>,
            tpu.vector_store %arg9[%swap3A_1001], %select_n3A_1000 {strides = array<i32>} : memref<800xi32, #tpu.memory_space<vmem>>, vector<16xi32>,
            %while3A_1003 = arith.constant 0 : i32
            scf.yield %while3A_1003 : i32
          }
          %get3A_965 = arith.constant 0 : i32
          %get3A_966 = arith.index_cast %get3A_965 : i32 to index
          %get3A_967 = memref.load %arg12[%get3A_966] : memref<1xf32, #tpu.memory_space<smem>>
          %max3A_968 = arith.maximumf %get3A_967, %squeeze3A_937 : f32
          %swap3A_969 = arith.constant 0 : i32
          %swap3A_970 = arith.index_cast %swap3A_969 : i32 to index
          %swap3A_971 = memref.load %arg12[%swap3A_970] : memref<1xf32, #tpu.memory_space<smem>>
          memref.store %max3A_968, %arg12[%swap3A_970] : memref<1xf32, #tpu.memory_space<smem>>
          %swap3A_972 = arith.constant 0 : i32
          %swap3A_973 = arith.index_cast %swap3A_972 : i32 to index
          %swap3A_974 = memref.load %arg13[%swap3A_973] : memref<1xi32, #tpu.memory_space<smem>>
          memref.store %squeeze3A_952, %arg13[%swap3A_973] : memref<1xi32, #tpu.memory_space<smem>>
          %ge3A_975 = arith.constant 192 : i32
          %ge3A_976 = arith.cmpi sge, %squeeze3A_952, %ge3A_975 : i32
          %convert_element_type3A_977 = arith.extui %ge3A_976 : i1 to i32
          %cond3A_978 = arith.constant 0 : i32
          %cond3A_979 = arith.cmpi ne, %convert_element_type3A_977, %cond3A_978 : i32
          scf.if %cond3A_979 {
            %get3A_980 = arith.constant 0 : i32
            %get3A_981 = arith.index_cast %get3A_980 : i32 to index
            %get3A_982 = memref.load %arg13[%get3A_981] : memref<1xi32, #tpu.memory_space<smem>>
            %add3A_983 = arith.constant 16 : i32
            %add3A_984 = arith.addi %get3A_982, %add3A_983 : i32
            %sub3A_985 = arith.constant 1 : i32
            %sub3A_986 = arith.subi %add3A_984, %sub3A_985 : i32
            %jit3A_987 = arith.constant 16 : i32
            %div3A_988 = arith.divsi %sub3A_986, %jit3A_987 : i32
            %sign3A_989 = arith.constant 0 : i32
            %sign3A_990 = arith.cmpi sgt, %sub3A_986, %sign3A_989 : i32
            %sign3A_991 = arith.extui %sign3A_990 : i1 to i32
            %sign3A_992 = arith.constant 0 : i32
            %sign3A_993 = arith.cmpi slt, %sub3A_986, %sign3A_992 : i32
            %sign3A_994 = arith.extui %sign3A_993 : i1 to i32
            %sign3A_995 = arith.subi %sign3A_991, %sign3A_994 : i32
            %sign3A_996 = arith.constant 0 : i32
            %sign3A_997 = arith.cmpi sgt, %jit3A_987, %sign3A_996 : i32
            %sign3A_998 = arith.extui %sign3A_997 : i1 to i32
            %sign3A_999 = arith.constant 0 : i32
            %sign3A_1000 = arith.cmpi slt, %jit3A_987, %sign3A_999 : i32
            %sign3A_1001 = arith.extui %sign3A_1000 : i1 to i32
            %sign3A_1002 = arith.subi %sign3A_998, %sign3A_1001 : i32
            %ne3A_1003 = arith.cmpi ne, %sign3A_995, %sign3A_1002 : i32
            %rem3A_1004 = arith.remsi %sub3A_986, %jit3A_987 : i32
            %ne3A_1005 = arith.constant 0 : i32
            %ne3A_1006 = arith.cmpi ne, %rem3A_1004, %ne3A_1005 : i32
            %and3A_1007 = arith.andi %ne3A_1003, %ne3A_1006 : i1
            %sub3A_1008 = arith.constant 1 : i32
            %sub3A_1009 = arith.subi %div3A_988, %sub3A_1008 : i32
            %select_n3A_1010 = arith.select %and3A_1007, %sub3A_1009, %div3A_988 : i32
            %iota3A_1011 = tpu.iota {dimensions = array<i32: 0>} : vector<16xi32>
            %scan3A_1012 = arith.constant 0x7F800000 : f32
            %scan3A_1013 = arith.constant -1 : i32
            %scan3A_1014 = arith.constant 0 : i32
            %scan3A_1015 = arith.constant 64 : i32
            %scan3A_1016 = arith.addi %scan3A_1014, %scan3A_1015 : i32
            %scan3A_1017 = arith.constant 1 : i32
            %scan3A_1018:2 = scf.for %scan3A_1049 = %scan3A_1014 to %scan3A_1016 step %scan3A_1017 iter_args(%scan3A_1050 = %scan3A_1012, %scan3A_1051 = %scan3A_1013) -> (f32, i32)  : i32 {
              %broadcast_in_dim3A_1052 = arith.constant 0xFF800000 : f32
              %broadcast_in_dim3A_1053 = vector.broadcast %broadcast_in_dim3A_1052 : f32 to vector<16xf32>
              %broadcast_in_dim3A_1054 = arith.constant 2147483632 : i32
              %broadcast_in_dim3A_1055 = vector.broadcast %broadcast_in_dim3A_1054 : i32 to vector<16xi32>
              %while3A_1056 = arith.constant 0 : i32
              %while3A_1057 = arith.subi %select_n3A_1010, %while3A_1056 : i32
              %while3A_1058 = arith.addi %while3A_1056, %while3A_1057 : i32
              %while3A_1059 = arith.constant 1 : i32
              %while3A_1060 = arith.divsi %while3A_1057, %while3A_1059 : i32
              %while3A_1061 = arith.muli %while3A_1060, %while3A_1059 : i32
              %while3A_1062 = arith.addi %while3A_1056, %while3A_1061 : i32
              %while3A_1063 = arith.constant 1 : i32
              %while3A_1064:2 = scf.for %while3A_1141 = %while3A_1056 to %while3A_1062 step %while3A_1063 iter_args(%while3A_1142 = %broadcast_in_dim3A_1053, %while3A_1143 = %broadcast_in_dim3A_1055) -> (vector<16xf32>, vector<16xi32>)  : i32 {
                %mul3A_1144 = arith.constant 16 : i32
                %mul3A_1145 = arith.muli %while3A_1141, %mul3A_1144 : i32
                %get3A_1146 = arith.index_cast %mul3A_1145 : i32 to index
                %get3A_1147 = tpu.vector_load %arg8[%get3A_1146] {strides = array<i32>} : memref<800xf32, #tpu.memory_space<vmem>>, vector<16xf32>,
                %get3A_1148 = arith.index_cast %mul3A_1145 : i32 to index
                %get3A_1149 = tpu.vector_load %arg9[%get3A_1148] {strides = array<i32>} : memref<800xi32, #tpu.memory_space<vmem>>, vector<16xi32>,
                %eq3A_1150 = vector.broadcast %scan3A_1050 : f32 to vector<16xf32>
                %eq3A_1151 = arith.cmpf oeq, %get3A_1147, %eq3A_1150 : vector<16xf32>
                %eq3A_1152 = vector.broadcast %scan3A_1051 : i32 to vector<16xi32>
                %eq3A_1153 = arith.cmpi eq, %get3A_1149, %eq3A_1152 : vector<16xi32>
                %and3A_1154 = arith.andi %eq3A_1151, %eq3A_1153 : vector<16xi1>
                %jit3A_1155 = arith.constant 0xFF800000 : f32
                %broadcast_in_dim3A_1156 = vector.broadcast %jit3A_1155 : f32 to vector<16xf32>
                %select_n3A_1157 = arith.select %and3A_1154, %broadcast_in_dim3A_1156, %get3A_1147 : vector<16xi1>, vector<16xf32>
                %swap3A_1158 = arith.index_cast %mul3A_1145 : i32 to index
                %swap3A_1159 = tpu.vector_load %arg8[%swap3A_1158] {strides = array<i32>} : memref<800xf32, #tpu.memory_space<vmem>>, vector<16xf32>,
                tpu.vector_store %arg8[%swap3A_1158], %select_n3A_1157 {strides = array<i32>} : memref<800xf32, #tpu.memory_space<vmem>>, vector<16xf32>,
                %gt3A = arith.cmpf ogt, %select_n3A_1157, %while3A_1142 : vector<16xf32>
                %eq3A_1160 = arith.cmpf oeq, %select_n3A_1157, %while3A_1142 : vector<16xf32>
                %lt3A_1161 = arith.cmpi slt, %get3A_1149, %while3A_1143 : vector<16xi32>
                %and3A_1162 = arith.andi %eq3A_1160, %lt3A_1161 : vector<16xi1>
                %or3A = arith.ori %gt3A, %and3A_1162 : vector<16xi1>
                %select_n3A_1163 = arith.select %or3A, %select_n3A_1157, %while3A_1142 : vector<16xi1>, vector<16xf32>
                %select_n3A_1164 = arith.select %or3A, %get3A_1149, %while3A_1143 : vector<16xi1>, vector<16xi32>
                scf.yield %select_n3A_1163, %select_n3A_1164 : vector<16xf32>, vector<16xi32>
              }
              %while3A_1065 = arith.constant 1 : i32
              %while3A_1066:2 = scf.for %while3A_1141 = %while3A_1062 to %while3A_1058 step %while3A_1065 iter_args(%while3A_1142 = %while3A_1064#0, %while3A_1143 = %while3A_1064#1) -> (vector<16xf32>, vector<16xi32>)  : i32 {
                %mul3A_1144 = arith.constant 16 : i32
                %mul3A_1145 = arith.muli %while3A_1141, %mul3A_1144 : i32
                %get3A_1146 = arith.index_cast %mul3A_1145 : i32 to index
                %get3A_1147 = tpu.vector_load %arg8[%get3A_1146] {strides = array<i32>} : memref<800xf32, #tpu.memory_space<vmem>>, vector<16xf32>,
                %get3A_1148 = arith.index_cast %mul3A_1145 : i32 to index
                %get3A_1149 = tpu.vector_load %arg9[%get3A_1148] {strides = array<i32>} : memref<800xi32, #tpu.memory_space<vmem>>, vector<16xi32>,
                %eq3A_1150 = vector.broadcast %scan3A_1050 : f32 to vector<16xf32>
                %eq3A_1151 = arith.cmpf oeq, %get3A_1147, %eq3A_1150 : vector<16xf32>
                %eq3A_1152 = vector.broadcast %scan3A_1051 : i32 to vector<16xi32>
                %eq3A_1153 = arith.cmpi eq, %get3A_1149, %eq3A_1152 : vector<16xi32>
                %and3A_1154 = arith.andi %eq3A_1151, %eq3A_1153 : vector<16xi1>
                %jit3A_1155 = arith.constant 0xFF800000 : f32
                %broadcast_in_dim3A_1156 = vector.broadcast %jit3A_1155 : f32 to vector<16xf32>
                %select_n3A_1157 = arith.select %and3A_1154, %broadcast_in_dim3A_1156, %get3A_1147 : vector<16xi1>, vector<16xf32>
                %swap3A_1158 = arith.index_cast %mul3A_1145 : i32 to index
                %swap3A_1159 = tpu.vector_load %arg8[%swap3A_1158] {strides = array<i32>} : memref<800xf32, #tpu.memory_space<vmem>>, vector<16xf32>,
                tpu.vector_store %arg8[%swap3A_1158], %select_n3A_1157 {strides = array<i32>} : memref<800xf32, #tpu.memory_space<vmem>>, vector<16xf32>,
                %gt3A = arith.cmpf ogt, %select_n3A_1157, %while3A_1142 : vector<16xf32>
                %eq3A_1160 = arith.cmpf oeq, %select_n3A_1157, %while3A_1142 : vector<16xf32>
                %lt3A_1161 = arith.cmpi slt, %get3A_1149, %while3A_1143 : vector<16xi32>
                %and3A_1162 = arith.andi %eq3A_1160, %lt3A_1161 : vector<16xi1>
                %or3A = arith.ori %gt3A, %and3A_1162 : vector<16xi1>
                %select_n3A_1163 = arith.select %or3A, %select_n3A_1157, %while3A_1142 : vector<16xi1>, vector<16xf32>
                %select_n3A_1164 = arith.select %or3A, %get3A_1149, %while3A_1143 : vector<16xi1>, vector<16xi32>
                scf.yield %select_n3A_1163, %select_n3A_1164 : vector<16xf32>, vector<16xi32>
              }
              %sort3A_1067 = arith.constant dense<true> : vector<16xi1>
              %sort3A_1068, %sort3A_1069, %sort3A_1070 = tpu.sort %while3A_1066#0, %while3A_1066#0 masked %sort3A_1067 : (vector<16xf32>, vector<16xf32>, vector<16xi1>) -> (vector<16xi1>, vector<16xf32>, vector<16xf32>)
              %slice3A_1071 = vector.extract_strided_slice %sort3A_1069 {offsets = [15], sizes = [1], strides = [1]} : vector<16xf32> to vector<1xf32>
              %squeeze3A_1072 = vector.extract %slice3A_1071[0] : f32 from vector<1xf32>
              %eq3A_1073 = vector.broadcast %squeeze3A_1072 : f32 to vector<16xf32>
              %eq3A_1074 = arith.cmpf oeq, %while3A_1066#0, %eq3A_1073 : vector<16xf32>
              %jit3A_1075 = arith.constant 2147483632 : i32
              %broadcast_in_dim3A_1076 = vector.broadcast %jit3A_1075 : i32 to vector<16xi32>
              %select_n3A_1077 = arith.select %eq3A_1074, %while3A_1066#1, %broadcast_in_dim3A_1076 : vector<16xi1>, vector<16xi32>
              %sort3A_1078 = arith.constant dense<true> : vector<16xi1>
              %sort3A_1079, %sort3A_1080, %sort3A_1081 = tpu.sort %select_n3A_1077, %select_n3A_1077 masked %sort3A_1078 : (vector<16xi32>, vector<16xi32>, vector<16xi1>) -> (vector<16xi1>, vector<16xi32>, vector<16xi32>)
              %slice3A_1082 = vector.extract_strided_slice %sort3A_1080 {offsets = [0], sizes = [1], strides = [1]} : vector<16xi32> to vector<1xi32>
              %squeeze3A_1083 = vector.extract %slice3A_1082[0] : i32 from vector<1xi32>
              %jit3A_1084 = arith.constant 16 : i32
              %div3A_1085 = arith.divsi %scan3A_1049, %jit3A_1084 : i32
              %sign3A_1086 = arith.constant 0 : i32
              %sign3A_1087 = arith.cmpi sgt, %scan3A_1049, %sign3A_1086 : i32
              %sign3A_1088 = arith.extui %sign3A_1087 : i1 to i32
              %sign3A_1089 = arith.constant 0 : i32
              %sign3A_1090 = arith.cmpi slt, %scan3A_1049, %sign3A_1089 : i32
              %sign3A_1091 = arith.extui %sign3A_1090 : i1 to i32
              %sign3A_1092 = arith.subi %sign3A_1088, %sign3A_1091 : i32
              %sign3A_1093 = arith.constant 0 : i32
              %sign3A_1094 = arith.cmpi sgt, %jit3A_1084, %sign3A_1093 : i32
              %sign3A_1095 = arith.extui %sign3A_1094 : i1 to i32
              %sign3A_1096 = arith.constant 0 : i32
              %sign3A_1097 = arith.cmpi slt, %jit3A_1084, %sign3A_1096 : i32
              %sign3A_1098 = arith.extui %sign3A_1097 : i1 to i32
              %sign3A_1099 = arith.subi %sign3A_1095, %sign3A_1098 : i32
              %ne3A_1100 = arith.cmpi ne, %sign3A_1092, %sign3A_1099 : i32
              %rem3A_1101 = arith.remsi %scan3A_1049, %jit3A_1084 : i32
              %ne3A_1102 = arith.constant 0 : i32
              %ne3A_1103 = arith.cmpi ne, %rem3A_1101, %ne3A_1102 : i32
              %and3A_1104 = arith.andi %ne3A_1100, %ne3A_1103 : i1
              %sub3A_1105 = arith.constant 1 : i32
              %sub3A_1106 = arith.subi %div3A_1085, %sub3A_1105 : i32
              %select_n3A_1107 = arith.select %and3A_1104, %sub3A_1106, %div3A_1085 : i32
              %mul3A_1108 = arith.constant 16 : i32
              %mul3A_1109 = arith.muli %select_n3A_1107, %mul3A_1108 : i32
              %jit3A_1110 = arith.constant 16 : i32
              %eq3A_1111 = arith.constant 0 : i32
              %eq3A_1112 = arith.cmpi eq, %jit3A_1110, %eq3A_1111 : i32
              %jit3A_1113 = arith.constant 1 : i32
              %select_n3A_1114 = arith.select %eq3A_1112, %jit3A_1113, %jit3A_1110 : i32
              %rem3A_1115 = arith.remsi %scan3A_1049, %select_n3A_1114 : i32
              %ne3A_1116 = arith.constant 0 : i32
              %ne3A_1117 = arith.cmpi ne, %rem3A_1115, %ne3A_1116 : i32
              %lt3A = arith.constant 0 : i32
              %lt3A_1118 = arith.cmpi slt, %rem3A_1115, %lt3A : i32
              %lt3A_1119 = arith.constant 0 : i32
              %lt3A_1120 = arith.cmpi slt, %select_n3A_1114, %lt3A_1119 : i32
              %ne3A_1121 = arith.xori %lt3A_1118, %lt3A_1120 : i1
              %and3A_1122 = arith.andi %ne3A_1121, %ne3A_1117 : i1
              %add3A_1123 = arith.addi %rem3A_1115, %select_n3A_1114 : i32
              %select_n3A_1124 = arith.select %and3A_1122, %add3A_1123, %rem3A_1115 : i32
              %eq3A_1125 = vector.broadcast %select_n3A_1124 : i32 to vector<16xi32>
              %eq3A_1126 = arith.cmpi eq, %iota3A_1011, %eq3A_1125 : vector<16xi32>
              %get3A_1127 = arith.index_cast %mul3A_1109 : i32 to index
              %get3A_1128 = tpu.vector_load %arg10[%get3A_1127] {strides = array<i32>} : memref<64xf32, #tpu.memory_space<vmem>>, vector<16xf32>,
              %broadcast_in_dim3A_1129 = vector.broadcast %squeeze3A_1072 : f32 to vector<16xf32>
              %select_n3A_1130 = arith.select %eq3A_1126, %broadcast_in_dim3A_1129, %get3A_1128 : vector<16xi1>, vector<16xf32>
              %swap3A_1131 = arith.index_cast %mul3A_1109 : i32 to index
              %swap3A_1132 = tpu.vector_load %arg10[%swap3A_1131] {strides = array<i32>} : memref<64xf32, #tpu.memory_space<vmem>>, vector<16xf32>,
              tpu.vector_store %arg10[%swap3A_1131], %select_n3A_1130 {strides = array<i32>} : memref<64xf32, #tpu.memory_space<vmem>>, vector<16xf32>,
              %eq3A_1133 = vector.broadcast %select_n3A_1124 : i32 to vector<16xi32>
              %eq3A_1134 = arith.cmpi eq, %iota3A_1011, %eq3A_1133 : vector<16xi32>
              %get3A_1135 = arith.index_cast %mul3A_1109 : i32 to index
              %get3A_1136 = tpu.vector_load %arg11[%get3A_1135] {strides = array<i32>} : memref<64xi32, #tpu.memory_space<vmem>>, vector<16xi32>,
              %broadcast_in_dim3A_1137 = vector.broadcast %squeeze3A_1083 : i32 to vector<16xi32>
              %select_n3A_1138 = arith.select %eq3A_1134, %broadcast_in_dim3A_1137, %get3A_1136 : vector<16xi1>, vector<16xi32>
              %swap3A_1139 = arith.index_cast %mul3A_1109 : i32 to index
              %swap3A_1140 = tpu.vector_load %arg11[%swap3A_1139] {strides = array<i32>} : memref<64xi32, #tpu.memory_space<vmem>>, vector<16xi32>,
              tpu.vector_store %arg11[%swap3A_1139], %select_n3A_1138 {strides = array<i32>} : memref<64xi32, #tpu.memory_space<vmem>>, vector<16xi32>,
              scf.yield %squeeze3A_1072, %squeeze3A_1083 : f32, i32
            }
            %scan3A_1019 = arith.constant 64 : i32
            %scan3A_1020 = arith.constant 0 : i32
            %scan3A_1021 = arith.constant 0 : i32
            %scan3A_1022 = arith.constant 4 : i32
            %scan3A_1023 = arith.addi %scan3A_1021, %scan3A_1022 : i32
            %scan3A_1024 = arith.constant 1 : i32
            %scan3A_1025 = scf.for %scan3A_1049 = %scan3A_1021 to %scan3A_1023 step %scan3A_1024 iter_args(%scan3A_1050 = %scan3A_1020) -> (i32)  : i32 {
              %mul3A_1051 = arith.constant 16 : i32
              %mul3A_1052 = arith.muli %scan3A_1049, %mul3A_1051 : i32
              %get3A_1053 = arith.index_cast %mul3A_1052 : i32 to index
              %get3A_1054 = tpu.vector_load %arg10[%get3A_1053] {strides = array<i32>} : memref<64xf32, #tpu.memory_space<vmem>>, vector<16xf32>,
              %swap3A_1055 = arith.index_cast %mul3A_1052 : i32 to index
              %swap3A_1056 = tpu.vector_load %arg8[%swap3A_1055] {strides = array<i32>} : memref<800xf32, #tpu.memory_space<vmem>>, vector<16xf32>,
              tpu.vector_store %arg8[%swap3A_1055], %get3A_1054 {strides = array<i32>} : memref<800xf32, #tpu.memory_space<vmem>>, vector<16xf32>,
              %get3A_1057 = arith.index_cast %mul3A_1052 : i32 to index
              %get3A_1058 = tpu.vector_load %arg11[%get3A_1057] {strides = array<i32>} : memref<64xi32, #tpu.memory_space<vmem>>, vector<16xi32>,
              %swap3A_1059 = arith.index_cast %mul3A_1052 : i32 to index
              %swap3A_1060 = tpu.vector_load %arg9[%swap3A_1059] {strides = array<i32>} : memref<800xi32, #tpu.memory_space<vmem>>, vector<16xi32>,
              tpu.vector_store %arg9[%swap3A_1059], %get3A_1058 {strides = array<i32>} : memref<800xi32, #tpu.memory_space<vmem>>, vector<16xi32>,
              %scan3A_1061 = arith.constant 0 : i32
              scf.yield %scan3A_1061 : i32
            }
            %scan3A_1026 = arith.constant 4 : i32
            %scan3A_1027 = arith.constant 0 : i32
            %scan3A_1028 = arith.constant 4 : i32
            %scan3A_1029 = arith.constant 46 : i32
            %scan3A_1030 = arith.addi %scan3A_1028, %scan3A_1029 : i32
            %scan3A_1031 = arith.constant 1 : i32
            %scan3A_1032 = scf.for %scan3A_1049 = %scan3A_1028 to %scan3A_1030 step %scan3A_1031 iter_args(%scan3A_1050 = %scan3A_1027) -> (i32)  : i32 {
              %mul3A_1051 = arith.constant 16 : i32
              %mul3A_1052 = arith.muli %scan3A_1049, %mul3A_1051 : i32
              %broadcast_in_dim3A_1053 = arith.constant 0xFF800000 : f32
              %broadcast_in_dim3A_1054 = vector.broadcast %broadcast_in_dim3A_1053 : f32 to vector<16xf32>
              %swap3A_1055 = arith.index_cast %mul3A_1052 : i32 to index
              %swap3A_1056 = tpu.vector_load %arg8[%swap3A_1055] {strides = array<i32>} : memref<800xf32, #tpu.memory_space<vmem>>, vector<16xf32>,
              tpu.vector_store %arg8[%swap3A_1055], %broadcast_in_dim3A_1054 {strides = array<i32>} : memref<800xf32, #tpu.memory_space<vmem>>, vector<16xf32>,
              %broadcast_in_dim3A_1057 = arith.constant 2147483632 : i32
              %broadcast_in_dim3A_1058 = vector.broadcast %broadcast_in_dim3A_1057 : i32 to vector<16xi32>
              %swap3A_1059 = arith.index_cast %mul3A_1052 : i32 to index
              %swap3A_1060 = tpu.vector_load %arg9[%swap3A_1059] {strides = array<i32>} : memref<800xi32, #tpu.memory_space<vmem>>, vector<16xi32>,
              tpu.vector_store %arg9[%swap3A_1059], %broadcast_in_dim3A_1058 {strides = array<i32>} : memref<800xi32, #tpu.memory_space<vmem>>, vector<16xi32>,
              %scan3A_1061 = arith.constant 0 : i32
              scf.yield %scan3A_1061 : i32
            }
            %scan3A_1033 = arith.constant 46 : i32
            %swap3A_1034 = arith.constant 64 : i32
            %swap3A_1035 = arith.constant 0 : i32
            %swap3A_1036 = arith.index_cast %swap3A_1035 : i32 to index
            %swap3A_1037 = memref.load %arg13[%swap3A_1036] : memref<1xi32, #tpu.memory_space<smem>>
            memref.store %swap3A_1034, %arg13[%swap3A_1036] : memref<1xi32, #tpu.memory_space<smem>>
            %get3A_1038 = arith.constant 48 : index
            %get3A_1039 = tpu.vector_load %arg10[%get3A_1038] {strides = array<i32>} : memref<64xf32, #tpu.memory_space<vmem>>, vector<16xf32>,
            %get3A_1040 = arith.constant 0 : i32
            %get3A_1041 = arith.index_cast %get3A_1040 : i32 to index
            %get3A_1042 = memref.load %arg12[%get3A_1041] : memref<1xf32, #tpu.memory_space<smem>>
            %slice3A_1043 = vector.extract_strided_slice %get3A_1039 {offsets = [15], sizes = [1], strides = [1]} : vector<16xf32> to vector<1xf32>
            %squeeze3A_1044 = vector.extract %slice3A_1043[0] : f32 from vector<1xf32>
            %max3A_1045 = arith.maximumf %get3A_1042, %squeeze3A_1044 : f32
            %swap3A_1046 = arith.constant 0 : i32
            %swap3A_1047 = arith.index_cast %swap3A_1046 : i32 to index
            %swap3A_1048 = memref.load %arg12[%swap3A_1047] : memref<1xf32, #tpu.memory_space<smem>>
            memref.store %max3A_1045, %arg12[%swap3A_1047] : memref<1xf32, #tpu.memory_space<smem>>
          } else {
          }
        } else {
        }
        %scan3A_831 = arith.constant 0 : i32
        scf.yield %scan3A_831 : i32
      }
      %scan3A_97 = arith.constant 64 : i32
      %get3A_98 = arith.constant 0 : i32
      %get3A_99 = arith.index_cast %get3A_98 : i32 to index
      %get3A_100 = memref.load %arg13[%get3A_99] : memref<1xi32, #tpu.memory_space<smem>>
      %ge3A = arith.constant 128 : i32
      %ge3A_101 = arith.cmpi sge, %get3A_100, %ge3A : i32
      %convert_element_type3A = arith.extui %ge3A_101 : i1 to i32
      %cond3A = arith.constant 0 : i32
      %cond3A_102 = arith.cmpi ne, %convert_element_type3A, %cond3A : i32
      scf.if %cond3A_102 {
        %get3A_136 = arith.constant 0 : i32
        %get3A_137 = arith.index_cast %get3A_136 : i32 to index
        %get3A_138 = memref.load %arg13[%get3A_137] : memref<1xi32, #tpu.memory_space<smem>>
        %jit3A_139 = arith.constant 16 : i32
        %div3A_140 = arith.divsi %get3A_138, %jit3A_139 : i32
        %sign3A_141 = arith.constant 0 : i32
        %sign3A_142 = arith.cmpi sgt, %get3A_138, %sign3A_141 : i32
        %sign3A_143 = arith.extui %sign3A_142 : i1 to i32
        %sign3A_144 = arith.constant 0 : i32
        %sign3A_145 = arith.cmpi slt, %get3A_138, %sign3A_144 : i32
        %sign3A_146 = arith.extui %sign3A_145 : i1 to i32
        %sign3A_147 = arith.subi %sign3A_143, %sign3A_146 : i32
        %sign3A_148 = arith.constant 0 : i32
        %sign3A_149 = arith.cmpi sgt, %jit3A_139, %sign3A_148 : i32
        %sign3A_150 = arith.extui %sign3A_149 : i1 to i32
        %sign3A_151 = arith.constant 0 : i32
        %sign3A_152 = arith.cmpi slt, %jit3A_139, %sign3A_151 : i32
        %sign3A_153 = arith.extui %sign3A_152 : i1 to i32
        %sign3A_154 = arith.subi %sign3A_150, %sign3A_153 : i32
        %ne3A_155 = arith.cmpi ne, %sign3A_147, %sign3A_154 : i32
        %rem3A_156 = arith.remsi %get3A_138, %jit3A_139 : i32
        %ne3A_157 = arith.constant 0 : i32
        %ne3A_158 = arith.cmpi ne, %rem3A_156, %ne3A_157 : i32
        %and3A_159 = arith.andi %ne3A_155, %ne3A_158 : i1
        %sub3A_160 = arith.constant 1 : i32
        %sub3A_161 = arith.subi %div3A_140, %sub3A_160 : i32
        %select_n3A_162 = arith.select %and3A_159, %sub3A_161, %div3A_140 : i32
        %add3A_163 = arith.constant 64 : i32
        %add3A_164 = arith.addi %add3A_163, %select_n3A_162 : i32
        %sub3A_165 = arith.constant 1 : i32
        %sub3A_166 = arith.subi %add3A_164, %sub3A_165 : i32
        %div3A_167 = arith.divsi %sub3A_166, %select_n3A_162 : i32
        %sign3A_168 = arith.constant 0 : i32
        %sign3A_169 = arith.cmpi sgt, %sub3A_166, %sign3A_168 : i32
        %sign3A_170 = arith.extui %sign3A_169 : i1 to i32
        %sign3A_171 = arith.constant 0 : i32
        %sign3A_172 = arith.cmpi slt, %sub3A_166, %sign3A_171 : i32
        %sign3A_173 = arith.extui %sign3A_172 : i1 to i32
        %sign3A_174 = arith.subi %sign3A_170, %sign3A_173 : i32
        %sign3A_175 = arith.constant 0 : i32
        %sign3A_176 = arith.cmpi sgt, %select_n3A_162, %sign3A_175 : i32
        %sign3A_177 = arith.extui %sign3A_176 : i1 to i32
        %sign3A_178 = arith.constant 0 : i32
        %sign3A_179 = arith.cmpi slt, %select_n3A_162, %sign3A_178 : i32
        %sign3A_180 = arith.extui %sign3A_179 : i1 to i32
        %sign3A_181 = arith.subi %sign3A_177, %sign3A_180 : i32
        %ne3A_182 = arith.cmpi ne, %sign3A_174, %sign3A_181 : i32
        %rem3A_183 = arith.remsi %sub3A_166, %select_n3A_162 : i32
        %ne3A_184 = arith.constant 0 : i32
        %ne3A_185 = arith.cmpi ne, %rem3A_183, %ne3A_184 : i32
        %and3A_186 = arith.andi %ne3A_182, %ne3A_185 : i1
        %sub3A_187 = arith.constant 1 : i32
        %sub3A_188 = arith.subi %div3A_167, %sub3A_187 : i32
        %select_n3A_189 = arith.select %and3A_186, %sub3A_188, %div3A_167 : i32
        %add3A_190 = arith.constant 16 : i32
        %add3A_191 = arith.addi %get3A_138, %add3A_190 : i32
        %sub3A_192 = arith.constant 1 : i32
        %sub3A_193 = arith.subi %add3A_191, %sub3A_192 : i32
        %jit3A_194 = arith.constant 16 : i32
        %div3A_195 = arith.divsi %sub3A_193, %jit3A_194 : i32
        %sign3A_196 = arith.constant 0 : i32
        %sign3A_197 = arith.cmpi sgt, %sub3A_193, %sign3A_196 : i32
        %sign3A_198 = arith.extui %sign3A_197 : i1 to i32
        %sign3A_199 = arith.constant 0 : i32
        %sign3A_200 = arith.cmpi slt, %sub3A_193, %sign3A_199 : i32
        %sign3A_201 = arith.extui %sign3A_200 : i1 to i32
        %sign3A_202 = arith.subi %sign3A_198, %sign3A_201 : i32
        %sign3A_203 = arith.constant 0 : i32
        %sign3A_204 = arith.cmpi sgt, %jit3A_194, %sign3A_203 : i32
        %sign3A_205 = arith.extui %sign3A_204 : i1 to i32
        %sign3A_206 = arith.constant 0 : i32
        %sign3A_207 = arith.cmpi slt, %jit3A_194, %sign3A_206 : i32
        %sign3A_208 = arith.extui %sign3A_207 : i1 to i32
        %sign3A_209 = arith.subi %sign3A_205, %sign3A_208 : i32
        %ne3A_210 = arith.cmpi ne, %sign3A_202, %sign3A_209 : i32
        %rem3A_211 = arith.remsi %sub3A_193, %jit3A_194 : i32
        %ne3A_212 = arith.constant 0 : i32
        %ne3A_213 = arith.cmpi ne, %rem3A_211, %ne3A_212 : i32
        %and3A_214 = arith.andi %ne3A_210, %ne3A_213 : i1
        %sub3A_215 = arith.constant 1 : i32
        %sub3A_216 = arith.subi %div3A_195, %sub3A_215 : i32
        %select_n3A_217 = arith.select %and3A_214, %sub3A_216, %div3A_195 : i32
        %broadcast_in_dim3A = arith.constant 0x7F800000 : f32
        %broadcast_in_dim3A_218 = vector.broadcast %broadcast_in_dim3A : f32 to vector<16xf32>
        %while3A = arith.constant 0 : i32
        %while3A_219 = arith.subi %select_n3A_162, %while3A : i32
        %while3A_220 = arith.addi %while3A, %while3A_219 : i32
        %while3A_221 = arith.constant 1 : i32
        %while3A_222 = arith.divsi %while3A_219, %while3A_221 : i32
        %while3A_223 = arith.muli %while3A_222, %while3A_221 : i32
        %while3A_224 = arith.addi %while3A, %while3A_223 : i32
        %while3A_225 = arith.constant 1 : i32
        %while3A_226 = scf.for %while3A_282 = %while3A to %while3A_224 step %while3A_225 iter_args(%while3A_283 = %broadcast_in_dim3A_218) -> (vector<16xf32>)  : i32 {
          %mul3A_284 = arith.constant 16 : i32
          %mul3A_285 = arith.muli %while3A_282, %mul3A_284 : i32
          %get3A_286 = arith.index_cast %mul3A_285 : i32 to index
          %get3A_287 = tpu.vector_load %arg8[%get3A_286] {strides = array<i32>} : memref<800xf32, #tpu.memory_space<vmem>>, vector<16xf32>,
          %sort3A_288 = arith.constant dense<true> : vector<16xi1>
          %sort3A_289, %sort3A_290, %sort3A_291 = tpu.sort %get3A_287, %get3A_287 masked %sort3A_288 : (vector<16xf32>, vector<16xf32>, vector<16xi1>) -> (vector<16xi1>, vector<16xf32>, vector<16xf32>)
          %min3A_292 = arith.minimumf %while3A_283, %sort3A_290 : vector<16xf32>
          scf.yield %min3A_292 : vector<16xf32>
        }
        %while3A_227 = arith.constant 1 : i32
        %while3A_228 = scf.for %while3A_282 = %while3A_224 to %while3A_220 step %while3A_227 iter_args(%while3A_283 = %while3A_226) -> (vector<16xf32>)  : i32 {
          %mul3A_284 = arith.constant 16 : i32
          %mul3A_285 = arith.muli %while3A_282, %mul3A_284 : i32
          %get3A_286 = arith.index_cast %mul3A_285 : i32 to index
          %get3A_287 = tpu.vector_load %arg8[%get3A_286] {strides = array<i32>} : memref<800xf32, #tpu.memory_space<vmem>>, vector<16xf32>,
          %sort3A_288 = arith.constant dense<true> : vector<16xi1>
          %sort3A_289, %sort3A_290, %sort3A_291 = tpu.sort %get3A_287, %get3A_287 masked %sort3A_288 : (vector<16xf32>, vector<16xf32>, vector<16xi1>) -> (vector<16xi1>, vector<16xf32>, vector<16xf32>)
          %min3A_292 = arith.minimumf %while3A_283, %sort3A_290 : vector<16xf32>
          scf.yield %min3A_292 : vector<16xf32>
        }
        %sub3A_229 = arith.constant 16 : i32
        %sub3A_230 = arith.subi %sub3A_229, %select_n3A_189 : i32
        %eq3A = vector.broadcast %sub3A_230 : i32 to vector<16xi32>
        %eq3A_231 = arith.cmpi eq, %iota3A, %eq3A : vector<16xi32>
        %jit3A_232 = arith.constant 0x7F800000 : f32
        %broadcast_in_dim3A_233 = vector.broadcast %jit3A_232 : f32 to vector<16xf32>
        %select_n3A_234 = arith.select %eq3A_231, %while3A_228, %broadcast_in_dim3A_233 : vector<16xi1>, vector<16xf32>
        %sort3A_235 = arith.constant dense<true> : vector<16xi1>
        %sort3A_236, %sort3A_237, %sort3A_238 = tpu.sort %select_n3A_234, %select_n3A_234 masked %sort3A_235 : (vector<16xf32>, vector<16xf32>, vector<16xi1>) -> (vector<16xi1>, vector<16xf32>, vector<16xf32>)
        %slice3A_239 = vector.extract_strided_slice %sort3A_237 {offsets = [0], sizes = [1], strides = [1]} : vector<16xf32> to vector<1xf32>
        %squeeze3A_240 = vector.extract %slice3A_239[0] : f32 from vector<1xf32>
        %broadcast_in_dim3A_241 = arith.constant 0 : i32
        %broadcast_in_dim3A_242 = vector.broadcast %broadcast_in_dim3A_241 : i32 to vector<16xi32>
        %while3A_243 = arith.constant 0 : i32
        %while3A_244 = arith.subi %select_n3A_217, %while3A_243 : i32
        %while3A_245 = arith.addi %while3A_243, %while3A_244 : i32
        %while3A_246 = arith.constant 1 : i32
        %while3A_247 = arith.divsi %while3A_244, %while3A_246 : i32
        %while3A_248 = arith.muli %while3A_247, %while3A_246 : i32
        %while3A_249 = arith.addi %while3A_243, %while3A_248 : i32
        %while3A_250 = arith.constant 1 : i32
        %while3A_251 = scf.for %while3A_282 = %while3A_243 to %while3A_249 step %while3A_250 iter_args(%while3A_283 = %broadcast_in_dim3A_242) -> (vector<16xi32>)  : i32 {
          %mul3A_284 = arith.constant 16 : i32
          %mul3A_285 = arith.muli %while3A_282, %mul3A_284 : i32
          %get3A_286 = arith.index_cast %mul3A_285 : i32 to index
          %get3A_287 = tpu.vector_load %arg8[%get3A_286] {strides = array<i32>} : memref<800xf32, #tpu.memory_space<vmem>>, vector<16xf32>,
          %get3A_288 = arith.index_cast %mul3A_285 : i32 to index
          %get3A_289 = tpu.vector_load %arg9[%get3A_288] {strides = array<i32>} : memref<800xi32, #tpu.memory_space<vmem>>, vector<16xi32>,
          %ge3A_290 = vector.broadcast %squeeze3A_240 : f32 to vector<16xf32>
          %ge3A_291 = arith.cmpf oge, %get3A_287, %ge3A_290 : vector<16xf32>
          %convert_element_type3A_292 = arith.extui %ge3A_291 : vector<16xi1> to vector<16xi32>
          %broadcast_in_dim3A_293 = arith.constant true
          %broadcast_in_dim3A_294 = vector.broadcast %broadcast_in_dim3A_293 : i1 to vector<16xi1>
          %masked_cumsum3A = tpu.scan <sum>, %convert_element_type3A_292 masked %broadcast_in_dim3A_294 : vector<16xi32>, vector<16xi1> -> vector<16xi32>
          %add3A_295 = arith.addi %while3A_283, %masked_cumsum3A : vector<16xi32>
          %sub3A_296 = arith.constant 1 : i32
          %sub3A_297 = vector.broadcast %sub3A_296 : i32 to vector<16xi32>
          %sub3A_298 = arith.subi %add3A_295, %sub3A_297 : vector<16xi32>
          %max3A_299 = arith.constant 0 : i32
          %max3A_300 = vector.broadcast %max3A_299 : i32 to vector<16xi32>
          %max3A_301 = arith.maxsi %sub3A_298, %max3A_300 : vector<16xi32>
          tpu.vector_store_idx %arg8[%max3A_301], %get3A_287 masked %ge3A_291 : memref<800xf32, #tpu.memory_space<vmem>>[vector<16xi32>], vector<16xf32>, vector<16xi1>
          tpu.vector_store_idx %arg9[%max3A_301], %get3A_289 masked %ge3A_291 : memref<800xi32, #tpu.memory_space<vmem>>[vector<16xi32>], vector<16xi32>, vector<16xi1>
          %all_reduce_population_count3A = tpu.all_reduce %ge3A_291 {dim = 0 : i64, kind = #tpu.reduction_kind<sum>} : vector<16xi1> -> vector<16xi32>
          %add3A_302 = arith.addi %while3A_283, %all_reduce_population_count3A : vector<16xi32>
          scf.yield %add3A_302 : vector<16xi32>
        }
        %while3A_252 = arith.constant 1 : i32
        %while3A_253 = scf.for %while3A_282 = %while3A_249 to %while3A_245 step %while3A_252 iter_args(%while3A_283 = %while3A_251) -> (vector<16xi32>)  : i32 {
          %mul3A_284 = arith.constant 16 : i32
          %mul3A_285 = arith.muli %while3A_282, %mul3A_284 : i32
          %get3A_286 = arith.index_cast %mul3A_285 : i32 to index
          %get3A_287 = tpu.vector_load %arg8[%get3A_286] {strides = array<i32>} : memref<800xf32, #tpu.memory_space<vmem>>, vector<16xf32>,
          %get3A_288 = arith.index_cast %mul3A_285 : i32 to index
          %get3A_289 = tpu.vector_load %arg9[%get3A_288] {strides = array<i32>} : memref<800xi32, #tpu.memory_space<vmem>>, vector<16xi32>,
          %ge3A_290 = vector.broadcast %squeeze3A_240 : f32 to vector<16xf32>
          %ge3A_291 = arith.cmpf oge, %get3A_287, %ge3A_290 : vector<16xf32>
          %convert_element_type3A_292 = arith.extui %ge3A_291 : vector<16xi1> to vector<16xi32>
          %broadcast_in_dim3A_293 = arith.constant true
          %broadcast_in_dim3A_294 = vector.broadcast %broadcast_in_dim3A_293 : i1 to vector<16xi1>
          %masked_cumsum3A = tpu.scan <sum>, %convert_element_type3A_292 masked %broadcast_in_dim3A_294 : vector<16xi32>, vector<16xi1> -> vector<16xi32>
          %add3A_295 = arith.addi %while3A_283, %masked_cumsum3A : vector<16xi32>
          %sub3A_296 = arith.constant 1 : i32
          %sub3A_297 = vector.broadcast %sub3A_296 : i32 to vector<16xi32>
          %sub3A_298 = arith.subi %add3A_295, %sub3A_297 : vector<16xi32>
          %max3A_299 = arith.constant 0 : i32
          %max3A_300 = vector.broadcast %max3A_299 : i32 to vector<16xi32>
          %max3A_301 = arith.maxsi %sub3A_298, %max3A_300 : vector<16xi32>
          tpu.vector_store_idx %arg8[%max3A_301], %get3A_287 masked %ge3A_291 : memref<800xf32, #tpu.memory_space<vmem>>[vector<16xi32>], vector<16xf32>, vector<16xi1>
          tpu.vector_store_idx %arg9[%max3A_301], %get3A_289 masked %ge3A_291 : memref<800xi32, #tpu.memory_space<vmem>>[vector<16xi32>], vector<16xi32>, vector<16xi1>
          %all_reduce_population_count3A = tpu.all_reduce %ge3A_291 {dim = 0 : i64, kind = #tpu.reduction_kind<sum>} : vector<16xi1> -> vector<16xi32>
          %add3A_302 = arith.addi %while3A_283, %all_reduce_population_count3A : vector<16xi32>
          scf.yield %add3A_302 : vector<16xi32>
        }
        %slice3A_254 = vector.extract_strided_slice %while3A_253 {offsets = [0], sizes = [1], strides = [1]} : vector<16xi32> to vector<1xi32>
        %squeeze3A_255 = vector.extract %slice3A_254[0] : i32 from vector<1xi32>
        %while3A_256 = arith.constant 0 : i32
        %while3A_257 = arith.constant 0 : i32
        %while3A_258 = arith.subi %select_n3A_217, %while3A_256 : i32
        %while3A_259 = arith.addi %while3A_256, %while3A_258 : i32
        %while3A_260 = arith.constant 1 : i32
        %while3A_261 = arith.divsi %while3A_258, %while3A_260 : i32
        %while3A_262 = arith.muli %while3A_261, %while3A_260 : i32
        %while3A_263 = arith.addi %while3A_256, %while3A_262 : i32
        %while3A_264 = arith.constant 1 : i32
        %while3A_265 = scf.for %while3A_282 = %while3A_256 to %while3A_263 step %while3A_264 iter_args(%while3A_283 = %while3A_257) -> (i32)  : i32 {
          %mul3A_284 = arith.constant 16 : i32
          %mul3A_285 = arith.muli %while3A_282, %mul3A_284 : i32
          %mul3A_286 = arith.constant 16 : i32
          %mul3A_287 = arith.muli %while3A_282, %mul3A_286 : i32
          %add3A_288 = vector.broadcast %mul3A_287 : i32 to vector<16xi32>
          %add3A_289 = arith.addi %add3A_288, %iota3A : vector<16xi32>
          %lt3A = vector.broadcast %squeeze3A_255 : i32 to vector<16xi32>
          %lt3A_290 = arith.cmpi slt, %add3A_289, %lt3A : vector<16xi32>
          %get3A_291 = arith.index_cast %mul3A_285 : i32 to index
          %get3A_292 = tpu.vector_load %arg8[%get3A_291] {strides = array<i32>} : memref<800xf32, #tpu.memory_space<vmem>>, vector<16xf32>,
          %jit3A_293 = arith.constant 0xFF800000 : f32
          %broadcast_in_dim3A_294 = vector.broadcast %jit3A_293 : f32 to vector<16xf32>
          %select_n3A_295 = arith.select %lt3A_290, %get3A_292, %broadcast_in_dim3A_294 : vector<16xi1>, vector<16xf32>
          %swap3A_296 = arith.index_cast %mul3A_285 : i32 to index
          %swap3A_297 = tpu.vector_load %arg8[%swap3A_296] {strides = array<i32>} : memref<800xf32, #tpu.memory_space<vmem>>, vector<16xf32>,
          tpu.vector_store %arg8[%swap3A_296], %select_n3A_295 {strides = array<i32>} : memref<800xf32, #tpu.memory_space<vmem>>, vector<16xf32>,
          %get3A_298 = arith.index_cast %mul3A_285 : i32 to index
          %get3A_299 = tpu.vector_load %arg9[%get3A_298] {strides = array<i32>} : memref<800xi32, #tpu.memory_space<vmem>>, vector<16xi32>,
          %jit3A_300 = arith.constant 2147483632 : i32
          %broadcast_in_dim3A_301 = vector.broadcast %jit3A_300 : i32 to vector<16xi32>
          %select_n3A_302 = arith.select %lt3A_290, %get3A_299, %broadcast_in_dim3A_301 : vector<16xi1>, vector<16xi32>
          %swap3A_303 = arith.index_cast %mul3A_285 : i32 to index
          %swap3A_304 = tpu.vector_load %arg9[%swap3A_303] {strides = array<i32>} : memref<800xi32, #tpu.memory_space<vmem>>, vector<16xi32>,
          tpu.vector_store %arg9[%swap3A_303], %select_n3A_302 {strides = array<i32>} : memref<800xi32, #tpu.memory_space<vmem>>, vector<16xi32>,
          %while3A_305 = arith.constant 0 : i32
          scf.yield %while3A_305 : i32
        }
        %while3A_266 = arith.constant 1 : i32
        %while3A_267 = scf.for %while3A_282 = %while3A_263 to %while3A_259 step %while3A_266 iter_args(%while3A_283 = %while3A_265) -> (i32)  : i32 {
          %mul3A_284 = arith.constant 16 : i32
          %mul3A_285 = arith.muli %while3A_282, %mul3A_284 : i32
          %mul3A_286 = arith.constant 16 : i32
          %mul3A_287 = arith.muli %while3A_282, %mul3A_286 : i32
          %add3A_288 = vector.broadcast %mul3A_287 : i32 to vector<16xi32>
          %add3A_289 = arith.addi %add3A_288, %iota3A : vector<16xi32>
          %lt3A = vector.broadcast %squeeze3A_255 : i32 to vector<16xi32>
          %lt3A_290 = arith.cmpi slt, %add3A_289, %lt3A : vector<16xi32>
          %get3A_291 = arith.index_cast %mul3A_285 : i32 to index
          %get3A_292 = tpu.vector_load %arg8[%get3A_291] {strides = array<i32>} : memref<800xf32, #tpu.memory_space<vmem>>, vector<16xf32>,
          %jit3A_293 = arith.constant 0xFF800000 : f32
          %broadcast_in_dim3A_294 = vector.broadcast %jit3A_293 : f32 to vector<16xf32>
          %select_n3A_295 = arith.select %lt3A_290, %get3A_292, %broadcast_in_dim3A_294 : vector<16xi1>, vector<16xf32>
          %swap3A_296 = arith.index_cast %mul3A_285 : i32 to index
          %swap3A_297 = tpu.vector_load %arg8[%swap3A_296] {strides = array<i32>} : memref<800xf32, #tpu.memory_space<vmem>>, vector<16xf32>,
          tpu.vector_store %arg8[%swap3A_296], %select_n3A_295 {strides = array<i32>} : memref<800xf32, #tpu.memory_space<vmem>>, vector<16xf32>,
          %get3A_298 = arith.index_cast %mul3A_285 : i32 to index
          %get3A_299 = tpu.vector_load %arg9[%get3A_298] {strides = array<i32>} : memref<800xi32, #tpu.memory_space<vmem>>, vector<16xi32>,
          %jit3A_300 = arith.constant 2147483632 : i32
          %broadcast_in_dim3A_301 = vector.broadcast %jit3A_300 : i32 to vector<16xi32>
          %select_n3A_302 = arith.select %lt3A_290, %get3A_299, %broadcast_in_dim3A_301 : vector<16xi1>, vector<16xi32>
          %swap3A_303 = arith.index_cast %mul3A_285 : i32 to index
          %swap3A_304 = tpu.vector_load %arg9[%swap3A_303] {strides = array<i32>} : memref<800xi32, #tpu.memory_space<vmem>>, vector<16xi32>,
          tpu.vector_store %arg9[%swap3A_303], %select_n3A_302 {strides = array<i32>} : memref<800xi32, #tpu.memory_space<vmem>>, vector<16xi32>,
          %while3A_305 = arith.constant 0 : i32
          scf.yield %while3A_305 : i32
        }
        %get3A_268 = arith.constant 0 : i32
        %get3A_269 = arith.index_cast %get3A_268 : i32 to index
        %get3A_270 = memref.load %arg12[%get3A_269] : memref<1xf32, #tpu.memory_space<smem>>
        %max3A = arith.maximumf %get3A_270, %squeeze3A_240 : f32
        %swap3A_271 = arith.constant 0 : i32
        %swap3A_272 = arith.index_cast %swap3A_271 : i32 to index
        %swap3A_273 = memref.load %arg12[%swap3A_272] : memref<1xf32, #tpu.memory_space<smem>>
        memref.store %max3A, %arg12[%swap3A_272] : memref<1xf32, #tpu.memory_space<smem>>
        %swap3A_274 = arith.constant 0 : i32
        %swap3A_275 = arith.index_cast %swap3A_274 : i32 to index
        %swap3A_276 = memref.load %arg13[%swap3A_275] : memref<1xi32, #tpu.memory_space<smem>>
        memref.store %squeeze3A_255, %arg13[%swap3A_275] : memref<1xi32, #tpu.memory_space<smem>>
        %ge3A_277 = arith.constant 192 : i32
        %ge3A_278 = arith.cmpi sge, %squeeze3A_255, %ge3A_277 : i32
        %convert_element_type3A_279 = arith.extui %ge3A_278 : i1 to i32
        %cond3A_280 = arith.constant 0 : i32
        %cond3A_281 = arith.cmpi ne, %convert_element_type3A_279, %cond3A_280 : i32
        scf.if %cond3A_281 {
          %get3A_282 = arith.constant 0 : i32
          %get3A_283 = arith.index_cast %get3A_282 : i32 to index
          %get3A_284 = memref.load %arg13[%get3A_283] : memref<1xi32, #tpu.memory_space<smem>>
          %add3A_285 = arith.constant 16 : i32
          %add3A_286 = arith.addi %get3A_284, %add3A_285 : i32
          %sub3A_287 = arith.constant 1 : i32
          %sub3A_288 = arith.subi %add3A_286, %sub3A_287 : i32
          %jit3A_289 = arith.constant 16 : i32
          %div3A_290 = arith.divsi %sub3A_288, %jit3A_289 : i32
          %sign3A_291 = arith.constant 0 : i32
          %sign3A_292 = arith.cmpi sgt, %sub3A_288, %sign3A_291 : i32
          %sign3A_293 = arith.extui %sign3A_292 : i1 to i32
          %sign3A_294 = arith.constant 0 : i32
          %sign3A_295 = arith.cmpi slt, %sub3A_288, %sign3A_294 : i32
          %sign3A_296 = arith.extui %sign3A_295 : i1 to i32
          %sign3A_297 = arith.subi %sign3A_293, %sign3A_296 : i32
          %sign3A_298 = arith.constant 0 : i32
          %sign3A_299 = arith.cmpi sgt, %jit3A_289, %sign3A_298 : i32
          %sign3A_300 = arith.extui %sign3A_299 : i1 to i32
          %sign3A_301 = arith.constant 0 : i32
          %sign3A_302 = arith.cmpi slt, %jit3A_289, %sign3A_301 : i32
          %sign3A_303 = arith.extui %sign3A_302 : i1 to i32
          %sign3A_304 = arith.subi %sign3A_300, %sign3A_303 : i32
          %ne3A_305 = arith.cmpi ne, %sign3A_297, %sign3A_304 : i32
          %rem3A_306 = arith.remsi %sub3A_288, %jit3A_289 : i32
          %ne3A_307 = arith.constant 0 : i32
          %ne3A_308 = arith.cmpi ne, %rem3A_306, %ne3A_307 : i32
          %and3A_309 = arith.andi %ne3A_305, %ne3A_308 : i1
          %sub3A_310 = arith.constant 1 : i32
          %sub3A_311 = arith.subi %div3A_290, %sub3A_310 : i32
          %select_n3A_312 = arith.select %and3A_309, %sub3A_311, %div3A_290 : i32
          %iota3A_313 = tpu.iota {dimensions = array<i32: 0>} : vector<16xi32>
          %scan3A_314 = arith.constant 0x7F800000 : f32
          %scan3A_315 = arith.constant -1 : i32
          %scan3A_316 = arith.constant 0 : i32
          %scan3A_317 = arith.constant 64 : i32
          %scan3A_318 = arith.addi %scan3A_316, %scan3A_317 : i32
          %scan3A_319 = arith.constant 1 : i32
          %scan3A_320:2 = scf.for %scan3A_351 = %scan3A_316 to %scan3A_318 step %scan3A_319 iter_args(%scan3A_352 = %scan3A_314, %scan3A_353 = %scan3A_315) -> (f32, i32)  : i32 {
            %broadcast_in_dim3A_354 = arith.constant 0xFF800000 : f32
            %broadcast_in_dim3A_355 = vector.broadcast %broadcast_in_dim3A_354 : f32 to vector<16xf32>
            %broadcast_in_dim3A_356 = arith.constant 2147483632 : i32
            %broadcast_in_dim3A_357 = vector.broadcast %broadcast_in_dim3A_356 : i32 to vector<16xi32>
            %while3A_358 = arith.constant 0 : i32
            %while3A_359 = arith.subi %select_n3A_312, %while3A_358 : i32
            %while3A_360 = arith.addi %while3A_358, %while3A_359 : i32
            %while3A_361 = arith.constant 1 : i32
            %while3A_362 = arith.divsi %while3A_359, %while3A_361 : i32
            %while3A_363 = arith.muli %while3A_362, %while3A_361 : i32
            %while3A_364 = arith.addi %while3A_358, %while3A_363 : i32
            %while3A_365 = arith.constant 1 : i32
            %while3A_366:2 = scf.for %while3A_443 = %while3A_358 to %while3A_364 step %while3A_365 iter_args(%while3A_444 = %broadcast_in_dim3A_355, %while3A_445 = %broadcast_in_dim3A_357) -> (vector<16xf32>, vector<16xi32>)  : i32 {
              %mul3A_446 = arith.constant 16 : i32
              %mul3A_447 = arith.muli %while3A_443, %mul3A_446 : i32
              %get3A_448 = arith.index_cast %mul3A_447 : i32 to index
              %get3A_449 = tpu.vector_load %arg8[%get3A_448] {strides = array<i32>} : memref<800xf32, #tpu.memory_space<vmem>>, vector<16xf32>,
              %get3A_450 = arith.index_cast %mul3A_447 : i32 to index
              %get3A_451 = tpu.vector_load %arg9[%get3A_450] {strides = array<i32>} : memref<800xi32, #tpu.memory_space<vmem>>, vector<16xi32>,
              %eq3A_452 = vector.broadcast %scan3A_352 : f32 to vector<16xf32>
              %eq3A_453 = arith.cmpf oeq, %get3A_449, %eq3A_452 : vector<16xf32>
              %eq3A_454 = vector.broadcast %scan3A_353 : i32 to vector<16xi32>
              %eq3A_455 = arith.cmpi eq, %get3A_451, %eq3A_454 : vector<16xi32>
              %and3A_456 = arith.andi %eq3A_453, %eq3A_455 : vector<16xi1>
              %jit3A_457 = arith.constant 0xFF800000 : f32
              %broadcast_in_dim3A_458 = vector.broadcast %jit3A_457 : f32 to vector<16xf32>
              %select_n3A_459 = arith.select %and3A_456, %broadcast_in_dim3A_458, %get3A_449 : vector<16xi1>, vector<16xf32>
              %swap3A_460 = arith.index_cast %mul3A_447 : i32 to index
              %swap3A_461 = tpu.vector_load %arg8[%swap3A_460] {strides = array<i32>} : memref<800xf32, #tpu.memory_space<vmem>>, vector<16xf32>,
              tpu.vector_store %arg8[%swap3A_460], %select_n3A_459 {strides = array<i32>} : memref<800xf32, #tpu.memory_space<vmem>>, vector<16xf32>,
              %gt3A = arith.cmpf ogt, %select_n3A_459, %while3A_444 : vector<16xf32>
              %eq3A_462 = arith.cmpf oeq, %select_n3A_459, %while3A_444 : vector<16xf32>
              %lt3A_463 = arith.cmpi slt, %get3A_451, %while3A_445 : vector<16xi32>
              %and3A_464 = arith.andi %eq3A_462, %lt3A_463 : vector<16xi1>
              %or3A = arith.ori %gt3A, %and3A_464 : vector<16xi1>
              %select_n3A_465 = arith.select %or3A, %select_n3A_459, %while3A_444 : vector<16xi1>, vector<16xf32>
              %select_n3A_466 = arith.select %or3A, %get3A_451, %while3A_445 : vector<16xi1>, vector<16xi32>
              scf.yield %select_n3A_465, %select_n3A_466 : vector<16xf32>, vector<16xi32>
            }
            %while3A_367 = arith.constant 1 : i32
            %while3A_368:2 = scf.for %while3A_443 = %while3A_364 to %while3A_360 step %while3A_367 iter_args(%while3A_444 = %while3A_366#0, %while3A_445 = %while3A_366#1) -> (vector<16xf32>, vector<16xi32>)  : i32 {
              %mul3A_446 = arith.constant 16 : i32
              %mul3A_447 = arith.muli %while3A_443, %mul3A_446 : i32
              %get3A_448 = arith.index_cast %mul3A_447 : i32 to index
              %get3A_449 = tpu.vector_load %arg8[%get3A_448] {strides = array<i32>} : memref<800xf32, #tpu.memory_space<vmem>>, vector<16xf32>,
              %get3A_450 = arith.index_cast %mul3A_447 : i32 to index
              %get3A_451 = tpu.vector_load %arg9[%get3A_450] {strides = array<i32>} : memref<800xi32, #tpu.memory_space<vmem>>, vector<16xi32>,
              %eq3A_452 = vector.broadcast %scan3A_352 : f32 to vector<16xf32>
              %eq3A_453 = arith.cmpf oeq, %get3A_449, %eq3A_452 : vector<16xf32>
              %eq3A_454 = vector.broadcast %scan3A_353 : i32 to vector<16xi32>
              %eq3A_455 = arith.cmpi eq, %get3A_451, %eq3A_454 : vector<16xi32>
              %and3A_456 = arith.andi %eq3A_453, %eq3A_455 : vector<16xi1>
              %jit3A_457 = arith.constant 0xFF800000 : f32
              %broadcast_in_dim3A_458 = vector.broadcast %jit3A_457 : f32 to vector<16xf32>
              %select_n3A_459 = arith.select %and3A_456, %broadcast_in_dim3A_458, %get3A_449 : vector<16xi1>, vector<16xf32>
              %swap3A_460 = arith.index_cast %mul3A_447 : i32 to index
              %swap3A_461 = tpu.vector_load %arg8[%swap3A_460] {strides = array<i32>} : memref<800xf32, #tpu.memory_space<vmem>>, vector<16xf32>,
              tpu.vector_store %arg8[%swap3A_460], %select_n3A_459 {strides = array<i32>} : memref<800xf32, #tpu.memory_space<vmem>>, vector<16xf32>,
              %gt3A = arith.cmpf ogt, %select_n3A_459, %while3A_444 : vector<16xf32>
              %eq3A_462 = arith.cmpf oeq, %select_n3A_459, %while3A_444 : vector<16xf32>
              %lt3A_463 = arith.cmpi slt, %get3A_451, %while3A_445 : vector<16xi32>
              %and3A_464 = arith.andi %eq3A_462, %lt3A_463 : vector<16xi1>
              %or3A = arith.ori %gt3A, %and3A_464 : vector<16xi1>
              %select_n3A_465 = arith.select %or3A, %select_n3A_459, %while3A_444 : vector<16xi1>, vector<16xf32>
              %select_n3A_466 = arith.select %or3A, %get3A_451, %while3A_445 : vector<16xi1>, vector<16xi32>
              scf.yield %select_n3A_465, %select_n3A_466 : vector<16xf32>, vector<16xi32>
            }
            %sort3A_369 = arith.constant dense<true> : vector<16xi1>
            %sort3A_370, %sort3A_371, %sort3A_372 = tpu.sort %while3A_368#0, %while3A_368#0 masked %sort3A_369 : (vector<16xf32>, vector<16xf32>, vector<16xi1>) -> (vector<16xi1>, vector<16xf32>, vector<16xf32>)
            %slice3A_373 = vector.extract_strided_slice %sort3A_371 {offsets = [15], sizes = [1], strides = [1]} : vector<16xf32> to vector<1xf32>
            %squeeze3A_374 = vector.extract %slice3A_373[0] : f32 from vector<1xf32>
            %eq3A_375 = vector.broadcast %squeeze3A_374 : f32 to vector<16xf32>
            %eq3A_376 = arith.cmpf oeq, %while3A_368#0, %eq3A_375 : vector<16xf32>
            %jit3A_377 = arith.constant 2147483632 : i32
            %broadcast_in_dim3A_378 = vector.broadcast %jit3A_377 : i32 to vector<16xi32>
            %select_n3A_379 = arith.select %eq3A_376, %while3A_368#1, %broadcast_in_dim3A_378 : vector<16xi1>, vector<16xi32>
            %sort3A_380 = arith.constant dense<true> : vector<16xi1>
            %sort3A_381, %sort3A_382, %sort3A_383 = tpu.sort %select_n3A_379, %select_n3A_379 masked %sort3A_380 : (vector<16xi32>, vector<16xi32>, vector<16xi1>) -> (vector<16xi1>, vector<16xi32>, vector<16xi32>)
            %slice3A_384 = vector.extract_strided_slice %sort3A_382 {offsets = [0], sizes = [1], strides = [1]} : vector<16xi32> to vector<1xi32>
            %squeeze3A_385 = vector.extract %slice3A_384[0] : i32 from vector<1xi32>
            %jit3A_386 = arith.constant 16 : i32
            %div3A_387 = arith.divsi %scan3A_351, %jit3A_386 : i32
            %sign3A_388 = arith.constant 0 : i32
            %sign3A_389 = arith.cmpi sgt, %scan3A_351, %sign3A_388 : i32
            %sign3A_390 = arith.extui %sign3A_389 : i1 to i32
            %sign3A_391 = arith.constant 0 : i32
            %sign3A_392 = arith.cmpi slt, %scan3A_351, %sign3A_391 : i32
            %sign3A_393 = arith.extui %sign3A_392 : i1 to i32
            %sign3A_394 = arith.subi %sign3A_390, %sign3A_393 : i32
            %sign3A_395 = arith.constant 0 : i32
            %sign3A_396 = arith.cmpi sgt, %jit3A_386, %sign3A_395 : i32
            %sign3A_397 = arith.extui %sign3A_396 : i1 to i32
            %sign3A_398 = arith.constant 0 : i32
            %sign3A_399 = arith.cmpi slt, %jit3A_386, %sign3A_398 : i32
            %sign3A_400 = arith.extui %sign3A_399 : i1 to i32
            %sign3A_401 = arith.subi %sign3A_397, %sign3A_400 : i32
            %ne3A_402 = arith.cmpi ne, %sign3A_394, %sign3A_401 : i32
            %rem3A_403 = arith.remsi %scan3A_351, %jit3A_386 : i32
            %ne3A_404 = arith.constant 0 : i32
            %ne3A_405 = arith.cmpi ne, %rem3A_403, %ne3A_404 : i32
            %and3A_406 = arith.andi %ne3A_402, %ne3A_405 : i1
            %sub3A_407 = arith.constant 1 : i32
            %sub3A_408 = arith.subi %div3A_387, %sub3A_407 : i32
            %select_n3A_409 = arith.select %and3A_406, %sub3A_408, %div3A_387 : i32
            %mul3A_410 = arith.constant 16 : i32
            %mul3A_411 = arith.muli %select_n3A_409, %mul3A_410 : i32
            %jit3A_412 = arith.constant 16 : i32
            %eq3A_413 = arith.constant 0 : i32
            %eq3A_414 = arith.cmpi eq, %jit3A_412, %eq3A_413 : i32
            %jit3A_415 = arith.constant 1 : i32
            %select_n3A_416 = arith.select %eq3A_414, %jit3A_415, %jit3A_412 : i32
            %rem3A_417 = arith.remsi %scan3A_351, %select_n3A_416 : i32
            %ne3A_418 = arith.constant 0 : i32
            %ne3A_419 = arith.cmpi ne, %rem3A_417, %ne3A_418 : i32
            %lt3A = arith.constant 0 : i32
            %lt3A_420 = arith.cmpi slt, %rem3A_417, %lt3A : i32
            %lt3A_421 = arith.constant 0 : i32
            %lt3A_422 = arith.cmpi slt, %select_n3A_416, %lt3A_421 : i32
            %ne3A_423 = arith.xori %lt3A_420, %lt3A_422 : i1
            %and3A_424 = arith.andi %ne3A_423, %ne3A_419 : i1
            %add3A_425 = arith.addi %rem3A_417, %select_n3A_416 : i32
            %select_n3A_426 = arith.select %and3A_424, %add3A_425, %rem3A_417 : i32
            %eq3A_427 = vector.broadcast %select_n3A_426 : i32 to vector<16xi32>
            %eq3A_428 = arith.cmpi eq, %iota3A_313, %eq3A_427 : vector<16xi32>
            %get3A_429 = arith.index_cast %mul3A_411 : i32 to index
            %get3A_430 = tpu.vector_load %arg10[%get3A_429] {strides = array<i32>} : memref<64xf32, #tpu.memory_space<vmem>>, vector<16xf32>,
            %broadcast_in_dim3A_431 = vector.broadcast %squeeze3A_374 : f32 to vector<16xf32>
            %select_n3A_432 = arith.select %eq3A_428, %broadcast_in_dim3A_431, %get3A_430 : vector<16xi1>, vector<16xf32>
            %swap3A_433 = arith.index_cast %mul3A_411 : i32 to index
            %swap3A_434 = tpu.vector_load %arg10[%swap3A_433] {strides = array<i32>} : memref<64xf32, #tpu.memory_space<vmem>>, vector<16xf32>,
            tpu.vector_store %arg10[%swap3A_433], %select_n3A_432 {strides = array<i32>} : memref<64xf32, #tpu.memory_space<vmem>>, vector<16xf32>,
            %eq3A_435 = vector.broadcast %select_n3A_426 : i32 to vector<16xi32>
            %eq3A_436 = arith.cmpi eq, %iota3A_313, %eq3A_435 : vector<16xi32>
            %get3A_437 = arith.index_cast %mul3A_411 : i32 to index
            %get3A_438 = tpu.vector_load %arg11[%get3A_437] {strides = array<i32>} : memref<64xi32, #tpu.memory_space<vmem>>, vector<16xi32>,
            %broadcast_in_dim3A_439 = vector.broadcast %squeeze3A_385 : i32 to vector<16xi32>
            %select_n3A_440 = arith.select %eq3A_436, %broadcast_in_dim3A_439, %get3A_438 : vector<16xi1>, vector<16xi32>
            %swap3A_441 = arith.index_cast %mul3A_411 : i32 to index
            %swap3A_442 = tpu.vector_load %arg11[%swap3A_441] {strides = array<i32>} : memref<64xi32, #tpu.memory_space<vmem>>, vector<16xi32>,
            tpu.vector_store %arg11[%swap3A_441], %select_n3A_440 {strides = array<i32>} : memref<64xi32, #tpu.memory_space<vmem>>, vector<16xi32>,
            scf.yield %squeeze3A_374, %squeeze3A_385 : f32, i32
          }
          %scan3A_321 = arith.constant 64 : i32
          %scan3A_322 = arith.constant 0 : i32
          %scan3A_323 = arith.constant 0 : i32
          %scan3A_324 = arith.constant 4 : i32
          %scan3A_325 = arith.addi %scan3A_323, %scan3A_324 : i32
          %scan3A_326 = arith.constant 1 : i32
          %scan3A_327 = scf.for %scan3A_351 = %scan3A_323 to %scan3A_325 step %scan3A_326 iter_args(%scan3A_352 = %scan3A_322) -> (i32)  : i32 {
            %mul3A_353 = arith.constant 16 : i32
            %mul3A_354 = arith.muli %scan3A_351, %mul3A_353 : i32
            %get3A_355 = arith.index_cast %mul3A_354 : i32 to index
            %get3A_356 = tpu.vector_load %arg10[%get3A_355] {strides = array<i32>} : memref<64xf32, #tpu.memory_space<vmem>>, vector<16xf32>,
            %swap3A_357 = arith.index_cast %mul3A_354 : i32 to index
            %swap3A_358 = tpu.vector_load %arg8[%swap3A_357] {strides = array<i32>} : memref<800xf32, #tpu.memory_space<vmem>>, vector<16xf32>,
            tpu.vector_store %arg8[%swap3A_357], %get3A_356 {strides = array<i32>} : memref<800xf32, #tpu.memory_space<vmem>>, vector<16xf32>,
            %get3A_359 = arith.index_cast %mul3A_354 : i32 to index
            %get3A_360 = tpu.vector_load %arg11[%get3A_359] {strides = array<i32>} : memref<64xi32, #tpu.memory_space<vmem>>, vector<16xi32>,
            %swap3A_361 = arith.index_cast %mul3A_354 : i32 to index
            %swap3A_362 = tpu.vector_load %arg9[%swap3A_361] {strides = array<i32>} : memref<800xi32, #tpu.memory_space<vmem>>, vector<16xi32>,
            tpu.vector_store %arg9[%swap3A_361], %get3A_360 {strides = array<i32>} : memref<800xi32, #tpu.memory_space<vmem>>, vector<16xi32>,
            %scan3A_363 = arith.constant 0 : i32
            scf.yield %scan3A_363 : i32
          }
          %scan3A_328 = arith.constant 4 : i32
          %scan3A_329 = arith.constant 0 : i32
          %scan3A_330 = arith.constant 4 : i32
          %scan3A_331 = arith.constant 46 : i32
          %scan3A_332 = arith.addi %scan3A_330, %scan3A_331 : i32
          %scan3A_333 = arith.constant 1 : i32
          %scan3A_334 = scf.for %scan3A_351 = %scan3A_330 to %scan3A_332 step %scan3A_333 iter_args(%scan3A_352 = %scan3A_329) -> (i32)  : i32 {
            %mul3A_353 = arith.constant 16 : i32
            %mul3A_354 = arith.muli %scan3A_351, %mul3A_353 : i32
            %broadcast_in_dim3A_355 = arith.constant 0xFF800000 : f32
            %broadcast_in_dim3A_356 = vector.broadcast %broadcast_in_dim3A_355 : f32 to vector<16xf32>
            %swap3A_357 = arith.index_cast %mul3A_354 : i32 to index
            %swap3A_358 = tpu.vector_load %arg8[%swap3A_357] {strides = array<i32>} : memref<800xf32, #tpu.memory_space<vmem>>, vector<16xf32>,
            tpu.vector_store %arg8[%swap3A_357], %broadcast_in_dim3A_356 {strides = array<i32>} : memref<800xf32, #tpu.memory_space<vmem>>, vector<16xf32>,
            %broadcast_in_dim3A_359 = arith.constant 2147483632 : i32
            %broadcast_in_dim3A_360 = vector.broadcast %broadcast_in_dim3A_359 : i32 to vector<16xi32>
            %swap3A_361 = arith.index_cast %mul3A_354 : i32 to index
            %swap3A_362 = tpu.vector_load %arg9[%swap3A_361] {strides = array<i32>} : memref<800xi32, #tpu.memory_space<vmem>>, vector<16xi32>,
            tpu.vector_store %arg9[%swap3A_361], %broadcast_in_dim3A_360 {strides = array<i32>} : memref<800xi32, #tpu.memory_space<vmem>>, vector<16xi32>,
            %scan3A_363 = arith.constant 0 : i32
            scf.yield %scan3A_363 : i32
          }
          %scan3A_335 = arith.constant 46 : i32
          %swap3A_336 = arith.constant 64 : i32
          %swap3A_337 = arith.constant 0 : i32
          %swap3A_338 = arith.index_cast %swap3A_337 : i32 to index
          %swap3A_339 = memref.load %arg13[%swap3A_338] : memref<1xi32, #tpu.memory_space<smem>>
          memref.store %swap3A_336, %arg13[%swap3A_338] : memref<1xi32, #tpu.memory_space<smem>>
          %get3A_340 = arith.constant 48 : index
          %get3A_341 = tpu.vector_load %arg10[%get3A_340] {strides = array<i32>} : memref<64xf32, #tpu.memory_space<vmem>>, vector<16xf32>,
          %get3A_342 = arith.constant 0 : i32
          %get3A_343 = arith.index_cast %get3A_342 : i32 to index
          %get3A_344 = memref.load %arg12[%get3A_343] : memref<1xf32, #tpu.memory_space<smem>>
          %slice3A_345 = vector.extract_strided_slice %get3A_341 {offsets = [15], sizes = [1], strides = [1]} : vector<16xf32> to vector<1xf32>
          %squeeze3A_346 = vector.extract %slice3A_345[0] : f32 from vector<1xf32>
          %max3A_347 = arith.maximumf %get3A_344, %squeeze3A_346 : f32
          %swap3A_348 = arith.constant 0 : i32
          %swap3A_349 = arith.index_cast %swap3A_348 : i32 to index
          %swap3A_350 = memref.load %arg12[%swap3A_349] : memref<1xf32, #tpu.memory_space<smem>>
          memref.store %max3A_347, %arg12[%swap3A_349] : memref<1xf32, #tpu.memory_space<smem>>
        } else {
        }
      } else {
      }
      %get3A_103 = arith.constant 0 : i32
      %get3A_104 = arith.index_cast %get3A_103 : i32 to index
      %get3A_105 = memref.load %arg13[%get3A_104] : memref<1xi32, #tpu.memory_space<smem>>
      %add3A_106 = arith.constant 16 : i32
      %add3A_107 = arith.addi %get3A_105, %add3A_106 : i32
      %sub3A = arith.constant 1 : i32
      %sub3A_108 = arith.subi %add3A_107, %sub3A : i32
      %jit3A = arith.constant 16 : i32
      %div3A = arith.divsi %sub3A_108, %jit3A : i32
      %sign3A = arith.constant 0 : i32
      %sign3A_109 = arith.cmpi sgt, %sub3A_108, %sign3A : i32
      %sign3A_110 = arith.extui %sign3A_109 : i1 to i32
      %sign3A_111 = arith.constant 0 : i32
      %sign3A_112 = arith.cmpi slt, %sub3A_108, %sign3A_111 : i32
      %sign3A_113 = arith.extui %sign3A_112 : i1 to i32
      %sign3A_114 = arith.subi %sign3A_110, %sign3A_113 : i32
      %sign3A_115 = arith.constant 0 : i32
      %sign3A_116 = arith.cmpi sgt, %jit3A, %sign3A_115 : i32
      %sign3A_117 = arith.extui %sign3A_116 : i1 to i32
      %sign3A_118 = arith.constant 0 : i32
      %sign3A_119 = arith.cmpi slt, %jit3A, %sign3A_118 : i32
      %sign3A_120 = arith.extui %sign3A_119 : i1 to i32
      %sign3A_121 = arith.subi %sign3A_117, %sign3A_120 : i32
      %ne3A = arith.cmpi ne, %sign3A_114, %sign3A_121 : i32
      %rem3A = arith.remsi %sub3A_108, %jit3A : i32
      %ne3A_122 = arith.constant 0 : i32
      %ne3A_123 = arith.cmpi ne, %rem3A, %ne3A_122 : i32
      %and3A = arith.andi %ne3A, %ne3A_123 : i1
      %sub3A_124 = arith.constant 1 : i32
      %sub3A_125 = arith.subi %div3A, %sub3A_124 : i32
      %select_n3A = arith.select %and3A, %sub3A_125, %div3A : i32
      %iota3A_126 = tpu.iota {dimensions = array<i32: 0>} : vector<16xi32>
      %scan3A_127 = arith.constant 0x7F800000 : f32
      %scan3A_128 = arith.constant -1 : i32
      %scan3A_129 = arith.constant 0 : i32
      %scan3A_130 = arith.constant 64 : i32
      %scan3A_131 = arith.addi %scan3A_129, %scan3A_130 : i32
      %scan3A_132 = arith.constant 1 : i32
      %scan3A_133:2 = scf.for %scan3A_136 = %scan3A_129 to %scan3A_131 step %scan3A_132 iter_args(%scan3A_137 = %scan3A_127, %scan3A_138 = %scan3A_128) -> (f32, i32)  : i32 {
        %broadcast_in_dim3A = arith.constant 0xFF800000 : f32
        %broadcast_in_dim3A_139 = vector.broadcast %broadcast_in_dim3A : f32 to vector<16xf32>
        %broadcast_in_dim3A_140 = arith.constant 2147483632 : i32
        %broadcast_in_dim3A_141 = vector.broadcast %broadcast_in_dim3A_140 : i32 to vector<16xi32>
        %while3A = arith.constant 0 : i32
        %while3A_142 = arith.subi %select_n3A, %while3A : i32
        %while3A_143 = arith.addi %while3A, %while3A_142 : i32
        %while3A_144 = arith.constant 1 : i32
        %while3A_145 = arith.divsi %while3A_142, %while3A_144 : i32
        %while3A_146 = arith.muli %while3A_145, %while3A_144 : i32
        %while3A_147 = arith.addi %while3A, %while3A_146 : i32
        %while3A_148 = arith.constant 1 : i32
        %while3A_149:2 = scf.for %while3A_225 = %while3A to %while3A_147 step %while3A_148 iter_args(%while3A_226 = %broadcast_in_dim3A_139, %while3A_227 = %broadcast_in_dim3A_141) -> (vector<16xf32>, vector<16xi32>)  : i32 {
          %mul3A_228 = arith.constant 16 : i32
          %mul3A_229 = arith.muli %while3A_225, %mul3A_228 : i32
          %get3A_230 = arith.index_cast %mul3A_229 : i32 to index
          %get3A_231 = tpu.vector_load %arg8[%get3A_230] {strides = array<i32>} : memref<800xf32, #tpu.memory_space<vmem>>, vector<16xf32>,
          %get3A_232 = arith.index_cast %mul3A_229 : i32 to index
          %get3A_233 = tpu.vector_load %arg9[%get3A_232] {strides = array<i32>} : memref<800xi32, #tpu.memory_space<vmem>>, vector<16xi32>,
          %eq3A_234 = vector.broadcast %scan3A_137 : f32 to vector<16xf32>
          %eq3A_235 = arith.cmpf oeq, %get3A_231, %eq3A_234 : vector<16xf32>
          %eq3A_236 = vector.broadcast %scan3A_138 : i32 to vector<16xi32>
          %eq3A_237 = arith.cmpi eq, %get3A_233, %eq3A_236 : vector<16xi32>
          %and3A_238 = arith.andi %eq3A_235, %eq3A_237 : vector<16xi1>
          %jit3A_239 = arith.constant 0xFF800000 : f32
          %broadcast_in_dim3A_240 = vector.broadcast %jit3A_239 : f32 to vector<16xf32>
          %select_n3A_241 = arith.select %and3A_238, %broadcast_in_dim3A_240, %get3A_231 : vector<16xi1>, vector<16xf32>
          %swap3A_242 = arith.index_cast %mul3A_229 : i32 to index
          %swap3A_243 = tpu.vector_load %arg8[%swap3A_242] {strides = array<i32>} : memref<800xf32, #tpu.memory_space<vmem>>, vector<16xf32>,
          tpu.vector_store %arg8[%swap3A_242], %select_n3A_241 {strides = array<i32>} : memref<800xf32, #tpu.memory_space<vmem>>, vector<16xf32>,
          %gt3A = arith.cmpf ogt, %select_n3A_241, %while3A_226 : vector<16xf32>
          %eq3A_244 = arith.cmpf oeq, %select_n3A_241, %while3A_226 : vector<16xf32>
          %lt3A_245 = arith.cmpi slt, %get3A_233, %while3A_227 : vector<16xi32>
          %and3A_246 = arith.andi %eq3A_244, %lt3A_245 : vector<16xi1>
          %or3A = arith.ori %gt3A, %and3A_246 : vector<16xi1>
          %select_n3A_247 = arith.select %or3A, %select_n3A_241, %while3A_226 : vector<16xi1>, vector<16xf32>
          %select_n3A_248 = arith.select %or3A, %get3A_233, %while3A_227 : vector<16xi1>, vector<16xi32>
          scf.yield %select_n3A_247, %select_n3A_248 : vector<16xf32>, vector<16xi32>
        }
        %while3A_150 = arith.constant 1 : i32
        %while3A_151:2 = scf.for %while3A_225 = %while3A_147 to %while3A_143 step %while3A_150 iter_args(%while3A_226 = %while3A_149#0, %while3A_227 = %while3A_149#1) -> (vector<16xf32>, vector<16xi32>)  : i32 {
          %mul3A_228 = arith.constant 16 : i32
          %mul3A_229 = arith.muli %while3A_225, %mul3A_228 : i32
          %get3A_230 = arith.index_cast %mul3A_229 : i32 to index
          %get3A_231 = tpu.vector_load %arg8[%get3A_230] {strides = array<i32>} : memref<800xf32, #tpu.memory_space<vmem>>, vector<16xf32>,
          %get3A_232 = arith.index_cast %mul3A_229 : i32 to index
          %get3A_233 = tpu.vector_load %arg9[%get3A_232] {strides = array<i32>} : memref<800xi32, #tpu.memory_space<vmem>>, vector<16xi32>,
          %eq3A_234 = vector.broadcast %scan3A_137 : f32 to vector<16xf32>
          %eq3A_235 = arith.cmpf oeq, %get3A_231, %eq3A_234 : vector<16xf32>
          %eq3A_236 = vector.broadcast %scan3A_138 : i32 to vector<16xi32>
          %eq3A_237 = arith.cmpi eq, %get3A_233, %eq3A_236 : vector<16xi32>
          %and3A_238 = arith.andi %eq3A_235, %eq3A_237 : vector<16xi1>
          %jit3A_239 = arith.constant 0xFF800000 : f32
          %broadcast_in_dim3A_240 = vector.broadcast %jit3A_239 : f32 to vector<16xf32>
          %select_n3A_241 = arith.select %and3A_238, %broadcast_in_dim3A_240, %get3A_231 : vector<16xi1>, vector<16xf32>
          %swap3A_242 = arith.index_cast %mul3A_229 : i32 to index
          %swap3A_243 = tpu.vector_load %arg8[%swap3A_242] {strides = array<i32>} : memref<800xf32, #tpu.memory_space<vmem>>, vector<16xf32>,
          tpu.vector_store %arg8[%swap3A_242], %select_n3A_241 {strides = array<i32>} : memref<800xf32, #tpu.memory_space<vmem>>, vector<16xf32>,
          %gt3A = arith.cmpf ogt, %select_n3A_241, %while3A_226 : vector<16xf32>
          %eq3A_244 = arith.cmpf oeq, %select_n3A_241, %while3A_226 : vector<16xf32>
          %lt3A_245 = arith.cmpi slt, %get3A_233, %while3A_227 : vector<16xi32>
          %and3A_246 = arith.andi %eq3A_244, %lt3A_245 : vector<16xi1>
          %or3A = arith.ori %gt3A, %and3A_246 : vector<16xi1>
          %select_n3A_247 = arith.select %or3A, %select_n3A_241, %while3A_226 : vector<16xi1>, vector<16xf32>
          %select_n3A_248 = arith.select %or3A, %get3A_233, %while3A_227 : vector<16xi1>, vector<16xi32>
          scf.yield %select_n3A_247, %select_n3A_248 : vector<16xf32>, vector<16xi32>
        }
        %sort3A_152 = arith.constant dense<true> : vector<16xi1>
        %sort3A_153, %sort3A_154, %sort3A_155 = tpu.sort %while3A_151#0, %while3A_151#0 masked %sort3A_152 : (vector<16xf32>, vector<16xf32>, vector<16xi1>) -> (vector<16xi1>, vector<16xf32>, vector<16xf32>)
        %slice3A_156 = vector.extract_strided_slice %sort3A_154 {offsets = [15], sizes = [1], strides = [1]} : vector<16xf32> to vector<1xf32>
        %squeeze3A_157 = vector.extract %slice3A_156[0] : f32 from vector<1xf32>
        %eq3A = vector.broadcast %squeeze3A_157 : f32 to vector<16xf32>
        %eq3A_158 = arith.cmpf oeq, %while3A_151#0, %eq3A : vector<16xf32>
        %jit3A_159 = arith.constant 2147483632 : i32
        %broadcast_in_dim3A_160 = vector.broadcast %jit3A_159 : i32 to vector<16xi32>
        %select_n3A_161 = arith.select %eq3A_158, %while3A_151#1, %broadcast_in_dim3A_160 : vector<16xi1>, vector<16xi32>
        %sort3A_162 = arith.constant dense<true> : vector<16xi1>
        %sort3A_163, %sort3A_164, %sort3A_165 = tpu.sort %select_n3A_161, %select_n3A_161 masked %sort3A_162 : (vector<16xi32>, vector<16xi32>, vector<16xi1>) -> (vector<16xi1>, vector<16xi32>, vector<16xi32>)
        %slice3A_166 = vector.extract_strided_slice %sort3A_164 {offsets = [0], sizes = [1], strides = [1]} : vector<16xi32> to vector<1xi32>
        %squeeze3A_167 = vector.extract %slice3A_166[0] : i32 from vector<1xi32>
        %jit3A_168 = arith.constant 16 : i32
        %div3A_169 = arith.divsi %scan3A_136, %jit3A_168 : i32
        %sign3A_170 = arith.constant 0 : i32
        %sign3A_171 = arith.cmpi sgt, %scan3A_136, %sign3A_170 : i32
        %sign3A_172 = arith.extui %sign3A_171 : i1 to i32
        %sign3A_173 = arith.constant 0 : i32
        %sign3A_174 = arith.cmpi slt, %scan3A_136, %sign3A_173 : i32
        %sign3A_175 = arith.extui %sign3A_174 : i1 to i32
        %sign3A_176 = arith.subi %sign3A_172, %sign3A_175 : i32
        %sign3A_177 = arith.constant 0 : i32
        %sign3A_178 = arith.cmpi sgt, %jit3A_168, %sign3A_177 : i32
        %sign3A_179 = arith.extui %sign3A_178 : i1 to i32
        %sign3A_180 = arith.constant 0 : i32
        %sign3A_181 = arith.cmpi slt, %jit3A_168, %sign3A_180 : i32
        %sign3A_182 = arith.extui %sign3A_181 : i1 to i32
        %sign3A_183 = arith.subi %sign3A_179, %sign3A_182 : i32
        %ne3A_184 = arith.cmpi ne, %sign3A_176, %sign3A_183 : i32
        %rem3A_185 = arith.remsi %scan3A_136, %jit3A_168 : i32
        %ne3A_186 = arith.constant 0 : i32
        %ne3A_187 = arith.cmpi ne, %rem3A_185, %ne3A_186 : i32
        %and3A_188 = arith.andi %ne3A_184, %ne3A_187 : i1
        %sub3A_189 = arith.constant 1 : i32
        %sub3A_190 = arith.subi %div3A_169, %sub3A_189 : i32
        %select_n3A_191 = arith.select %and3A_188, %sub3A_190, %div3A_169 : i32
        %mul3A_192 = arith.constant 16 : i32
        %mul3A_193 = arith.muli %select_n3A_191, %mul3A_192 : i32
        %jit3A_194 = arith.constant 16 : i32
        %eq3A_195 = arith.constant 0 : i32
        %eq3A_196 = arith.cmpi eq, %jit3A_194, %eq3A_195 : i32
        %jit3A_197 = arith.constant 1 : i32
        %select_n3A_198 = arith.select %eq3A_196, %jit3A_197, %jit3A_194 : i32
        %rem3A_199 = arith.remsi %scan3A_136, %select_n3A_198 : i32
        %ne3A_200 = arith.constant 0 : i32
        %ne3A_201 = arith.cmpi ne, %rem3A_199, %ne3A_200 : i32
        %lt3A = arith.constant 0 : i32
        %lt3A_202 = arith.cmpi slt, %rem3A_199, %lt3A : i32
        %lt3A_203 = arith.constant 0 : i32
        %lt3A_204 = arith.cmpi slt, %select_n3A_198, %lt3A_203 : i32
        %ne3A_205 = arith.xori %lt3A_202, %lt3A_204 : i1
        %and3A_206 = arith.andi %ne3A_205, %ne3A_201 : i1
        %add3A_207 = arith.addi %rem3A_199, %select_n3A_198 : i32
        %select_n3A_208 = arith.select %and3A_206, %add3A_207, %rem3A_199 : i32
        %eq3A_209 = vector.broadcast %select_n3A_208 : i32 to vector<16xi32>
        %eq3A_210 = arith.cmpi eq, %iota3A_126, %eq3A_209 : vector<16xi32>
        %get3A_211 = arith.index_cast %mul3A_193 : i32 to index
        %get3A_212 = tpu.vector_load %arg10[%get3A_211] {strides = array<i32>} : memref<64xf32, #tpu.memory_space<vmem>>, vector<16xf32>,
        %broadcast_in_dim3A_213 = vector.broadcast %squeeze3A_157 : f32 to vector<16xf32>
        %select_n3A_214 = arith.select %eq3A_210, %broadcast_in_dim3A_213, %get3A_212 : vector<16xi1>, vector<16xf32>
        %swap3A_215 = arith.index_cast %mul3A_193 : i32 to index
        %swap3A_216 = tpu.vector_load %arg10[%swap3A_215] {strides = array<i32>} : memref<64xf32, #tpu.memory_space<vmem>>, vector<16xf32>,
        tpu.vector_store %arg10[%swap3A_215], %select_n3A_214 {strides = array<i32>} : memref<64xf32, #tpu.memory_space<vmem>>, vector<16xf32>,
        %eq3A_217 = vector.broadcast %select_n3A_208 : i32 to vector<16xi32>
        %eq3A_218 = arith.cmpi eq, %iota3A_126, %eq3A_217 : vector<16xi32>
        %get3A_219 = arith.index_cast %mul3A_193 : i32 to index
        %get3A_220 = tpu.vector_load %arg11[%get3A_219] {strides = array<i32>} : memref<64xi32, #tpu.memory_space<vmem>>, vector<16xi32>,
        %broadcast_in_dim3A_221 = vector.broadcast %squeeze3A_167 : i32 to vector<16xi32>
        %select_n3A_222 = arith.select %eq3A_218, %broadcast_in_dim3A_221, %get3A_220 : vector<16xi1>, vector<16xi32>
        %swap3A_223 = arith.index_cast %mul3A_193 : i32 to index
        %swap3A_224 = tpu.vector_load %arg11[%swap3A_223] {strides = array<i32>} : memref<64xi32, #tpu.memory_space<vmem>>, vector<16xi32>,
        tpu.vector_store %arg11[%swap3A_223], %select_n3A_222 {strides = array<i32>} : memref<64xi32, #tpu.memory_space<vmem>>, vector<16xi32>,
        scf.yield %squeeze3A_157, %squeeze3A_167 : f32, i32
      }
      %scan3A_134 = arith.constant 64 : i32
      "tpu.region"() ({
        %run_scoped3A = tpu.sem_alloc : memref<!tpu.dma_semaphore, #tpu.memory_space<semaphore_mem>>
        %dma_start3A = arith.constant 0 : i32
        %dma_start3A_136 = tpu.memref_slice %arg3[%add3A_11, %dma_start3A] : memref<128x64xf32, #tpu.memory_space<hbm>> -> memref<1x64xf32, #tpu.memory_space<hbm>>
        %dma_start3A_137 = tpu.memref_squeeze %dma_start3A_136 : memref<1x64xf32, #tpu.memory_space<hbm>> -> memref<64xf32, #tpu.memory_space<hbm>>
        %dma_start3A_138 = arith.constant 0 : i32
        %dma_start3A_139 = tpu.memref_slice %arg3[%add3A_11, %dma_start3A_138] : memref<128x64xf32, #tpu.memory_space<hbm>> -> memref<1x64xf32, #tpu.memory_space<hbm>>
        %dma_start3A_140 = tpu.memref_squeeze %dma_start3A_139 : memref<1x64xf32, #tpu.memory_space<hbm>> -> memref<64xf32, #tpu.memory_space<hbm>>
        tpu.enqueue_dma source(%arg10 : memref<64xf32, #tpu.memory_space<vmem>>) target(%dma_start3A_140 : memref<64xf32, #tpu.memory_space<hbm>>) target_semaphore(%run_scoped3A : memref<!tpu.dma_semaphore, #tpu.memory_space<semaphore_mem>>)
        %dma_wait3A = arith.constant 0 : i32
        %dma_wait3A_141 = tpu.memref_slice %arg3[%add3A_11, %dma_wait3A] : memref<128x64xf32, #tpu.memory_space<hbm>> -> memref<1x64xf32, #tpu.memory_space<hbm>>
        %dma_wait3A_142 = tpu.memref_squeeze %dma_wait3A_141 : memref<1x64xf32, #tpu.memory_space<hbm>> -> memref<64xf32, #tpu.memory_space<hbm>>
        %dma_wait3A_143 = arith.constant 0 : i32
        %dma_wait3A_144 = tpu.memref_slice %arg3[%add3A_11, %dma_wait3A_143] : memref<128x64xf32, #tpu.memory_space<hbm>> -> memref<1x64xf32, #tpu.memory_space<hbm>>
        %dma_wait3A_145 = tpu.memref_squeeze %dma_wait3A_144 : memref<1x64xf32, #tpu.memory_space<hbm>> -> memref<64xf32, #tpu.memory_space<hbm>>
        tpu.wait_dma2 semaphore(%run_scoped3A : memref<!tpu.dma_semaphore, #tpu.memory_space<semaphore_mem>>) src(%arg10 : memref<64xf32, #tpu.memory_space<vmem>>) dst(%dma_wait3A_145 : memref<64xf32, #tpu.memory_space<hbm>>)
        tpu.yield
      }) : () -> ()
      "tpu.region"() ({
        %run_scoped3A = tpu.sem_alloc : memref<!tpu.dma_semaphore, #tpu.memory_space<semaphore_mem>>
        %dma_start3A = arith.constant 0 : i32
        %dma_start3A_136 = tpu.memref_slice %arg4[%add3A_11, %dma_start3A] : memref<128x64xi32, #tpu.memory_space<hbm>> -> memref<1x64xi32, #tpu.memory_space<hbm>>
        %dma_start3A_137 = tpu.memref_squeeze %dma_start3A_136 : memref<1x64xi32, #tpu.memory_space<hbm>> -> memref<64xi32, #tpu.memory_space<hbm>>
        %dma_start3A_138 = arith.constant 0 : i32
        %dma_start3A_139 = tpu.memref_slice %arg4[%add3A_11, %dma_start3A_138] : memref<128x64xi32, #tpu.memory_space<hbm>> -> memref<1x64xi32, #tpu.memory_space<hbm>>
        %dma_start3A_140 = tpu.memref_squeeze %dma_start3A_139 : memref<1x64xi32, #tpu.memory_space<hbm>> -> memref<64xi32, #tpu.memory_space<hbm>>
        tpu.enqueue_dma source(%arg11 : memref<64xi32, #tpu.memory_space<vmem>>) target(%dma_start3A_140 : memref<64xi32, #tpu.memory_space<hbm>>) target_semaphore(%run_scoped3A : memref<!tpu.dma_semaphore, #tpu.memory_space<semaphore_mem>>)
        %dma_wait3A = arith.constant 0 : i32
        %dma_wait3A_141 = tpu.memref_slice %arg4[%add3A_11, %dma_wait3A] : memref<128x64xi32, #tpu.memory_space<hbm>> -> memref<1x64xi32, #tpu.memory_space<hbm>>
        %dma_wait3A_142 = tpu.memref_squeeze %dma_wait3A_141 : memref<1x64xi32, #tpu.memory_space<hbm>> -> memref<64xi32, #tpu.memory_space<hbm>>
        %dma_wait3A_143 = arith.constant 0 : i32
        %dma_wait3A_144 = tpu.memref_slice %arg4[%add3A_11, %dma_wait3A_143] : memref<128x64xi32, #tpu.memory_space<hbm>> -> memref<1x64xi32, #tpu.memory_space<hbm>>
        %dma_wait3A_145 = tpu.memref_squeeze %dma_wait3A_144 : memref<1x64xi32, #tpu.memory_space<hbm>> -> memref<64xi32, #tpu.memory_space<hbm>>
        tpu.wait_dma2 semaphore(%run_scoped3A : memref<!tpu.dma_semaphore, #tpu.memory_space<semaphore_mem>>) src(%arg11 : memref<64xi32, #tpu.memory_space<vmem>>) dst(%dma_wait3A_145 : memref<64xi32, #tpu.memory_space<hbm>>)
        tpu.yield
      }) : () -> ()
      %scan3A_135 = arith.constant 0 : i32
      scf.yield %scan3A_135 : i32
    }
    %scan3A_6 = arith.constant 4 : i32
    return
  }
}

</mosaic_0001>

<sc_bundles>
// kernel: _sc_topk.3.cloned.1.call-start
scs
__scs_entry_jumppad:
0x0: {  	(pc) =	sbr.rel $0x88, $3  }
0x1: {  	(tag) =	ssettag $0x0;
	lr =	simm.s32 $0x1  }
0x2: {  	[smem:$0x3FA0] =	sst lr;
	_ =	strace $0xD0000000  }
0x3: {  	_ = 	snop  }
0x4: {  	_ = 	snop  }
0x5: {  	_ = 	snop  }
0x6: {  	_ = 	snop  }
0x7: {  	_ = 	snop  }
__scs_overlays_trampoline_lowered:
0x8: {  	[smem:$0x3FAF] =	sst s0  }
0x9: {  	[smem:$0x3FB0] =	sst s1  }
0xa: {  	[smem:$0x3FB1] =	sst s2  }
0xb: {  	[smem:$0x3FB2] =	sst s3  }
0xc: {  	[smem:$0x3FB3] =	sst s4  }
0xd: {  	[smem:$0x3FB4] =	sst s5  }
0xe: {  	[smem:$0x3FB5] =	sst s6  }
0xf: {  	[smem:$0x3FB6] =	sst s7  }
0x10: {  	[smem:$0x3FB7] =	sst s8  }
0x11: {  	[smem:$0x3FB8] =	sst s9;
	s0 =	simm.s32 @!p0 $0x0  }
0x12: {  	s1 =	sld [smem:$0x3F9E];
	s0 =	simm.s32 @p0 $0x1  }
0x13: {  	[smem:$0x3FB9] =	sst s0;
	s0 =	simm.s32 @!p1 $0x0  }
0x14: {  	s2 =	sld [smem:$0x3F9D];
	s0 =	simm.s32 @p1 $0x1  }
0x15: {  	[smem:$0x3FBA] =	sst s0;
	s0 =	simm.s32 @!p2 $0x0  }
0x16: {  	s3 =	sld [smem:$0x3FDB];
	s0 =	simm.s32 @p2 $0x1  }
0x17: {  	s4 =	simm.s32 $0x1BF5;
	[smem:$0x3FBC] =	sst s0  }
0x18: {  	s0 =	sld [smem:$0x3F9F];
	_ =	swait.ge [sflag:s4], $0x0  }
0x19: {  	s7 =	sld [smem:$0x3FA0]  }
0x1a: {  	s8 =	sadd.s32 $0xFFFFE003, lr  }
0x1b: {  	s9 =	sadd.s32 $0xFFFFFEF7, lr;
	s5 =	simm.s32 $0xFFFFFFFF;
	p2 =	slt.u32 s8, $0xFFFFF086  }
0x1c: {  	p1 =	slt.u32 s9, $0xF7A;
	s5 =	simm.s32 @!p2 $0x0  }
0x1d: {  	s5 =	simm.s32 @p1 $0x1;
	p0 =	seq.s32 s7, s2  }
0x1e: {  	s7 =	smul.u32 @!p0 $0xF7A, s2;
	p2 =	seq.s32 @!p0 s5, $0x0  }
0x1f: {  	s9 =	smul.u32 $0xF7A, s1;
	s8 =	simm.s32 @!p0 $0x1BF5;
	p2 =	por !p2, p0  }
0x20: {  	[sflag:s8] =	ssyncset.s32 @!p0 $0xFFFFF086;
	s6 =	sadd.s32 @!p0 s3, s7;
	s7 =	simm.s32 @!p0 $0x108  }
0x21: {  	s3 =	sadd.s32 s3, s9;
	s6 =	sadd.s32 @!p0 $0x88, s6;
	s7 =	simm.s32 @p2 $0x1082  }
0x22: {  	[simem:s7], [sflag:s8] =	dma.local @!p0 [hbm:s6], $0xF7A  }
0x23: {  	s9 =	sor.u32 $0xD0000000, s2;
	s6 =	simm.s32 $0x108;
	_ =	swait.ge @!p0 [sflag:s8], $0x0  }
0x24: {  	s3 =	sadd.s32 $0x88, s3;
	s6 =	simm.s32 @!p1 $0x1082;
	[sflag:s4] =	ssyncset.s32 $0xFFFFF086  }
0x25: {  	[simem:s6], [sflag:s4] =	dma.local [hbm:s3], $0xF7A  }
0x26: {  	[smem:$0x3FA0] =	sst s1;
	(tag) =	ssettag s2;
	_ =	strace s9  }
0x27: {  	s1 =	sld [smem:$0x3FB0]  }
0x28: {  	s2 =	sld [smem:$0x3FB1]  }
0x29: {  	s4 =	sld [smem:$0x3FB3]  }
0x2a: {  	p0 =	seq.s32 s5, $0x0;
	s5 =	sld [smem:$0x3FB4]  }
0x2b: {  	s6 =	sld [smem:$0x3FB5]  }
0x2c: {  	s7 =	sld [smem:$0x3FB6]  }
0x2d: {  	s3 =	simm.s32 $0x108;
	s8 =	sld [smem:$0x3FB7]  }
0x2e: {  	s3 =	simm.s32 @!p0 $0x1082;
	s9 =	sld [smem:$0x3FB8]  }
0x2f: {  	lr =	sadd.s32 s0, s3;
	s0 =	sld [smem:$0x3FAF]  }
0x30: {  	s3 =	sld [smem:$0x3FB2]  }
0x31: {  	[smem:$0x3FBB] =	sst s10  }
0x32: {  	s10 =	sld [smem:$0x3FB9];
	_ =	sdelay $0x3  }
0x33: {  	p0 =	seq.s32 s10, $0x1;
	s10 =	sld [smem:$0x3FBB];
	_ =	sdelay $0x3  }
0x34: {  	[smem:$0x3FBB] =	sst s10  }
0x35: {  	s10 =	sld [smem:$0x3FBA];
	_ =	sdelay $0x3  }
0x36: {  	p1 =	seq.s32 s10, $0x1;
	s10 =	sld [smem:$0x3FBB];
	_ =	sdelay $0x3  }
0x37: {  	[smem:$0x3FBB] =	sst s10  }
0x38: {  	s10 =	sld [smem:$0x3FBC]  }
0x39: {  	_ = 	snop;
	(pc) =	sbr.ind lr, $3  }
0x3a: {  	_ = 	snop  }
0x3b: {  	_ = 	snop  }
0x3c: {  	p2 =	seq.s32 s10, $0x1;
	s10 =	sld [smem:$0x3FBB]  }
0x3d: {  	_ =	shalt  }
0x3e: {  	_ =	shalt  }
0x3f: {  	_ =	shalt  }
0x40: {  	_ =	shalt  }
0x41: {  	_ =	shalt  }
0x42: {  	_ =	shalt  }
0x43: {  	_ =	shalt  }
0x44: {  	_ =	shalt  }
0x45: {  	_ =	shalt  }
0x46: {  	_ =	shalt  }
0x47: {  	_ =	shalt  }
0x48: {  	_ =	shalt  }
0x49: {  	_ =	shalt  }
0x4a: {  	_ =	shalt  }
0x4b: {  	_ =	shalt  }
0x4c: {  	_ =	shalt  }
0x4d: {  	_ =	shalt  }
0x4e: {  	_ =	shalt  }
0x4f: {  	_ =	shalt  }
0x50: {  	_ =	shalt  }
0x51: {  	_ =	shalt  }
0x52: {  	_ =	shalt  }
0x53: {  	_ =	shalt  }
0x54: {  	_ =	shalt  }
0x55: {  	_ =	shalt  }
0x56: {  	_ =	shalt  }
0x57: {  	_ =	shalt  }
0x58: {  	_ =	shalt  }
0x59: {  	_ =	shalt  }
0x5a: {  	_ =	shalt  }
0x5b: {  	_ =	shalt  }
0x5c: {  	_ =	shalt  }
0x5d: {  	_ =	shalt  }
0x5e: {  	_ =	shalt  }
0x5f: {  	_ =	shalt  }
0x60: {  	_ =	shalt  }
0x61: {  	_ =	shalt  }
0x62: {  	_ =	shalt  }
0x63: {  	_ =	shalt  }
0x64: {  	_ =	shalt  }
0x65: {  	_ =	shalt  }
0x66: {  	_ =	shalt  }
0x67: {  	_ =	shalt  }
0x68: {  	_ =	shalt  }
0x69: {  	_ =	shalt  }
0x6a: {  	_ =	shalt  }
0x6b: {  	_ =	shalt  }
0x6c: {  	_ =	shalt  }
0x6d: {  	_ =	shalt  }
0x6e: {  	_ =	shalt  }
0x6f: {  	_ =	shalt  }
0x70: {  	_ =	shalt  }
0x71: {  	_ =	shalt  }
0x72: {  	_ =	shalt  }
0x73: {  	_ =	shalt  }
0x74: {  	_ =	shalt  }
0x75: {  	_ =	shalt  }
0x76: {  	_ =	shalt  }
0x77: {  	_ =	shalt  }
0x78: {  	_ =	shalt  }
0x79: {  	_ =	shalt  }
0x7a: {  	_ =	shalt  }
0x7b: {  	_ =	shalt  }
0x7c: {  	_ =	shalt  }
0x7d: {  	_ =	shalt  }
0x7e: {  	_ =	shalt  }
0x7f: {  	_ =	shalt  }
0x80: {  	_ =	shalt  }
0x81: {  	_ =	shalt  }
0x82: {  	_ =	shalt  }
0x83: {  	_ =	shalt  }
0x84: {  	_ =	shalt  }
0x85: {  	_ =	shalt  }
0x86: {  	_ =	shalt  }
0x87: {  	_ =	shalt  }
.Lfunc_end0:
.L_simem_size_0:
called_computation_lowered:
.L_overlay_start_0:
0x88: {  	s2 =	sld [smem:$0x3FD9]  }
0x89: {  	s3 =	sld [smem:$0x3FFE];
	_ =	sdelay $0x1  }
0x8a: {  	s1 =	srdreg.scid  }
0x8b: {  	s0 =	sand.u32 $0x1, s1  }
0x8c: {  	s17 =	sshll.u32 s0, $0xA;
	s2 =	sadd.s32 s3, s2  }
0x8d: {  	s2 =	sadd.s32 s2, s17  }
0x8e: {  	[smem:$0x3FC7] =	sst s2  }
0x8f: {  	_ = 	snop  }
0x90: {  	s2 =	sld [smem:$0x3FC9];
	(tm) =	ssettm $0x1  }
0x91: {  	s18 =	sld [smem:$0x3FFB];
	_ =	sdelay $0x3  }
0x92: {  	_ =	strace s18  }
0x93: {  	s3 =	sld [smem:$0x3FFC];
	_ =	sdelay $0x3  }
0x94: {  	_ =	strace s3  }
0x95: {  	s3 =	sld [smem:$0x3FFD];
	_ =	sdelay $0x3  }
0x96: {  	_ =	strace s3  }
0x97: {  	_ =	strace $0x8FFFFFFF  }
0x98: {  	s19 =	sld [smem:$0x3FDB];
	_ =	sdelay $0x1  }
0x99: {  	s4 =	simm.s32 $_scs_section_size  }
0x9a: {  	s5 =	simm.s32 $_size__tile_overlayer_lowered;
	s6 =	simm.s32 $_tile_overlayer_lowered  }
0x9b: {  	s22 =	simm.s32 $0x1BFF;
	s21 =	sshll.u32 s6, $0x1;
	s3 =	sadd.s32 s4, s19  }
0x9c: {  	s7 =	simm.s32 $0x0;
	s20 =	sshll.u32 s5, $0x1;
	s5 =	sadd.s32 s21, s3  }
0x9d: {  	[timem:s7], [sflag:s22] =	dma.local [hbm:s5], s20  }
0x9e: {  	_ =	swait.ge [sflag:s22], s20  }
0x9f: {  	s4 =	ssub.s32 $0x0, s20;
	[sflag:s22] =	ssyncset.done $0x0  }
0xa0: {  	[sflag:s22] =	ssyncadd.s32 s4;
	_ =	sdelay $0x1  }
0xa1: {  	s23 =	simm.s32 $0x1B8B  }
0xa2: {  	_ =	swait.ge [sflag:s23], $0x1  }
0xa3: {  	[sflag:s23] =	ssyncset.done $0x0  }
0xa4: {  	s25 =	simm.s32 $0x1B8E;
	s24 =	sld [smem:$0x3FFE];
	[sflag:s23] =	ssyncadd.s32 $0xFFFFFFFF  }
0xa5: {  	s26 =	simm.s32 $execute0_lowered;
	[smem:$0x3FD2] =	sst s25  }
0xa6: {  	s5 =	sshll.u32 s26, $0x1;
	_ =	strace $0x80000046;
	[dreg:$0x1] =	wrdreg $0xFFFFFFFF  }
0xa7: {  	s28 =	simm.s32 $_size_execute0_lowered;
	s3 =	sadd.s32 s3, s5;
	[dreg:$0x0] =	wrdreg $0x0  }
0xa8: {  	s5 =	sshll.u32 s28, $0x1;
	[dreg:$0x2] =	wrdreg s3  }
0xa9: {  	[dreg:$0x3] =	wrdreg s5  }
0xaa: {  	[dreg:$0x4] =	wrdreg $0xC0  }
0xab: {  	_ =	task [dreg:s7], $0x5FFFF  }
0xac: {  	[dreg:$0x1] =	wrdreg $0xFFFFFFFF  }
0xad: {  	[dreg:$0x0] =	wrdreg $0x60  }
0xae: {  	[dreg:$0x2] =	wrdreg s2  }
0xaf: {  	[dreg:$0x3] =	wrdreg s24  }
0xb0: {  	[dreg:$0x4] =	wrdreg $0x9  }
0xb1: {  	_ =	task.clear_ibuf [dreg:s7], $0x5FFFF;
	_ =	strace $0x90000046  }
0xb2: {  	s29 =	simm.s32 $0x9;
	_ =	strace $0x80000048  }
0xb3: {  	_ =	swait.ge [sflag:s29], $0x1  }
0xb4: {  	[sflag:s29] =	ssyncadd.s32 $0xFFFFFFFF  }
0xb5: {  	_ =	strace $0x90000048  }
0xb6: {  	_ =	sfence  }
0xb7: {  	s30 =	sld [smem:$0x0];
	_ =	sdelay $0x2  }
0xb8: {  	s31 =	sshll.u32 s1, $0xD;
	s1 =	sshrl.u32 s1, $0x2  }
0xb9: {  	s3 =	sand.u32 $0x4000, s31;
	s1 =	sadd.s32 s1, s30  }
0xba: {  	s0 =	sor.u32 s3, s0;
	s1 =	sshll.u32 s1, $0x11  }
0xbb: {  	s0 =	sor.u32 s1, s0  }
0xbc: {  	s0 =	sadd.s32 $0x8F2B, s0  }
0xbd: {  	[sflag:s0] =	ssyncadd.remote.s32 $0x1  }
0xbe: {  	_ =	sfence.sel $0xFFFF  }
0xbf: {  	[dreg:$0x0] =	wrdreg $0xFFFFFFFF;
	(pc) =	sbr.abs _section_cstart, $3  }
0xc0: {  	[dreg:$0x1] =	wrdreg $0xFFFFFFFF  }
0xc1: {  	_ =	task.clear_ibuf [dreg:s7], $0x2FFFF;
	_ =	strace $0x9FFFFFFF  }
0xc2: {  	(tm) =	ssettm $0x7FFFFFFF  }
0xc3: {  	_ =	shalt  }
tec
execute0_lowered:
.L_overlay_start_1:
0x0: {  	(tag) =	ssettag $0x1  }
0x1: {  	s1 =	rddreg [dreg:$0x0]  }
0x2: {  	s3 =	rddreg [dreg:$0x1]  }
0x3: {  	s0 =	rddreg [dreg:$0x2];
	s2 =	simm.s32 $0x0  }
0x4: {  	s4 =	srdreg.scid;
	s10 =	simm.s32 $0x80;
	s11 =	simm.s32 $0x400  }
0x5: {  	s12 =	simm.s32 $0x1;
	s13 =	simm.s32 $0x8880;
	s14 =	simm.s32 $0x8C00  }
0x6: {  	s15 =	simm.s32 $0x40;
	s16 =	simm.s32 $0x8F80;
	s17 =	simm.s32 $0x9000  }
.Ltmp0:
0x7: {  	s18 =	simm.s32 $0x0;
	s6 =	sand.u32 $0x1, s4;
	(pc) =	sbr.rel .LBB2_1-.Ltmp0, $4  }
0x8: {  	[smem:$0x7FF] =	sst s2;
	s4 =	sadd.s32 $0x800, s3;
	s7 =	ssub.s32 $0x2, s6  }
0x9: {  	s5 =	sadd.s32 $0x1000, s3;
	s3 =	stileid.u32;
	s8 =	sshrl.u32 s7, $0x1  }
0xa: {  	v0 =	vimm.f32 $-Inf;
	_ =	strace $0x80000047;
	s6 =	sshll.u32 s6, $0x9;
	s9 =	ssub.s32 s7, s8  }
0xb: {  	v1 =	vimm.s32 $0x7FFFFFF0;
	v2 =	vimm.s32 $0x0;
	v3 =	vlaneseq.u32;
	s7 =	sshll.u32 s3, $0x12;
	s8 =	sshll.u32 s3, $0xA;
	s9 =	smax.u32 s9, $0x1  }
.LBB2_84:
0xc: {  	s18 =	sadd.s32 $0x1, s18  }
0xd: {  	p0 =	sne.s32 s18, s9  }
.Ltmp1:
0xe: {  	_ = 	snop;
	(pc) =	sbr.rel @!p0 .LBB2_85-.Ltmp1, $1  }
0xf: {  	_ =	sdelay $0x3  }
.LBB2_1:
.Ltmp2:
0x10: {  	(pc) =	sbr.rel .LBB2_2-.Ltmp2, $2  }
0x11: {  	_ =	sdelay $0x2  }
0x12: {  	s19 =	simm.s32 $0x0  }
.LBB2_83:
0x13: {  	s20 =	sadd.s32 s8, s20  }
0x14: {  	s20 =	sshrl.u32 s20, $0x3  }
0x15: {  	s21 =	sadd.s32 s4, s20  }
0x16: {  	[hbm4b:s21+s2] =	stream.linear.scatter [tilespmem:s16], [sflag:$0x1], $0x80, $0x38;
	[tilespmem:$0x9080] =	vst v63  }
0x17: {  	s19 =	sadd.s32 $0x1, s19;
	_ =	swait.ge [sflag:s12], $0x80  }
0x18: {  	p0 =	sne.s32 s19, $0x4;
	[sflag:s12] =	ssyncset.done $0x0  }
.Ltmp3:
0x19: {  	s20 =	sadd.s32 s5, s20;
	[sflag:s12] =	ssyncadd.s32 $0xFFFFFF80;
	(pc) =	sbr.rel @!p0 .LBB2_84-.Ltmp3, $4  }
0x1a: {  	[hbm4b:s20+s2] =	stream.linear.scatter [tilespmem:s17], [sflag:$0x1], $0x80, $0x38;
	[tilespmem:$0x9080] =	vst v63  }
0x1b: {  	_ =	swait.ge [sflag:s12], $0x80  }
0x1c: {  	[sflag:s12] =	ssyncset.done $0x0  }
0x1d: {  	[sflag:s12] =	ssyncadd.s32 $0xFFFFFF80  }
.LBB2_2:
0x1e: {  	s20 =	sshll.u32 s19, $0x7  }
0x1f: {  	s20 =	sadd.s32 s6, s20  }
0x20: {  	s21 =	sadd.s32 s7, s20  }
0x21: {  	s21 =	sshrl.u32 s21, $0x3  }
0x22: {  	s22 =	sadd.s32 s1, s21;
	s21 =	simm.s32 $0x0  }
0x23: {  	[tilespmem:s21], [sflag:$0x1] =	stream.strided.gather [hbm4b:s22+s10], $0x8000, s11, s10, $0x38;
	[tilespmem:$0x9080] =	vst v63  }
0x24: {  	_ =	swait.ge [sflag:s12], $0x8000  }
0x25: {  	[sflag:s12] =	ssyncset.done $0x0  }
0x26: {  	[sflag:s12] =	ssyncadd.s32 $0xFFFF8000  }
0x27: {  	s22 =	simm.s32 $0x0;
	[smem:$0x80] =	sst s21  }
.LBB2_3:
0x28: {  	p0 =	sne.s32 s22, $0xC40  }
.Ltmp4:
0x29: {  	_ = 	snop;
	(pc) =	sbr.rel @p0 .LBB2_3-.Ltmp4, $4  }
0x2a: {  	_ = 	snop  }
0x2b: {  	s23 =	sshra.s32 s22, $0x2  }
0x2c: {  	[tilespmem:s23+$0x8880] =	vst v0  }
0x2d: {  	s22 =	sadd.s32 $0x40, s22;
	[tilespmem:s23+$0x8C00] =	vst v1  }
0x2e: {  	s22 =	simm.s32 $0x80  }
0x2f: {  	v4 =	vld [tilespmem:s22+$0xFFFFFF90]  }
0x30: {  	v5 =	vld [tilespmem:s22+$0xFFFFFF80]  }
0x31: {  	v6 =	vld [tilespmem:s22+$0xFFFFFFA0]  }
0x32: {  	v8 =	vld [tilespmem:s22+$0xFFFFFFB0]  }
0x33: {  	v7 =	vld [tilespmem:s22+$0xFFFFFFC0]  }
0x34: {  	v9 =	vld [tilespmem:s22+$0xFFFFFFD0]  }
0x35: {  	v10 =	vld [tilespmem:s22+$0xFFFFFFE0]  }
0x36: {  	v11 =	vld [tilespmem:s22+$0xFFFFFFF0]  }
0x37: {  	v12 =	vld [tilespmem:s22+$0x0]  }
0x38: {  	v13 =	vld [tilespmem:s22+$0x10]  }
0x39: {  	v14 =	vld [tilespmem:s22+$0x20]  }
0x3a: {  	v15 =	vld [tilespmem:s22+$0x30]  }
0x3b: {  	v16 =	vld [tilespmem:s22+$0x40]  }
0x3c: {  	v17 =	vld [tilespmem:s22+$0x50]  }
0x3d: {  	v18 =	vld [tilespmem:s22+$0x60]  }
0x3e: {  	s23 =	simm.s32 $0x40;
	v19 =	vld [tilespmem:s22+$0x70]  }
.LBB2_5:
0x3f: {  	p0 =	sne.s32 s23, $0x1FC0  }
0x40: {  	v4 =	vmax.f32 v5, v4;
	v5 =	vmax.f32 v6, v8  }
0x41: {  	v4 =	vmax.f32 v4, v5  }
0x42: {  	v6 =	vmax.f32 v10, v11;
	v5 =	vmax.f32 v7, v9;
	v7 =	vmax.f32 v12, v13  }
0x43: {  	v8 =	vmax.f32 v14, v15;
	v9 =	vmax.f32 v16, v17;
	v10 =	vmax.f32 v18, v19  }
0x44: {  	v5 =	vmax.f32 v5, v6;
	v6 =	vmax.f32 v7, v8;
	v7 =	vmax.f32 v9, v10  }
0x45: {  	v4 =	vmax.f32 v4, v5;
	v5 =	vmax.f32 v6, v7  }
0x46: {  	s24 =	sshra.s32 s21, $0x2;
	s21 =	smov.u32 s23;
	v4 =	vmax.f32 v4, v5  }
0x47: {  	s22 =	sadd.s32 $0x100, s22;
	[tilespmem:s24+$0x8000] =	vst v4  }
0x48: {  	v4 =	vld [tilespmem:s22+$0xFFFFFF90]  }
0x49: {  	v5 =	vld [tilespmem:s22+$0xFFFFFF80]  }
0x4a: {  	v6 =	vld [tilespmem:s22+$0xFFFFFFA0]  }
0x4b: {  	v8 =	vld [tilespmem:s22+$0xFFFFFFB0]  }
0x4c: {  	v7 =	vld [tilespmem:s22+$0xFFFFFFC0]  }
0x4d: {  	v9 =	vld [tilespmem:s22+$0xFFFFFFD0]  }
0x4e: {  	v10 =	vld [tilespmem:s22+$0xFFFFFFE0]  }
0x4f: {  	v11 =	vld [tilespmem:s22+$0xFFFFFFF0]  }
0x50: {  	v12 =	vld [tilespmem:s22+$0x0]  }
0x51: {  	v13 =	vld [tilespmem:s22+$0x10]  }
0x52: {  	v14 =	vld [tilespmem:s22+$0x20]  }
.Ltmp5:
0x53: {  	v15 =	vld [tilespmem:s22+$0x30];
	(pc) =	sbr.rel @p0 .LBB2_5-.Ltmp5, $4  }
0x54: {  	v16 =	vld [tilespmem:s22+$0x40]  }
0x55: {  	v17 =	vld [tilespmem:s22+$0x50]  }
0x56: {  	v18 =	vld [tilespmem:s22+$0x60]  }
0x57: {  	s23 =	sadd.s32 $0x40, s23;
	v19 =	vld [tilespmem:s22+$0x70]  }
0x58: {  	_ =	sdelay $0x1  }
0x59: {  	v4 =	vmax.f32 v5, v4;
	v5 =	vmax.f32 v6, v8;
	v6 =	vmax.f32 v10, v11  }
0x5a: {  	v8 =	vmax.f32 v14, v15;
	v4 =	vmax.f32 v4, v5;
	v5 =	vmax.f32 v7, v9  }
0x5b: {  	v7 =	vmax.f32 v12, v13;
	v9 =	vmax.f32 v16, v17;
	v10 =	vmax.f32 v18, v19  }
0x5c: {  	v5 =	vmax.f32 v5, v6;
	v6 =	vmax.f32 v7, v8;
	v7 =	vmax.f32 v9, v10  }
0x5d: {  	v4 =	vmax.f32 v4, v5;
	v5 =	vmax.f32 v6, v7  }
0x5e: {  	s21 =	sshra.s32 s21, $0x2;
	v4 =	vmax.f32 v4, v5  }
0x5f: {  	[tilespmem:s21+$0x8000] =	vst v4;
	s21 =	simm.s32 $0x8080  }
0x60: {  	v4 =	vld [tilespmem:s21+$0xFFFFFF90]  }
0x61: {  	v5 =	vld [tilespmem:s21+$0xFFFFFF80]  }
0x62: {  	v6 =	vld [tilespmem:s21+$0xFFFFFFA0]  }
0x63: {  	v8 =	vld [tilespmem:s21+$0xFFFFFFB0]  }
0x64: {  	v7 =	vld [tilespmem:s21+$0xFFFFFFC0]  }
0x65: {  	v9 =	vld [tilespmem:s21+$0xFFFFFFD0]  }
0x66: {  	v10 =	vld [tilespmem:s21+$0xFFFFFFE0]  }
0x67: {  	v11 =	vld [tilespmem:s21+$0xFFFFFFF0]  }
0x68: {  	v12 =	vld [tilespmem:s21+$0x0]  }
0x69: {  	v13 =	vld [tilespmem:s21+$0x10]  }
0x6a: {  	v14 =	vld [tilespmem:s21+$0x20]  }
0x6b: {  	v15 =	vld [tilespmem:s21+$0x30]  }
0x6c: {  	v16 =	vld [tilespmem:s21+$0x40]  }
0x6d: {  	v17 =	vld [tilespmem:s21+$0x50]  }
0x6e: {  	v18 =	vld [tilespmem:s21+$0x60]  }
0x6f: {  	s22 =	simm.s32 $0x0;
	s23 =	simm.s32 $0x40;
	v19 =	vld [tilespmem:s21+$0x70]  }
.LBB2_7:
0x70: {  	p0 =	sne.s32 s23, $0x1C0  }
0x71: {  	v4 =	vmax.f32 v5, v4;
	v5 =	vmax.f32 v6, v8  }
0x72: {  	v4 =	vmax.f32 v4, v5  }
0x73: {  	v6 =	vmax.f32 v10, v11;
	v5 =	vmax.f32 v7, v9;
	v7 =	vmax.f32 v12, v13  }
0x74: {  	v8 =	vmax.f32 v14, v15;
	v9 =	vmax.f32 v16, v17;
	v10 =	vmax.f32 v18, v19  }
0x75: {  	v5 =	vmax.f32 v5, v6;
	v6 =	vmax.f32 v7, v8;
	v7 =	vmax.f32 v9, v10  }
0x76: {  	v4 =	vmax.f32 v4, v5;
	v5 =	vmax.f32 v6, v7  }
0x77: {  	s24 =	sshra.s32 s22, $0x2;
	s22 =	smov.u32 s23;
	v4 =	vmax.f32 v4, v5  }
0x78: {  	s21 =	sadd.s32 $0x100, s21;
	[tilespmem:s24+$0x8800] =	vst v4  }
0x79: {  	v4 =	vld [tilespmem:s21+$0xFFFFFF90]  }
0x7a: {  	v5 =	vld [tilespmem:s21+$0xFFFFFF80]  }
0x7b: {  	v6 =	vld [tilespmem:s21+$0xFFFFFFA0]  }
0x7c: {  	v8 =	vld [tilespmem:s21+$0xFFFFFFB0]  }
0x7d: {  	v7 =	vld [tilespmem:s21+$0xFFFFFFC0]  }
0x7e: {  	v9 =	vld [tilespmem:s21+$0xFFFFFFD0]  }
0x7f: {  	v10 =	vld [tilespmem:s21+$0xFFFFFFE0]  }
0x80: {  	v11 =	vld [tilespmem:s21+$0xFFFFFFF0]  }
0x81: {  	v12 =	vld [tilespmem:s21+$0x0]  }
0x82: {  	v13 =	vld [tilespmem:s21+$0x10]  }
0x83: {  	v14 =	vld [tilespmem:s21+$0x20]  }
.Ltmp6:
0x84: {  	v15 =	vld [tilespmem:s21+$0x30];
	(pc) =	sbr.rel @p0 .LBB2_7-.Ltmp6, $4  }
0x85: {  	v16 =	vld [tilespmem:s21+$0x40]  }
0x86: {  	v17 =	vld [tilespmem:s21+$0x50]  }
0x87: {  	v18 =	vld [tilespmem:s21+$0x60]  }
0x88: {  	s23 =	sadd.s32 $0x40, s23;
	v19 =	vld [tilespmem:s21+$0x70]  }
0x89: {  	_ =	sdelay $0x1  }
0x8a: {  	v4 =	vmax.f32 v5, v4;
	v5 =	vmax.f32 v6, v8;
	v50 =	vmax.f32 v10, v11  }
0x8b: {  	v51 =	vmax.f32 v12, v13;
	v52 =	vmax.f32 v14, v15;
	v4 =	vmax.f32 v4, v5  }
0x8c: {  	v5 =	vmax.f32 v7, v9;
	v53 =	vmax.f32 v16, v17;
	v54 =	vmax.f32 v18, v19  }
0x8d: {  	v55 =	vmax.f32 v51, v52;
	v5 =	vmax.f32 v5, v50;
	v56 =	vmax.f32 v53, v54  }
0x8e: {  	v4 =	vmax.f32 v4, v5;
	v5 =	vmax.f32 v55, v56  }
0x8f: {  	s21 =	sshra.s32 s22, $0x2;
	v4 =	vmax.f32 v4, v5  }
0x90: {  	[tilespmem:s21+$0x8800] =	vst v4  }
0x91: {  	v4 =	vld [tilespmem:$0x8800]  }
0x92: {  	v5 =	vld [tilespmem:$0x8810]  }
0x93: {  	v57 =	vld [tilespmem:$0x8820]  }
0x94: {  	v58 =	vld [tilespmem:$0x8830]  }
0x95: {  	v59 =	vld [tilespmem:$0x8840]  }
0x96: {  	(xrf1) =	vsort.ascd.msk.f32 $0xffff, v4, v4;
	v4 =	vld [tilespmem:$0x8850]  }
0x97: {  	(xrf1) =	vsort.ascd.msk.f32 $0xffff, v5, v5;
	v5 =	vld [tilespmem:$0x8860]  }
0x98: {  	v60 =	vld [tilespmem:$0x8870];
	(xrf1) =	vsort.ascd.msk.f32 $0xffff, v57, v57  }
0x99: {  	(xrf1) =	vsort.ascd.msk.f32 $0xffff, v58, v58  }
0x9a: {  	(xrf1) =	vsort.ascd.msk.f32 $0xffff, v59, v59  }
0x9b: {  	(xrf1) =	vsort.ascd.msk.f32 $0xffff, v4, v4  }
0x9c: {  	(xrf1) =	vsort.ascd.msk.f32 $0xffff, v5, v5  }
0x9d: {  	(xrf1) =	vsort.ascd.msk.f32 $0xffff, v60, v60;
	_ =	sdelay $0x6  }
0x9e: {  	v4, _, _ =	vpop (xrf1)  }
0x9f: {  	v5, _, _ =	vpop (xrf1)  }
0xa0: {  	v61, _, _ =	vpop (xrf1);
	v4 =	vmin.f32 v4, v5  }
0xa1: {  	v5, _, _ =	vpop (xrf1);
	v4 =	vmin.f32 v4, v61  }
0xa2: {  	v62, _, _ =	vpop (xrf1);
	v4 =	vmin.f32 v4, v5  }
0xa3: {  	v5, _, _ =	vpop (xrf1);
	v4 =	vmin.f32 v4, v62  }
0xa4: {  	v63, _, _ =	vpop (xrf1);
	v4 =	vmin.f32 v4, v5  }
0xa5: {  	v4 =	vmin.f32 v4, v63;
	v5, _, _ =	vpop (xrf1)  }
0xa6: {  	v4 =	vmin.f32 v4, v5  }
0xa7: {  	(v2sf) =	vpush v4, $0x8;
	_ =	sdelay $0xb  }
.Ltmp7:
0xa8: {  	_ = 	snop;
	(pc) =	sbr.rel .LBB2_9-.Ltmp7, $3  }
0xa9: {  	_ =	sdelay $0x1  }
0xaa: {  	s31 =	spop (v2sf)  }
0xab: {  	s21 =	simm.s32 $0x0;
	[smem:$0x0] =	sst s31  }
.LBB2_41:
0xac: {  	s21 =	sadd.s32 $0x1, s21  }
0xad: {  	p0 =	sne.s32 s21, $0x40  }
.Ltmp8:
0xae: {  	_ = 	snop;
	(pc) =	sbr.rel @!p0 .LBB2_42-.Ltmp8, $1  }
0xaf: {  	_ =	sdelay $0x3  }
.LBB2_9:
0xb0: {  	s22 =	sshll.u32 s21, $0x9  }
0xb1: {  	v4 =	vld [tilespmem:s22+$0x0];
	_ =	sdelay $0x1  }
0xb2: {  	s23 =	sld [smem:$0x0];
	_ =	sdelay $0x2  }
0xb3: {  	vm0 =	vge.f32 v4, s23  }
0xb4: {  	v5 =	vsel vm0, $0x1, v2  }
0xb5: {  	(xrf0) =	vadd.scan.msk.s32 $0xffff, v5;
	_ =	sdelay $0x3  }
0xb6: {  	s24 =	sld [smem:$0x80];
	_ =	sdelay $0x1  }
0xb7: {  	v5, _, _ =	vpop (xrf0)  }
0xb8: {  	v5 =	vadd.s32 s24, v5  }
0xb9: {  	v5 =	vadd.s32 $0xFFFFFFFF, v5  }
0xba: {  	vm1 =	vgt.s32 v5, $0x0  }
0xbb: {  	v5 =	vnsel vm1, $0x0, v5;
	_ =	sdelay $0x4  }
0xbc: {  	[tilespmem:v5+s13+$0x0] =	vst.idx.msk vm0, v4;
	v4 =	vor.u32 s22, v3  }
0xbd: {  	[tilespmem:v5+s14+$0x0] =	vst.idx.msk vm0, v4  }
0xbe: {  	v4 =	vld [tilespmem:s22+$0x10];
	_ =	sdelay $0x4  }
0xbf: {  	vm14 =	vge.f32 v4, s23  }
0xc0: {  	v5 =	vsel vm14, $0x1, v2  }
0xc1: {  	(xrf0) =	vadd.scan.msk.s32 $0xffff, v5;
	_ =	sdelay $0x3  }
0xc2: {  	v5 =	vmpcnt.ones.xlane vm0;
	_ =	sdelay $0x1  }
0xc3: {  	v5 =	vadd.s32 s24, v5;
	v6, _, _ =	vpop (xrf0)  }
0xc4: {  	v6 =	vadd.s32 v6, v5  }
0xc5: {  	v6 =	vadd.s32 $0xFFFFFFFF, v6  }
0xc6: {  	vm15 =	vgt.s32 v6, $0x0  }
0xc7: {  	v6 =	vnsel vm15, $0x0, v6;
	_ =	sdelay $0x3  }
0xc8: {  	s31 =	sor.u32 $0x10, s22  }
0xc9: {  	[tilespmem:v6+s13+$0x0] =	vst.idx.msk vm14, v4;
	v4 =	vor.u32 s31, v3  }
0xca: {  	[tilespmem:v6+s14+$0x0] =	vst.idx.msk vm14, v4  }
0xcb: {  	v4 =	vld [tilespmem:s22+$0x20];
	_ =	sdelay $0x4  }
0xcc: {  	vm4 =	vge.f32 v4, s23  }
0xcd: {  	v30 =	vsel vm4, $0x1, v2  }
0xce: {  	(xrf0) =	vadd.scan.msk.s32 $0xffff, v30;
	_ =	sdelay $0x3  }
0xcf: {  	v31 =	vmpcnt.ones.xlane vm14;
	_ =	sdelay $0x1  }
0xd0: {  	v5 =	vadd.s32 v5, v31;
	v32, _, _ =	vpop (xrf0)  }
0xd1: {  	v6 =	vadd.s32 v32, v5  }
0xd2: {  	v6 =	vadd.s32 $0xFFFFFFFF, v6  }
0xd3: {  	vm5 =	vgt.s32 v6, $0x0  }
0xd4: {  	v6 =	vnsel vm5, $0x0, v6;
	_ =	sdelay $0x3  }
0xd5: {  	s25 =	sor.u32 $0x20, s22  }
0xd6: {  	[tilespmem:v6+s13+$0x0] =	vst.idx.msk vm4, v4;
	v4 =	vor.u32 s25, v3  }
0xd7: {  	[tilespmem:v6+s14+$0x0] =	vst.idx.msk vm4, v4  }
0xd8: {  	v4 =	vld [tilespmem:s22+$0x30];
	_ =	sdelay $0x4  }
0xd9: {  	vm6 =	vge.f32 v4, s23  }
0xda: {  	v33 =	vsel vm6, $0x1, v2  }
0xdb: {  	(xrf0) =	vadd.scan.msk.s32 $0xffff, v33;
	_ =	sdelay $0x3  }
0xdc: {  	v34 =	vmpcnt.ones.xlane vm4;
	_ =	sdelay $0x1  }
0xdd: {  	v5 =	vadd.s32 v5, v34;
	v35, _, _ =	vpop (xrf0)  }
0xde: {  	v6 =	vadd.s32 v35, v5  }
0xdf: {  	v6 =	vadd.s32 $0xFFFFFFFF, v6  }
0xe0: {  	vm7 =	vgt.s32 v6, $0x0  }
0xe1: {  	v6 =	vnsel vm7, $0x0, v6;
	_ =	sdelay $0x3  }
0xe2: {  	s26 =	sor.u32 $0x30, s22  }
0xe3: {  	[tilespmem:v6+s13+$0x0] =	vst.idx.msk vm6, v4;
	v4 =	vor.u32 s26, v3  }
0xe4: {  	[tilespmem:v6+s14+$0x0] =	vst.idx.msk vm6, v4  }
0xe5: {  	v4 =	vld [tilespmem:s22+$0x40];
	_ =	sdelay $0x4  }
0xe6: {  	vm8 =	vge.f32 v4, s23  }
0xe7: {  	v36 =	vsel vm8, $0x1, v2  }
0xe8: {  	(xrf0) =	vadd.scan.msk.s32 $0xffff, v36;
	_ =	sdelay $0x3  }
0xe9: {  	v37 =	vmpcnt.ones.xlane vm6;
	_ =	sdelay $0x1  }
0xea: {  	v5 =	vadd.s32 v5, v37;
	v38, _, _ =	vpop (xrf0)  }
0xeb: {  	v6 =	vadd.s32 v38, v5  }
0xec: {  	v6 =	vadd.s32 $0xFFFFFFFF, v6  }
0xed: {  	vm9 =	vgt.s32 v6, $0x0  }
0xee: {  	v6 =	vnsel vm9, $0x0, v6;
	_ =	sdelay $0x3  }
0xef: {  	s28 =	sor.u32 $0x40, s22  }
0xf0: {  	[tilespmem:v6+s13+$0x0] =	vst.idx.msk vm8, v4;
	v4 =	vor.u32 s28, v3  }
0xf1: {  	[tilespmem:v6+s14+$0x0] =	vst.idx.msk vm8, v4  }
0xf2: {  	v4 =	vld [tilespmem:s22+$0x50];
	_ =	sdelay $0x4  }
0xf3: {  	vm10 =	vge.f32 v4, s23  }
0xf4: {  	v39 =	vsel vm10, $0x1, v2  }
0xf5: {  	(xrf0) =	vadd.scan.msk.s32 $0xffff, v39;
	_ =	sdelay $0x3  }
0xf6: {  	v40 =	vmpcnt.ones.xlane vm8;
	_ =	sdelay $0x1  }
0xf7: {  	v5 =	vadd.s32 v5, v40;
	v41, _, _ =	vpop (xrf0)  }
0xf8: {  	v6 =	vadd.s32 v41, v5  }
0xf9: {  	v6 =	vadd.s32 $0xFFFFFFFF, v6  }
0xfa: {  	vm11 =	vgt.s32 v6, $0x0  }
0xfb: {  	v6 =	vnsel vm11, $0x0, v6;
	_ =	sdelay $0x3  }
0xfc: {  	s29 =	sor.u32 $0x50, s22  }
0xfd: {  	[tilespmem:v6+s13+$0x0] =	vst.idx.msk vm10, v4;
	v4 =	vor.u32 s29, v3  }
0xfe: {  	[tilespmem:v6+s14+$0x0] =	vst.idx.msk vm10, v4  }
0xff: {  	v4 =	vld [tilespmem:s22+$0x60];
	_ =	sdelay $0x4  }
0x100: {  	vm12 =	vge.f32 v4, s23  }
0x101: {  	v42 =	vsel vm12, $0x1, v2  }
0x102: {  	(xrf0) =	vadd.scan.msk.s32 $0xffff, v42;
	_ =	sdelay $0x3  }
0x103: {  	v43 =	vmpcnt.ones.xlane vm10;
	_ =	sdelay $0x1  }
0x104: {  	v5 =	vadd.s32 v5, v43;
	v44, _, _ =	vpop (xrf0)  }
0x105: {  	v6 =	vadd.s32 v44, v5  }
0x106: {  	v6 =	vadd.s32 $0xFFFFFFFF, v6  }
0x107: {  	vm13 =	vgt.s32 v6, $0x0  }
0x108: {  	v6 =	vnsel vm13, $0x0, v6;
	_ =	sdelay $0x3  }
0x109: {  	s30 =	sor.u32 $0x60, s22  }
0x10a: {  	[tilespmem:v6+s13+$0x0] =	vst.idx.msk vm12, v4;
	v4 =	vor.u32 s30, v3  }
0x10b: {  	[tilespmem:v6+s14+$0x0] =	vst.idx.msk vm12, v4  }
0x10c: {  	v4 =	vld [tilespmem:s22+$0x70];
	_ =	sdelay $0x4  }
0x10d: {  	vm14 =	vge.f32 v4, s23  }
0x10e: {  	v45 =	vsel vm14, $0x1, v2  }
0x10f: {  	(xrf0) =	vadd.scan.msk.s32 $0xffff, v45;
	_ =	sdelay $0x3  }
0x110: {  	v46 =	vmpcnt.ones.xlane vm12;
	_ =	sdelay $0x1  }
0x111: {  	v5 =	vadd.s32 v5, v46;
	v47, _, _ =	vpop (xrf0)  }
0x112: {  	v6 =	vadd.s32 v47, v5  }
0x113: {  	v6 =	vadd.s32 $0xFFFFFFFF, v6  }
0x114: {  	vm15 =	vgt.s32 v6, $0x0  }
0x115: {  	v6 =	vnsel vm15, $0x0, v6;
	_ =	sdelay $0x3  }
0x116: {  	s31 =	sor.u32 $0x70, s22  }
0x117: {  	[tilespmem:v6+s13+$0x0] =	vst.idx.msk vm14, v4;
	v4 =	vor.u32 s31, v3  }
0x118: {  	[tilespmem:v6+s14+$0x0] =	vst.idx.msk vm14, v4  }
0x119: {  	v4 =	vld [tilespmem:s22+$0x80];
	_ =	sdelay $0x4  }
0x11a: {  	vm4 =	vge.f32 v4, s23  }
0x11b: {  	v48 =	vsel vm4, $0x1, v2  }
0x11c: {  	(xrf0) =	vadd.scan.msk.s32 $0xffff, v48;
	_ =	sdelay $0x3  }
0x11d: {  	v49 =	vmpcnt.ones.xlane vm14;
	_ =	sdelay $0x1  }
0x11e: {  	v5 =	vadd.s32 v5, v49;
	v50, _, _ =	vpop (xrf0)  }
0x11f: {  	v6 =	vadd.s32 v50, v5  }
0x120: {  	v6 =	vadd.s32 $0xFFFFFFFF, v6  }
0x121: {  	vm5 =	vgt.s32 v6, $0x0  }
0x122: {  	v6 =	vnsel vm5, $0x0, v6;
	_ =	sdelay $0x3  }
0x123: {  	s25 =	sor.u32 $0x80, s22  }
0x124: {  	[tilespmem:v6+s13+$0x0] =	vst.idx.msk vm4, v4;
	v4 =	vor.u32 s25, v3  }
0x125: {  	[tilespmem:v6+s14+$0x0] =	vst.idx.msk vm4, v4  }
0x126: {  	v4 =	vld [tilespmem:s22+$0x90];
	_ =	sdelay $0x4  }
0x127: {  	vm6 =	vge.f32 v4, s23  }
0x128: {  	v51 =	vsel vm6, $0x1, v2  }
0x129: {  	(xrf0) =	vadd.scan.msk.s32 $0xffff, v51;
	_ =	sdelay $0x3  }
0x12a: {  	v52 =	vmpcnt.ones.xlane vm4;
	_ =	sdelay $0x1  }
0x12b: {  	v5 =	vadd.s32 v5, v52;
	v53, _, _ =	vpop (xrf0)  }
0x12c: {  	v6 =	vadd.s32 v53, v5  }
0x12d: {  	v6 =	vadd.s32 $0xFFFFFFFF, v6  }
0x12e: {  	vm7 =	vgt.s32 v6, $0x0  }
0x12f: {  	v6 =	vnsel vm7, $0x0, v6;
	_ =	sdelay $0x3  }
0x130: {  	s26 =	sor.u32 $0x90, s22  }
0x131: {  	[tilespmem:v6+s13+$0x0] =	vst.idx.msk vm6, v4;
	v4 =	vor.u32 s26, v3  }
0x132: {  	[tilespmem:v6+s14+$0x0] =	vst.idx.msk vm6, v4  }
0x133: {  	v4 =	vld [tilespmem:s22+$0xA0];
	_ =	sdelay $0x4  }
0x134: {  	vm8 =	vge.f32 v4, s23  }
0x135: {  	v54 =	vsel vm8, $0x1, v2  }
0x136: {  	(xrf0) =	vadd.scan.msk.s32 $0xffff, v54;
	_ =	sdelay $0x3  }
0x137: {  	v55 =	vmpcnt.ones.xlane vm6;
	_ =	sdelay $0x1  }
0x138: {  	v5 =	vadd.s32 v5, v55;
	v56, _, _ =	vpop (xrf0)  }
0x139: {  	v6 =	vadd.s32 v56, v5  }
0x13a: {  	v6 =	vadd.s32 $0xFFFFFFFF, v6  }
0x13b: {  	vm9 =	vgt.s32 v6, $0x0  }
0x13c: {  	v6 =	vnsel vm9, $0x0, v6;
	_ =	sdelay $0x3  }
0x13d: {  	s28 =	sor.u32 $0xA0, s22  }
0x13e: {  	[tilespmem:v6+s13+$0x0] =	vst.idx.msk vm8, v4;
	v4 =	vor.u32 s28, v3  }
0x13f: {  	[tilespmem:v6+s14+$0x0] =	vst.idx.msk vm8, v4  }
0x140: {  	v4 =	vld [tilespmem:s22+$0xB0];
	_ =	sdelay $0x4  }
0x141: {  	vm10 =	vge.f32 v4, s23  }
0x142: {  	v57 =	vsel vm10, $0x1, v2  }
0x143: {  	(xrf0) =	vadd.scan.msk.s32 $0xffff, v57;
	_ =	sdelay $0x3  }
0x144: {  	v58 =	vmpcnt.ones.xlane vm8;
	_ =	sdelay $0x1  }
0x145: {  	v5 =	vadd.s32 v5, v58;
	v59, _, _ =	vpop (xrf0)  }
0x146: {  	v6 =	vadd.s32 v59, v5  }
0x147: {  	v6 =	vadd.s32 $0xFFFFFFFF, v6  }
0x148: {  	vm11 =	vgt.s32 v6, $0x0  }
0x149: {  	v6 =	vnsel vm11, $0x0, v6;
	_ =	sdelay $0x3  }
0x14a: {  	s29 =	sor.u32 $0xB0, s22  }
0x14b: {  	[tilespmem:v6+s13+$0x0] =	vst.idx.msk vm10, v4;
	v4 =	vor.u32 s29, v3  }
0x14c: {  	[tilespmem:v6+s14+$0x0] =	vst.idx.msk vm10, v4  }
0x14d: {  	v4 =	vld [tilespmem:s22+$0xC0];
	_ =	sdelay $0x4  }
0x14e: {  	vm12 =	vge.f32 v4, s23  }
0x14f: {  	v60 =	vsel vm12, $0x1, v2  }
0x150: {  	(xrf0) =	vadd.scan.msk.s32 $0xffff, v60;
	_ =	sdelay $0x3  }
0x151: {  	v61 =	vmpcnt.ones.xlane vm10;
	_ =	sdelay $0x1  }
0x152: {  	v5 =	vadd.s32 v5, v61;
	v62, _, _ =	vpop (xrf0)  }
0x153: {  	v6 =	vadd.s32 v62, v5  }
0x154: {  	v6 =	vadd.s32 $0xFFFFFFFF, v6  }
0x155: {  	vm13 =	vgt.s32 v6, $0x0  }
0x156: {  	v6 =	vnsel vm13, $0x0, v6;
	_ =	sdelay $0x3  }
0x157: {  	s30 =	sor.u32 $0xC0, s22  }
0x158: {  	[tilespmem:v6+s13+$0x0] =	vst.idx.msk vm12, v4;
	v4 =	vor.u32 s30, v3  }
0x159: {  	[tilespmem:v6+s14+$0x0] =	vst.idx.msk vm12, v4  }
0x15a: {  	v4 =	vld [tilespmem:s22+$0xD0];
	_ =	sdelay $0x4  }
0x15b: {  	vm14 =	vge.f32 v4, s23  }
0x15c: {  	v63 =	vsel vm14, $0x1, v2  }
0x15d: {  	(xrf0) =	vadd.scan.msk.s32 $0xffff, v63;
	_ =	sdelay $0x3  }
0x15e: {  	v9 =	vmpcnt.ones.xlane vm12;
	_ =	sdelay $0x1  }
0x15f: {  	v5 =	vadd.s32 v5, v9;
	v10, _, _ =	vpop (xrf0)  }
0x160: {  	v6 =	vadd.s32 v10, v5  }
0x161: {  	v6 =	vadd.s32 $0xFFFFFFFF, v6  }
0x162: {  	vm15 =	vgt.s32 v6, $0x0  }
0x163: {  	v6 =	vnsel vm15, $0x0, v6;
	_ =	sdelay $0x3  }
0x164: {  	s31 =	sor.u32 $0xD0, s22  }
0x165: {  	[tilespmem:v6+s13+$0x0] =	vst.idx.msk vm14, v4;
	v4 =	vor.u32 s31, v3  }
0x166: {  	[tilespmem:v6+s14+$0x0] =	vst.idx.msk vm14, v4  }
0x167: {  	v4 =	vld [tilespmem:s22+$0xE0];
	_ =	sdelay $0x4  }
0x168: {  	vm4 =	vge.f32 v4, s23  }
0x169: {  	v11 =	vsel vm4, $0x1, v2  }
0x16a: {  	(xrf0) =	vadd.scan.msk.s32 $0xffff, v11;
	_ =	sdelay $0x3  }
0x16b: {  	v12 =	vmpcnt.ones.xlane vm14;
	_ =	sdelay $0x1  }
0x16c: {  	v5 =	vadd.s32 v5, v12;
	v13, _, _ =	vpop (xrf0)  }
0x16d: {  	v6 =	vadd.s32 v13, v5  }
0x16e: {  	v6 =	vadd.s32 $0xFFFFFFFF, v6  }
0x16f: {  	vm5 =	vgt.s32 v6, $0x0  }
0x170: {  	v6 =	vnsel vm5, $0x0, v6;
	_ =	sdelay $0x3  }
0x171: {  	s25 =	sor.u32 $0xE0, s22  }
0x172: {  	[tilespmem:v6+s13+$0x0] =	vst.idx.msk vm4, v4;
	v4 =	vor.u32 s25, v3  }
0x173: {  	[tilespmem:v6+s14+$0x0] =	vst.idx.msk vm4, v4  }
0x174: {  	v4 =	vld [tilespmem:s22+$0xF0];
	_ =	sdelay $0x4  }
0x175: {  	vm6 =	vge.f32 v4, s23  }
0x176: {  	v14 =	vsel vm6, $0x1, v2  }
0x177: {  	(xrf0) =	vadd.scan.msk.s32 $0xffff, v14;
	_ =	sdelay $0x3  }
0x178: {  	v15 =	vmpcnt.ones.xlane vm4;
	_ =	sdelay $0x1  }
0x179: {  	v5 =	vadd.s32 v5, v15;
	v16, _, _ =	vpop (xrf0)  }
0x17a: {  	v6 =	vadd.s32 v16, v5  }
0x17b: {  	v6 =	vadd.s32 $0xFFFFFFFF, v6  }
0x17c: {  	vm7 =	vgt.s32 v6, $0x0  }
0x17d: {  	v6 =	vnsel vm7, $0x0, v6;
	_ =	sdelay $0x3  }
0x17e: {  	s26 =	sor.u32 $0xF0, s22  }
0x17f: {  	[tilespmem:v6+s13+$0x0] =	vst.idx.msk vm6, v4;
	v4 =	vor.u32 s26, v3  }
0x180: {  	[tilespmem:v6+s14+$0x0] =	vst.idx.msk vm6, v4  }
0x181: {  	v4 =	vld [tilespmem:s22+$0x100];
	_ =	sdelay $0x4  }
0x182: {  	vm8 =	vge.f32 v4, s23  }
0x183: {  	v17 =	vsel vm8, $0x1, v2  }
0x184: {  	(xrf0) =	vadd.scan.msk.s32 $0xffff, v17;
	_ =	sdelay $0x3  }
0x185: {  	v18 =	vmpcnt.ones.xlane vm6;
	_ =	sdelay $0x1  }
0x186: {  	v5 =	vadd.s32 v5, v18;
	v19, _, _ =	vpop (xrf0)  }
0x187: {  	v6 =	vadd.s32 v19, v5  }
0x188: {  	v6 =	vadd.s32 $0xFFFFFFFF, v6  }
0x189: {  	vm9 =	vgt.s32 v6, $0x0  }
0x18a: {  	v6 =	vnsel vm9, $0x0, v6;
	_ =	sdelay $0x3  }
0x18b: {  	s28 =	sor.u32 $0x100, s22  }
0x18c: {  	[tilespmem:v6+s13+$0x0] =	vst.idx.msk vm8, v4;
	v4 =	vor.u32 s28, v3  }
0x18d: {  	[tilespmem:v6+s14+$0x0] =	vst.idx.msk vm8, v4  }
0x18e: {  	v4 =	vld [tilespmem:s22+$0x110];
	_ =	sdelay $0x4  }
0x18f: {  	vm10 =	vge.f32 v4, s23  }
0x190: {  	v20 =	vsel vm10, $0x1, v2  }
0x191: {  	(xrf0) =	vadd.scan.msk.s32 $0xffff, v20;
	_ =	sdelay $0x3  }
0x192: {  	v21 =	vmpcnt.ones.xlane vm8;
	_ =	sdelay $0x1  }
0x193: {  	v5 =	vadd.s32 v5, v21;
	v22, _, _ =	vpop (xrf0)  }
0x194: {  	v6 =	vadd.s32 v22, v5  }
0x195: {  	v6 =	vadd.s32 $0xFFFFFFFF, v6  }
0x196: {  	vm11 =	vgt.s32 v6, $0x0  }
0x197: {  	v6 =	vnsel vm11, $0x0, v6;
	_ =	sdelay $0x3  }
0x198: {  	s29 =	sor.u32 $0x110, s22  }
0x199: {  	[tilespmem:v6+s13+$0x0] =	vst.idx.msk vm10, v4;
	v4 =	vor.u32 s29, v3  }
0x19a: {  	[tilespmem:v6+s14+$0x0] =	vst.idx.msk vm10, v4  }
0x19b: {  	v4 =	vld [tilespmem:s22+$0x120];
	_ =	sdelay $0x4  }
0x19c: {  	vm12 =	vge.f32 v4, s23  }
0x19d: {  	v23 =	vsel vm12, $0x1, v2  }
0x19e: {  	(xrf0) =	vadd.scan.msk.s32 $0xffff, v23;
	_ =	sdelay $0x3  }
0x19f: {  	v24 =	vmpcnt.ones.xlane vm10;
	_ =	sdelay $0x1  }
0x1a0: {  	v5 =	vadd.s32 v5, v24;
	v25, _, _ =	vpop (xrf0)  }
0x1a1: {  	v6 =	vadd.s32 v25, v5  }
0x1a2: {  	v6 =	vadd.s32 $0xFFFFFFFF, v6  }
0x1a3: {  	vm13 =	vgt.s32 v6, $0x0  }
0x1a4: {  	v6 =	vnsel vm13, $0x0, v6;
	_ =	sdelay $0x3  }
0x1a5: {  	s30 =	sor.u32 $0x120, s22  }
0x1a6: {  	[tilespmem:v6+s13+$0x0] =	vst.idx.msk vm12, v4;
	v4 =	vor.u32 s30, v3  }
0x1a7: {  	[tilespmem:v6+s14+$0x0] =	vst.idx.msk vm12, v4  }
0x1a8: {  	v4 =	vld [tilespmem:s22+$0x130];
	_ =	sdelay $0x4  }
0x1a9: {  	vm14 =	vge.f32 v4, s23  }
0x1aa: {  	v26 =	vsel vm14, $0x1, v2  }
0x1ab: {  	(xrf0) =	vadd.scan.msk.s32 $0xffff, v26;
	_ =	sdelay $0x3  }
0x1ac: {  	v27 =	vmpcnt.ones.xlane vm12;
	_ =	sdelay $0x1  }
0x1ad: {  	v5 =	vadd.s32 v5, v27;
	v28, _, _ =	vpop (xrf0)  }
0x1ae: {  	v6 =	vadd.s32 v28, v5  }
0x1af: {  	v6 =	vadd.s32 $0xFFFFFFFF, v6  }
0x1b0: {  	vm15 =	vgt.s32 v6, $0x0  }
0x1b1: {  	v6 =	vnsel vm15, $0x0, v6;
	_ =	sdelay $0x3  }
0x1b2: {  	s31 =	sor.u32 $0x130, s22  }
0x1b3: {  	[tilespmem:v6+s13+$0x0] =	vst.idx.msk vm14, v4;
	v4 =	vor.u32 s31, v3  }
0x1b4: {  	[tilespmem:v6+s14+$0x0] =	vst.idx.msk vm14, v4  }
0x1b5: {  	v4 =	vld [tilespmem:s22+$0x140];
	_ =	sdelay $0x4  }
0x1b6: {  	vm4 =	vge.f32 v4, s23  }
0x1b7: {  	v29 =	vsel vm4, $0x1, v2  }
0x1b8: {  	(xrf0) =	vadd.scan.msk.s32 $0xffff, v29;
	_ =	sdelay $0x3  }
0x1b9: {  	v30 =	vmpcnt.ones.xlane vm14;
	_ =	sdelay $0x1  }
0x1ba: {  	v5 =	vadd.s32 v5, v30;
	v31, _, _ =	vpop (xrf0)  }
0x1bb: {  	v6 =	vadd.s32 v31, v5  }
0x1bc: {  	v6 =	vadd.s32 $0xFFFFFFFF, v6  }
0x1bd: {  	vm5 =	vgt.s32 v6, $0x0  }
0x1be: {  	v6 =	vnsel vm5, $0x0, v6;
	_ =	sdelay $0x3  }
0x1bf: {  	s25 =	sor.u32 $0x140, s22  }
0x1c0: {  	[tilespmem:v6+s13+$0x0] =	vst.idx.msk vm4, v4;
	v4 =	vor.u32 s25, v3  }
0x1c1: {  	[tilespmem:v6+s14+$0x0] =	vst.idx.msk vm4, v4  }
0x1c2: {  	v4 =	vld [tilespmem:s22+$0x150];
	_ =	sdelay $0x4  }
0x1c3: {  	vm6 =	vge.f32 v4, s23  }
0x1c4: {  	v32 =	vsel vm6, $0x1, v2  }
0x1c5: {  	(xrf0) =	vadd.scan.msk.s32 $0xffff, v32;
	_ =	sdelay $0x3  }
0x1c6: {  	v33 =	vmpcnt.ones.xlane vm4;
	_ =	sdelay $0x1  }
0x1c7: {  	v5 =	vadd.s32 v5, v33;
	v34, _, _ =	vpop (xrf0)  }
0x1c8: {  	v6 =	vadd.s32 v34, v5  }
0x1c9: {  	v6 =	vadd.s32 $0xFFFFFFFF, v6  }
0x1ca: {  	vm7 =	vgt.s32 v6, $0x0  }
0x1cb: {  	v6 =	vnsel vm7, $0x0, v6;
	_ =	sdelay $0x3  }
0x1cc: {  	s26 =	sor.u32 $0x150, s22  }
0x1cd: {  	[tilespmem:v6+s13+$0x0] =	vst.idx.msk vm6, v4;
	v4 =	vor.u32 s26, v3  }
0x1ce: {  	[tilespmem:v6+s14+$0x0] =	vst.idx.msk vm6, v4  }
0x1cf: {  	v4 =	vld [tilespmem:s22+$0x160];
	_ =	sdelay $0x4  }
0x1d0: {  	vm8 =	vge.f32 v4, s23  }
0x1d1: {  	v35 =	vsel vm8, $0x1, v2  }
0x1d2: {  	(xrf0) =	vadd.scan.msk.s32 $0xffff, v35;
	_ =	sdelay $0x3  }
0x1d3: {  	v36 =	vmpcnt.ones.xlane vm6;
	_ =	sdelay $0x1  }
0x1d4: {  	v5 =	vadd.s32 v5, v36;
	v37, _, _ =	vpop (xrf0)  }
0x1d5: {  	v6 =	vadd.s32 v37, v5  }
0x1d6: {  	v6 =	vadd.s32 $0xFFFFFFFF, v6  }
0x1d7: {  	vm9 =	vgt.s32 v6, $0x0  }
0x1d8: {  	v6 =	vnsel vm9, $0x0, v6;
	_ =	sdelay $0x3  }
0x1d9: {  	s28 =	sor.u32 $0x160, s22  }
0x1da: {  	[tilespmem:v6+s13+$0x0] =	vst.idx.msk vm8, v4;
	v4 =	vor.u32 s28, v3  }
0x1db: {  	[tilespmem:v6+s14+$0x0] =	vst.idx.msk vm8, v4  }
0x1dc: {  	v4 =	vld [tilespmem:s22+$0x170];
	_ =	sdelay $0x4  }
0x1dd: {  	vm10 =	vge.f32 v4, s23  }
0x1de: {  	v38 =	vsel vm10, $0x1, v2  }
0x1df: {  	(xrf0) =	vadd.scan.msk.s32 $0xffff, v38;
	_ =	sdelay $0x3  }
0x1e0: {  	v39 =	vmpcnt.ones.xlane vm8;
	_ =	sdelay $0x1  }
0x1e1: {  	v5 =	vadd.s32 v5, v39;
	v40, _, _ =	vpop (xrf0)  }
0x1e2: {  	v6 =	vadd.s32 v40, v5  }
0x1e3: {  	v6 =	vadd.s32 $0xFFFFFFFF, v6  }
0x1e4: {  	vm11 =	vgt.s32 v6, $0x0  }
0x1e5: {  	v6 =	vnsel vm11, $0x0, v6;
	_ =	sdelay $0x3  }
0x1e6: {  	s29 =	sor.u32 $0x170, s22  }
0x1e7: {  	[tilespmem:v6+s13+$0x0] =	vst.idx.msk vm10, v4;
	v4 =	vor.u32 s29, v3  }
0x1e8: {  	[tilespmem:v6+s14+$0x0] =	vst.idx.msk vm10, v4  }
0x1e9: {  	v4 =	vld [tilespmem:s22+$0x180];
	_ =	sdelay $0x4  }
0x1ea: {  	vm12 =	vge.f32 v4, s23  }
0x1eb: {  	v41 =	vsel vm12, $0x1, v2  }
0x1ec: {  	(xrf0) =	vadd.scan.msk.s32 $0xffff, v41;
	_ =	sdelay $0x3  }
0x1ed: {  	v42 =	vmpcnt.ones.xlane vm10;
	_ =	sdelay $0x1  }
0x1ee: {  	v5 =	vadd.s32 v5, v42;
	v43, _, _ =	vpop (xrf0)  }
0x1ef: {  	v6 =	vadd.s32 v43, v5  }
0x1f0: {  	v6 =	vadd.s32 $0xFFFFFFFF, v6  }
0x1f1: {  	vm13 =	vgt.s32 v6, $0x0  }
0x1f2: {  	v6 =	vnsel vm13, $0x0, v6;
	_ =	sdelay $0x3  }
0x1f3: {  	s30 =	sor.u32 $0x180, s22  }
0x1f4: {  	[tilespmem:v6+s13+$0x0] =	vst.idx.msk vm12, v4;
	v4 =	vor.u32 s30, v3  }
0x1f5: {  	[tilespmem:v6+s14+$0x0] =	vst.idx.msk vm12, v4  }
0x1f6: {  	v4 =	vld [tilespmem:s22+$0x190];
	_ =	sdelay $0x4  }
0x1f7: {  	vm14 =	vge.f32 v4, s23  }
0x1f8: {  	v44 =	vsel vm14, $0x1, v2  }
0x1f9: {  	(xrf0) =	vadd.scan.msk.s32 $0xffff, v44;
	_ =	sdelay $0x3  }
0x1fa: {  	v45 =	vmpcnt.ones.xlane vm12;
	_ =	sdelay $0x1  }
0x1fb: {  	v5 =	vadd.s32 v5, v45;
	v46, _, _ =	vpop (xrf0)  }
0x1fc: {  	v6 =	vadd.s32 v46, v5  }
0x1fd: {  	v6 =	vadd.s32 $0xFFFFFFFF, v6  }
0x1fe: {  	vm15 =	vgt.s32 v6, $0x0  }
0x1ff: {  	v6 =	vnsel vm15, $0x0, v6;
	_ =	sdelay $0x3  }
0x200: {  	s31 =	sor.u32 $0x190, s22  }
0x201: {  	[tilespmem:v6+s13+$0x0] =	vst.idx.msk vm14, v4;
	v4 =	vor.u32 s31, v3  }
0x202: {  	[tilespmem:v6+s14+$0x0] =	vst.idx.msk vm14, v4  }
0x203: {  	v4 =	vld [tilespmem:s22+$0x1A0];
	_ =	sdelay $0x4  }
0x204: {  	vm4 =	vge.f32 v4, s23  }
0x205: {  	v47 =	vsel vm4, $0x1, v2  }
0x206: {  	(xrf0) =	vadd.scan.msk.s32 $0xffff, v47;
	_ =	sdelay $0x3  }
0x207: {  	v48 =	vmpcnt.ones.xlane vm14;
	_ =	sdelay $0x1  }
0x208: {  	v5 =	vadd.s32 v5, v48;
	v49, _, _ =	vpop (xrf0)  }
0x209: {  	v6 =	vadd.s32 v49, v5  }
0x20a: {  	v6 =	vadd.s32 $0xFFFFFFFF, v6  }
0x20b: {  	vm5 =	vgt.s32 v6, $0x0  }
0x20c: {  	v6 =	vnsel vm5, $0x0, v6;
	_ =	sdelay $0x3  }
0x20d: {  	s25 =	sor.u32 $0x1A0, s22  }
0x20e: {  	[tilespmem:v6+s13+$0x0] =	vst.idx.msk vm4, v4;
	v4 =	vor.u32 s25, v3  }
0x20f: {  	[tilespmem:v6+s14+$0x0] =	vst.idx.msk vm4, v4  }
0x210: {  	v4 =	vld [tilespmem:s22+$0x1B0];
	_ =	sdelay $0x4  }
0x211: {  	vm6 =	vge.f32 v4, s23  }
0x212: {  	v50 =	vsel vm6, $0x1, v2  }
0x213: {  	(xrf0) =	vadd.scan.msk.s32 $0xffff, v50;
	_ =	sdelay $0x3  }
0x214: {  	v51 =	vmpcnt.ones.xlane vm4;
	_ =	sdelay $0x1  }
0x215: {  	v5 =	vadd.s32 v5, v51;
	v52, _, _ =	vpop (xrf0)  }
0x216: {  	v6 =	vadd.s32 v52, v5  }
0x217: {  	v6 =	vadd.s32 $0xFFFFFFFF, v6  }
0x218: {  	vm7 =	vgt.s32 v6, $0x0  }
0x219: {  	v6 =	vnsel vm7, $0x0, v6;
	_ =	sdelay $0x3  }
0x21a: {  	s26 =	sor.u32 $0x1B0, s22  }
0x21b: {  	[tilespmem:v6+s13+$0x0] =	vst.idx.msk vm6, v4;
	v4 =	vor.u32 s26, v3  }
0x21c: {  	[tilespmem:v6+s14+$0x0] =	vst.idx.msk vm6, v4  }
0x21d: {  	v4 =	vld [tilespmem:s22+$0x1C0];
	_ =	sdelay $0x4  }
0x21e: {  	vm8 =	vge.f32 v4, s23  }
0x21f: {  	v53 =	vsel vm8, $0x1, v2  }
0x220: {  	(xrf0) =	vadd.scan.msk.s32 $0xffff, v53;
	_ =	sdelay $0x3  }
0x221: {  	v54 =	vmpcnt.ones.xlane vm6;
	_ =	sdelay $0x1  }
0x222: {  	v5 =	vadd.s32 v5, v54;
	v55, _, _ =	vpop (xrf0)  }
0x223: {  	v6 =	vadd.s32 v55, v5  }
0x224: {  	v6 =	vadd.s32 $0xFFFFFFFF, v6  }
0x225: {  	vm9 =	vgt.s32 v6, $0x0  }
0x226: {  	v6 =	vnsel vm9, $0x0, v6;
	_ =	sdelay $0x3  }
0x227: {  	s28 =	sor.u32 $0x1C0, s22  }
0x228: {  	[tilespmem:v6+s13+$0x0] =	vst.idx.msk vm8, v4;
	v4 =	vor.u32 s28, v3  }
0x229: {  	[tilespmem:v6+s14+$0x0] =	vst.idx.msk vm8, v4  }
0x22a: {  	v4 =	vld [tilespmem:s22+$0x1D0];
	_ =	sdelay $0x4  }
0x22b: {  	vm10 =	vge.f32 v4, s23  }
0x22c: {  	v56 =	vsel vm10, $0x1, v2  }
0x22d: {  	(xrf0) =	vadd.scan.msk.s32 $0xffff, v56;
	_ =	sdelay $0x3  }
0x22e: {  	v57 =	vmpcnt.ones.xlane vm8;
	_ =	sdelay $0x1  }
0x22f: {  	v5 =	vadd.s32 v5, v57;
	v58, _, _ =	vpop (xrf0)  }
0x230: {  	v6 =	vadd.s32 v58, v5  }
0x231: {  	v6 =	vadd.s32 $0xFFFFFFFF, v6  }
0x232: {  	vm11 =	vgt.s32 v6, $0x0  }
0x233: {  	v6 =	vnsel vm11, $0x0, v6;
	_ =	sdelay $0x3  }
0x234: {  	s29 =	sor.u32 $0x1D0, s22  }
0x235: {  	[tilespmem:v6+s13+$0x0] =	vst.idx.msk vm10, v4;
	v4 =	vor.u32 s29, v3  }
0x236: {  	[tilespmem:v6+s14+$0x0] =	vst.idx.msk vm10, v4  }
0x237: {  	v4 =	vld [tilespmem:s22+$0x1E0];
	_ =	sdelay $0x4  }
0x238: {  	vm12 =	vge.f32 v4, s23  }
0x239: {  	v59 =	vsel vm12, $0x1, v2  }
0x23a: {  	(xrf0) =	vadd.scan.msk.s32 $0xffff, v59;
	_ =	sdelay $0x3  }
0x23b: {  	v60 =	vmpcnt.ones.xlane vm10;
	_ =	sdelay $0x1  }
0x23c: {  	v5 =	vadd.s32 v5, v60;
	v61, _, _ =	vpop (xrf0)  }
0x23d: {  	v6 =	vadd.s32 v61, v5  }
0x23e: {  	v6 =	vadd.s32 $0xFFFFFFFF, v6  }
0x23f: {  	vm13 =	vgt.s32 v6, $0x0  }
0x240: {  	v6 =	vnsel vm13, $0x0, v6;
	_ =	sdelay $0x3  }
0x241: {  	s30 =	sor.u32 $0x1E0, s22  }
0x242: {  	[tilespmem:v6+s13+$0x0] =	vst.idx.msk vm12, v4;
	v4 =	vor.u32 s30, v3  }
0x243: {  	[tilespmem:v6+s14+$0x0] =	vst.idx.msk vm12, v4  }
0x244: {  	v4 =	vld [tilespmem:s22+$0x1F0];
	_ =	sdelay $0x4  }
0x245: {  	v62 =	vmpcnt.ones.xlane vm12;
	vm14 =	vge.f32 v4, s23  }
0x246: {  	v7 =	vmpcnt.ones.xlane vm14  }
0x247: {  	v5 =	vadd.s32 v5, v62  }
0x248: {  	v6 =	vadd.s32 v5, v7  }
0x249: {  	(v2sf) =	vpush v6, $0x0;
	_ =	sdelay $0x3  }
0x24a: {  	v63 =	vsel vm14, $0x1, v2  }
0x24b: {  	(xrf0) =	vadd.scan.msk.s32 $0xffff, v63;
	_ =	sdelay $0x5  }
0x24c: {  	v6, _, _ =	vpop (xrf0)  }
0x24d: {  	v5 =	vadd.s32 v6, v5  }
0x24e: {  	v5 =	vadd.s32 $0xFFFFFFFF, v5  }
0x24f: {  	vm15 =	vgt.s32 v5, $0x0  }
0x250: {  	s31 =	sor.u32 $0x1F0, s22;
	v5 =	vnsel vm15, $0x0, v5;
	s22 =	spop (v2sf)  }
0x251: {  	p0 =	slt.s32 s22, $0x100  }
.Ltmp9:
0x252: {  	_ = 	snop;
	(pc) =	sbr.rel @p0 .LBB2_41-.Ltmp9, $3  }
0x253: {  	_ =	sdelay $0x1  }
0x254: {  	[tilespmem:v5+s13+$0x0] =	vst.idx.msk vm14, v4;
	v4 =	vor.u32 s31, v3  }
0x255: {  	[tilespmem:v5+s14+$0x0] =	vst.idx.msk vm14, v4;
	[smem:$0x80] =	sst s22  }
0x256: {  	s23 =	simm.s32 $0x8880  }
0x257: {  	v5 =	vld [tilespmem:s23+$0x0];
	_ =	sdelay $0x4  }
0x258: {  	(xrf1) =	vsort.ascd.msk.f32 $0xffff, v5, v5;
	_ =	sdelay $0x5  }
0x259: {  	s23 =	sshrl.u32 s22, $0x4  }
0x25a: {  	p2 =	sne.s32 s23, $0x1  }
.Ltmp10:
0x25b: {  	_ = 	snop;
	(pc) =	sbr.rel @!p2 .LBB2_11-.Ltmp10, $3  }
0x25c: {  	_ =	sdelay $0x1  }
0x25d: {  	s25 =	simm.s32 $0x8890  }
0x25e: {  	v4 =	vimm.f32 $+Inf;
	p0 =	por $0x0, $0x0;
	p1 =	por $0x0, $0x0;
	s24 =	sadd.s32 $0xFFFFFFFF, s23  }
0x25f: {  	v5 =	vld [tilespmem:s25+$0x0];
	_ =	sdelay $0x4  }
0x260: {  	(xrf1) =	vsort.ascd.msk.f32 $0xffff, v5, v5;
	_ =	sdelay $0x2  }
0x261: {  	p2 =	sne.s32 s24, $0x1  }
.Ltmp11:
0x262: {  	_ = 	snop;
	(pc) =	sbr.rel @!p2 .LBB2_13-.Ltmp11, $2  }
0x263: {  	_ =	sdelay $0x2  }
0x264: {  	s24 =	sadd.s32 $0xFFFFFFFF, s24;
	s25 =	simm.s32 $0x88A0;
	p0 =	por $0x1, $0x1  }
0x265: {  	v5 =	vld [tilespmem:s25+$0x0];
	_ =	sdelay $0x4  }
0x266: {  	(xrf1) =	vsort.ascd.msk.f32 $0xffff, v5, v5;
	_ =	sdelay $0x2  }
0x267: {  	p2 =	sne.s32 s24, $0x1  }
.Ltmp12:
0x268: {  	_ = 	snop;
	(pc) =	sbr.rel @!p2 .LBB2_15-.Ltmp12, $2  }
0x269: {  	_ =	sdelay $0x2  }
0x26a: {  	s24 =	sadd.s32 $0xFFFFFFFF, s24;
	s25 =	simm.s32 $0x88B0;
	p1 =	por $0x1, $0x1;
	v5 =	vimm.f32 $+Inf  }
.LBB2_16:
0x26b: {  	v6 =	vld [tilespmem:s25+$0x0];
	p2 =	sne.s32 s24, $0x1;
	s24 =	sadd.s32 $0xFFFFFFFF, s24  }
.Ltmp13:
0x26c: {  	v7, _, _ =	vpop (xrf1);
	(pc) =	sbr.rel @p2 .LBB2_16-.Ltmp13, $2  }
0x26d: {  	v5 =	vmin.f32 v5, v7;
	_ =	sdelay $0x2  }
0x26e: {  	s25 =	sadd.s32 $0x10, s25;
	(xrf1) =	vsort.ascd.msk.f32 $0xffff, v6, v6  }
.LBB2_17:
0x26f: {  	_ = 	snop  }
0x270: {  	s24 =	sadd.s32 $0x3F, s23  }
0x271: {  	(drf) =	sdiv.u32 s24, s23;
	_ =	sdelay $0x4  }
0x272: {  	v6, _, _ =	vpop @p1 (xrf1)  }
0x273: {  	v5 =	vmin.f32 @p1 v5, v6  }
0x274: {  	v6, _, _ =	vpop @p0 (xrf1);
	v5 =	vpsel p1, v5, v4  }
0x275: {  	v5 =	vmin.f32 @p0 v5, v6  }
0x276: {  	s23 =	spop (drf)  }
0x277: {  	s23 =	ssub.s32 $0x10, s23  }
0x278: {  	v4 =	vpsel p0, v5, v4;
	v6 =	vmov s23;
	v5, _, _ =	vpop (xrf1)  }
0x279: {  	vm0 =	veq.s32 v6, v3;
	v4 =	vmin.f32 v4, v5  }
0x27a: {  	v4 =	vnsel vm0, $0x7F800000, v4  }
0x27b: {  	(xrf1) =	vsort.ascd.msk.f32 $0xffff, v4, v4;
	_ =	sdelay $0xd  }
0x27c: {  	v4, _, _ =	vpop (xrf1)  }
0x27d: {  	(v2sf) =	vpush v4, $0x0;
	_ =	sdelay $0x2  }
0x27e: {  	s22 =	sadd.s32 $0xF, s22  }
0x27f: {  	s29 =	sand.u32 $0xF, s22  }
0x280: {  	s30 =	sshra.s32 s22, $0x1F;
	p5 =	slt.s32 s22, $0x0;
	p6 =	sne.s32 s29, $0x0  }
0x281: {  	s31 =	sshrl.u32 s30, $0x1C;
	p0 =	por !p5, !p6  }
0x282: {  	s22 =	sadd.s32 s31, s22;
	p0 =	por !p0, !p0;
	s23 =	simm.s32 $0x1  }
0x283: {  	s22 =	sshra.s32 s22, $0x4;
	s23 =	simm.s32 @!p0 $0x0  }
0x284: {  	s25 =	ssub.s32 s22, s23  }
0x285: {  	p0 =	slt.s32 s25, $0x1  }
.Ltmp14:
0x286: {  	_ = 	snop;
	(pc) =	sbr.rel @p0 .LBB2_18-.Ltmp14, $2  }
0x287: {  	_ =	sdelay $0x2  }
0x288: {  	s22 =	spop (v2sf)  }
0x289: {  	p0 =	sne.s32 s25, $0x1  }
.Ltmp15:
0x28a: {  	_ = 	snop;
	(pc) =	sbr.rel @!p0 .LBB2_20-.Ltmp15, $3  }
0x28b: {  	_ =	sdelay $0x1  }
0x28c: {  	s23 =	simm.s32 $0x8880  }
0x28d: {  	v5 =	vbroadcast v4, $0x0;
	v8 =	vimm.s32 $0x0;
	s24 =	simm.s32 $0x8C00;
	s25 =	sadd.s32 $0xFFFFFFFF, s25;
	p1 =	por $0x0, $0x0;
	v4 =	vld [tilespmem:s23+$0x0]  }
0x28e: {  	_ =	sdelay $0x3  }
0x28f: {  	vm0 =	vge.f32 v4, v5  }
0x290: {  	v6 =	vsel vm0, $0x1, v2  }
0x291: {  	(xrf0) =	vadd.scan.msk.s32 $0xffff, v6;
	_ =	sdelay $0x5  }
0x292: {  	v6, _, _ =	vpop (xrf0)  }
0x293: {  	v6 =	vadd.s32 v6, v8  }
0x294: {  	v6 =	vadd.s32 $0xFFFFFFFF, v6  }
0x295: {  	vm1 =	vgt.s32 v6, $0x0  }
0x296: {  	v6 =	vnsel vm1, $0x0, v6  }
0x297: {  	v9 =	vld [tilespmem:s24+$0x0];
	_ =	sdelay $0x1  }
0x298: {  	p2 =	sne.s32 s25, $0x1  }
.Ltmp16:
0x299: {  	_ = 	snop;
	(pc) =	sbr.rel @!p2 .LBB2_22-.Ltmp16, $4  }
0x29a: {  	v7 =	vmpcnt.ones.xlane vm0;
	[tilespmem:v6+s13+$0x0] =	vst.idx.msk vm0, v4  }
0x29b: {  	s28 =	simm.s32 $0x8890;
	[tilespmem:v6+s14+$0x0] =	vst.idx.msk vm0, v9  }
0x29c: {  	v7 =	vadd.s32 v8, v7;
	v4 =	vld [tilespmem:s28+$0x0]  }
0x29d: {  	s29 =	sadd.s32 $0xFFFFFFFF, s25;
	p1 =	por $0x1, $0x1;
	s26 =	simm.s32 $0x8C00;
	v6 =	vmov v7  }
.LBB2_23:
0x29e: {  	p2 =	sne.s32 s29, $0x1;
	_ =	sdelay $0x2  }
0x29f: {  	vm0 =	vge.f32 v4, v5  }
0x2a0: {  	v8 =	vsel vm0, $0x1, v2;
	v9 =	vmpcnt.ones.xlane vm0  }
0x2a1: {  	(xrf0) =	vadd.scan.msk.s32 $0xffff, v8  }
0x2a2: {  	v7 =	vadd.s32 v7, v9;
	_ =	sdelay $0x4  }
0x2a3: {  	v8, _, _ =	vpop (xrf0)  }
0x2a4: {  	v8 =	vadd.s32 v8, v6;
	v6 =	vmov v7  }
0x2a5: {  	v8 =	vadd.s32 $0xFFFFFFFF, v8  }
0x2a6: {  	vm1 =	vgt.s32 v8, $0x0  }
0x2a7: {  	s26 =	sadd.s32 $0x10, s26;
	v8 =	vnsel vm1, $0x0, v8  }
0x2a8: {  	v9 =	vld [tilespmem:s26+$0x0];
	_ =	sdelay $0x2  }
.Ltmp17:
0x2a9: {  	(pc) =	sbr.rel @p2 .LBB2_23-.Ltmp17, $4  }
0x2aa: {  	[tilespmem:v8+s13+$0x0] =	vst.idx.msk vm0, v4  }
0x2ab: {  	s28 =	sadd.s32 $0x10, s28;
	[tilespmem:v8+s14+$0x0] =	vst.idx.msk vm0, v9  }
0x2ac: {  	v4 =	vld [tilespmem:s28+$0x0]  }
0x2ad: {  	s29 =	sadd.s32 $0xFFFFFFFF, s29  }
0x2ae: {  	v8 =	vmov v7  }
.LBB2_25:
0x2af: {  	_ =	sdelay $0x1  }
0x2b0: {  	vm0 =	vge.f32 v4, v5  }
0x2b1: {  	v5 =	vsel vm0, $0x1, v2  }
0x2b2: {  	(xrf0) =	vadd.scan.msk.s32 $0xffff, v5;
	_ =	sdelay $0x5  }
0x2b3: {  	v5, _, _ =	vpop (xrf0)  }
0x2b4: {  	v5 =	vadd.s32 v5, v6  }
0x2b5: {  	v5 =	vadd.s32 $0xFFFFFFFF, v5  }
0x2b6: {  	s26 =	sadd.s32 @p1 $0x10, s26;
	s28 =	simm.s32 $0x8C00;
	vm1 =	vgt.s32 v5, $0x0  }
0x2b7: {  	s28 =	smov.u32 @p1 s26;
	v5 =	vnsel vm1, $0x0, v5  }
0x2b8: {  	v7 =	vld [tilespmem:s28+$0x0];
	v6 =	vmpcnt.ones.xlane vm0;
	_ =	sdelay $0x1  }
0x2b9: {  	v6 =	vadd.s32 v8, v6  }
0x2ba: {  	(v2sf) =	vpush v6, $0x0  }
0x2bb: {  	[tilespmem:v5+s13+$0x0] =	vst.idx.msk vm0, v4  }
0x2bc: {  	[tilespmem:v5+s14+$0x0] =	vst.idx.msk vm0, v7  }
0x2bd: {  	v5 =	vld [tilespmem:s23+$0x0];
	_ =	sdelay $0x1  }
0x2be: {  	s28 =	simm.s32 $0x0;
	v4 =	vbroadcast v6, $0x0  }
0x2bf: {  	v6 =	vor.u32 s28, v3  }
0x2c0: {  	vm15 =	vlt.s32 v6, v4  }
0x2c1: {  	v5 =	vnsel vm15, $0xFF800000, v5  }
0x2c2: {  	[tilespmem:s23+$0x0] =	vst v5  }
0x2c3: {  	v5 =	vld [tilespmem:s24+$0x0]  }
.Ltmp18:
0x2c4: {  	_ = 	snop;
	(pc) =	sbr.rel @!p0 .LBB2_27-.Ltmp18, $2  }
0x2c5: {  	_ =	sdelay $0x2  }
0x2c6: {  	s26 =	spop (v2sf);
	v5 =	vnsel vm15, $0x7FFFFFF0, v5  }
.LBB2_26:
0x2c7: {  	[tilespmem:s24+$0x0] =	vst v5;
	s23 =	sadd.s32 $0x10, s23;
	s24 =	sadd.s32 $0x10, s24;
	s28 =	sadd.s32 $0x10, s28  }
0x2c8: {  	p0 =	sne.s32 s25, $0x1;
	s25 =	sadd.s32 $0xFFFFFFFF, s25;
	v5 =	vld [tilespmem:s23+$0x0];
	_ =	sdelay $0x2  }
0x2c9: {  	v6 =	vor.u32 s28, v3  }
0x2ca: {  	vm0 =	vlt.s32 v6, v4  }
0x2cb: {  	v5 =	vnsel vm0, $0xFF800000, v5  }
0x2cc: {  	[tilespmem:s23+$0x0] =	vst v5  }
0x2cd: {  	v5 =	vld [tilespmem:s24+$0x0]  }
.Ltmp19:
0x2ce: {  	(pc) =	sbr.rel @p0 .LBB2_26-.Ltmp19, $2  }
0x2cf: {  	_ =	sdelay $0x2  }
0x2d0: {  	v5 =	vnsel vm0, $0x7FFFFFF0, v5  }
.LBB2_27:
.Ltmp20:
0x2d1: {  	(pc) =	sbr.rel .LBB2_28-.Ltmp20, $2  }
0x2d2: {  	_ =	sdelay $0x2  }
0x2d3: {  	[tilespmem:s24+$0x0] =	vst v5  }
.LBB2_18:
0x2d4: {  	s26 =	simm.s32 $0x0  }
.LBB2_28:
0x2d5: {  	s23 =	sld [smem:$0x0];
	p0 =	slt.s32 s26, $0xC0  }
.Ltmp21:
0x2d6: {  	_ = 	snop;
	(pc) =	sbr.rel @p0 .LBB2_41-.Ltmp21, $4  }
0x2d7: {  	_ = 	snop  }
0x2d8: {  	s22 =	smax.f32 s23, s22  }
0x2d9: {  	[smem:$0x0] =	sst s22  }
0x2da: {  	[smem:$0x80] =	sst s26  }
0x2db: {  	s22 =	sadd.s32 $0xF, s26  }
0x2dc: {  	s23 =	sand.u32 $0xF, s22  }
0x2dd: {  	s24 =	sshra.s32 s22, $0x1F;
	p0 =	slt.s32 s22, $0x0;
	p1 =	sne.s32 s23, $0x0  }
.Ltmp22:
0x2de: {  	s31 =	sshrl.u32 s24, $0x1C;
	p0 =	por !p0, !p1;
	(pc) =	sbr.rel .LBB2_30-.Ltmp22, $4  }
0x2df: {  	s23 =	simm.s32 $0x1;
	s22 =	sadd.s32 s31, s22;
	p0 =	por !p0, !p0  }
0x2e0: {  	s22 =	sshra.s32 s22, $0x4;
	s23 =	simm.s32 @!p0 $0x0  }
0x2e1: {  	s25 =	simm.f32 $+Inf;
	s22 =	ssub.s32 s22, s23  }
0x2e2: {  	s26 =	simm.s32 $0xFFFFFFFF;
	s23 =	simm.s32 $0x0;
	p0 =	slt.s32 s22, $0x1  }
.LBB2_31:
0x2e3: {  	v4 =	vimm.s32 $0x7FFFFFF0;
	v5 =	vimm.f32 $-Inf  }
.LBB2_37:
0x2e4: {  	(xrf1) =	vsort.ascd.msk.f32 $0xffff, v5, v5;
	_ =	sdelay $0xd  }
0x2e5: {  	v6, _, _ =	vpop (xrf1)  }
0x2e6: {  	v7 =	vbroadcast v6, $0xF;
	_ =	sdelay $0x1  }
0x2e7: {  	vm0 =	veq.f32 v5, v7  }
0x2e8: {  	v4 =	vnsel vm0, $0x7FFFFFF0, v4  }
0x2e9: {  	(xrf1) =	vsort.ascd.msk.u32 $0xffff, v4, v4;
	_ =	sdelay $0xd  }
0x2ea: {  	(v2sf) =	vpush v6, $0xF;
	v4, _, _ =	vpop (xrf1)  }
0x2eb: {  	(v2sf) =	vpush v4, $0x0;
	_ =	sdelay $0x6  }
0x2ec: {  	s24 =	sand.u32 $0x30, s23  }
0x2ed: {  	v5 =	vld [tilespmem:s24+$0x8F80]  }
0x2ee: {  	s25 =	sand.u32 $0xF, s23;
	s23 =	sadd.s32 $0x1, s23;
	v63 =	vld [tilespmem:s24+$0x9000]  }
0x2ef: {  	p1 =	sne.s32 s23, $0x40  }
.Ltmp23:
0x2f0: {  	v8 =	vmov s25;
	(pc) =	sbr.rel @!p1 .LBB2_38-.Ltmp23, $4  }
0x2f1: {  	vm15 =	veq.s32 v8, v3;
	v4 =	vbroadcast v4, $0x0  }
0x2f2: {  	v5 =	vsel vm15, v7, v5  }
0x2f3: {  	[tilespmem:s24+$0x8F80] =	vst v5;
	s25 =	spop (v2sf);
	v4 =	vsel vm15, v4, v63  }
0x2f4: {  	[tilespmem:s24+$0x9000] =	vst v4;
	s26 =	spop (v2sf)  }
.LBB2_30:
.Ltmp24:
0x2f5: {  	(pc) =	sbr.rel @p0 .LBB2_31-.Ltmp24, $1  }
0x2f6: {  	_ =	sdelay $0x3  }
0x2f7: {  	p2 =	sne.s32 s22, $0x1  }
.Ltmp25:
0x2f8: {  	_ = 	snop;
	(pc) =	sbr.rel @!p2 .LBB2_36-.Ltmp25, $3  }
0x2f9: {  	_ =	sdelay $0x1  }
0x2fa: {  	s24 =	simm.s32 $0x8880;
	v5 =	vmov s25;
	v6 =	vmov s26;
	v4 =	vimm.f32 $-Inf;
	s25 =	simm.s32 $0x8C00;
	s29 =	sadd.s32 $0xFFFFFFFF, s22  }
0x2fb: {  	v7 =	vimm.s32 $0x7FFFFFF0;
	p1 =	por $0x0, $0x0;
	s26 =	simm.s32 $0x8880;
	v9 =	vimm.f32 $-Inf;
	s28 =	simm.s32 $0x8C00;
	v11 =	vimm.s32 $0x7FFFFFF0  }
0x2fc: {  	v9 =	vld [tilespmem:s24+$0x0]  }
0x2fd: {  	v8 =	vld [tilespmem:s25+$0x0];
	_ =	sdelay $0x1  }
0x2fe: {  	p2 =	sne.s32 s29, $0x1  }
.Ltmp26:
0x2ff: {  	_ = 	snop;
	(pc) =	sbr.rel @!p2 .LBB2_34-.Ltmp26, $4  }
0x300: {  	_ = 	snop  }
0x301: {  	vm1 =	veq.f32 v9, v5;
	vm2 =	veq.s32 v8, v6  }
0x302: {  	s29 =	sadd.s32 $0xFFFFFFFF, s29;
	v11 =	vimm.s32 $0x7FFFFFF0;
	vm1 =	vmand vm1, vm2  }
0x303: {  	p1 =	por $0x1, $0x1;
	s26 =	simm.s32 $0x8880;
	s28 =	simm.s32 $0x8C00;
	vm0 =	vlt.s32 v8, v7;
	v10 =	vsel vm1, $0xFF800000, v9;
	v9 =	vimm.f32 $-Inf  }
.LBB2_35:
0x304: {  	p2 =	sne.s32 s29, $0x1;
	[tilespmem:s26+$0x0] =	vst v10;
	vm1 =	vgt.f32 v10, v9;
	vm2 =	veq.f32 v10, v9;
	s26 =	sadd.s32 $0x10, s26  }
0x305: {  	s28 =	sadd.s32 $0x10, s28;
	v12 =	vld [tilespmem:s26+$0x0];
	vm0 =	vmand vm0, vm2  }
0x306: {  	v13 =	vld [tilespmem:s28+$0x0];
	vm0 =	vmor vm1, vm0  }
0x307: {  	v9 =	vsel vm0, v10, v9;
	v11 =	vsel vm0, v8, v11;
	_ =	sdelay $0x1  }
.Ltmp27:
0x308: {  	(pc) =	sbr.rel @p2 .LBB2_35-.Ltmp27, $4  }
0x309: {  	_ = 	snop  }
0x30a: {  	vm1 =	veq.f32 v12, v5;
	vm2 =	veq.s32 v13, v6;
	vm0 =	vlt.s32 v13, v11;
	v8 =	vmovc v13  }
0x30b: {  	vm1 =	vmand vm1, vm2  }
0x30c: {  	s29 =	sadd.s32 $0xFFFFFFFF, s29;
	v10 =	vsel vm1, $0xFF800000, v12  }
.LBB2_36:
0x30d: {  	s29 =	sadd.s32 @p1 $0x10, s26  }
0x30e: {  	[tilespmem:s26+$0x0] =	vst @p1 v10;
	s26 =	sadd.s32 @p1 $0x10, s28;
	s24 =	smov.u32 @p1 s29  }
0x30f: {  	s25 =	smov.u32 @p1 s26;
	v12 =	vld [tilespmem:s24+$0x0]  }
0x310: {  	v13 =	vld [tilespmem:s25+$0x0];
	_ =	sdelay $0x2  }
0x311: {  	vm1 =	veq.f32 @p1 v10, v9  }
0x312: {  	vm0 =	vmand @p1 vm0, vm1;
	vm1 =	vgt.f32 @p1 v10, v9  }
0x313: {  	vm0 =	vmor @p1 vm1, vm0;
	vm11 =	veq.f32 v12, v5;
	vm2 =	veq.s32 v13, v6  }
0x314: {  	v5 =	vsel @p1 vm0, v10, v9;
	v6 =	vsel @p1 vm0, v8, v11;
	vm12 =	vmand vm11, vm2  }
.Ltmp28:
0x315: {  	v6 =	vpsel p1, v6, v7;
	v4 =	vpsel p1, v5, v4;
	v7 =	vsel vm12, $0xFF800000, v12;
	(pc) =	sbr.rel .LBB2_37-.Ltmp28, $4  }
0x316: {  	vm13 =	vlt.s32 v13, v6;
	vm14 =	veq.f32 v7, v4  }
0x317: {  	vm15 =	vgt.f32 v7, v4;
	vm0 =	vmand vm13, vm14  }
0x318: {  	vm0 =	vmor vm15, vm0  }
0x319: {  	[tilespmem:s24+$0x0] =	vst v7;
	v5 =	vsel vm0, v7, v4;
	v4 =	vsel vm0, v13, v6  }
.LBB2_34:
.Ltmp29:
0x31a: {  	(pc) =	sbr.rel .LBB2_36-.Ltmp29, $2  }
0x31b: {  	_ =	sdelay $0x2  }
0x31c: {  	s26 =	simm.s32 $0x8880;
	v9 =	vimm.f32 $-Inf;
	s28 =	simm.s32 $0x8C00;
	v11 =	vimm.s32 $0x7FFFFFF0  }
.LBB2_38:
0x31d: {  	v4 =	vld [tilespmem:$0x8F80]  }
0x31e: {  	v5 =	vld [tilespmem:$0x9000]  }
0x31f: {  	v6 =	vld [tilespmem:$0x8F90]  }
0x320: {  	v7 =	vld [tilespmem:$0x9010]  }
0x321: {  	v8 =	vld [tilespmem:$0x8FA0]  }
0x322: {  	v63 =	vld [tilespmem:$0x9030];
	[tilespmem:$0x8880] =	vst v4  }
0x323: {  	v4 =	vld [tilespmem:$0x9020];
	[tilespmem:$0x8C00] =	vst v5  }
0x324: {  	v5 =	vld [tilespmem:$0x8FB0];
	[tilespmem:$0x8890] =	vst v6  }
0x325: {  	[tilespmem:$0x8C10] =	vst v7  }
0x326: {  	[tilespmem:$0x88A0] =	vst v8  }
0x327: {  	[tilespmem:$0x8C30] =	vst v63  }
0x328: {  	[tilespmem:$0x8C20] =	vst v4  }
0x329: {  	s22 =	simm.s32 $0x140;
	s23 =	simm.s32 $0x40;
	[tilespmem:$0x88B0] =	vst v5  }
.LBB2_39:
0x32a: {  	p0 =	sne.s32 s22, $0xC40;
	[tilespmem:s23+$0x8880] =	vst v0;
	s24 =	smov.u32 s22;
	s22 =	sadd.s32 $0x40, s22  }
.Ltmp30:
0x32b: {  	[tilespmem:s23+$0x8C00] =	vst v1;
	(pc) =	sbr.rel @p0 .LBB2_39-.Ltmp30, $2  }
0x32c: {  	_ =	sdelay $0x2  }
0x32d: {  	s23 =	sshra.s32 s24, $0x2  }
0x32e: {  	[tilespmem:s23+$0x8880] =	vst v0  }
0x32f: {  	[tilespmem:s23+$0x8C00] =	vst v1  }
0x330: {  	v4 =	vld [tilespmem:$0x8FB0];
	_ =	sdelay $0x4  }
0x331: {  	(v2sf) =	vpush v4, $0xF;
	_ =	sdelay $0xb  }
0x332: {  	[smem:$0x80] =	sst s15  }
.Ltmp31:
0x333: {  	s22 =	sld [smem:$0x0];
	(pc) =	sbr.rel .LBB2_41-.Ltmp31, $4  }
0x334: {  	_ = 	snop  }
0x335: {  	s31 =	spop (v2sf)  }
0x336: {  	s22 =	smax.f32 s22, s31  }
0x337: {  	[smem:$0x0] =	sst s22  }
.LBB2_11:
.Ltmp32:
0x338: {  	(pc) =	sbr.rel .LBB2_17-.Ltmp32, $2  }
0x339: {  	_ =	sdelay $0x2  }
0x33a: {  	v5 =	vimm.f32 $+Inf  }
.LBB2_13:
.Ltmp33:
0x33b: {  	(pc) =	sbr.rel .LBB2_17-.Ltmp33, $2  }
0x33c: {  	_ =	sdelay $0x3  }
0x33d: {  	v5 =	vimm.f32 $+Inf  }
.LBB2_15:
.Ltmp34:
0x33e: {  	(pc) =	sbr.rel .LBB2_17-.Ltmp34, $2  }
0x33f: {  	_ =	sdelay $0x2  }
0x340: {  	v5 =	vimm.f32 $+Inf  }
.LBB2_20:
.Ltmp35:
0x341: {  	(pc) =	sbr.rel .LBB2_25-.Ltmp35, $2  }
0x342: {  	_ =	sdelay $0x2  }
0x343: {  	v6 =	vimm.s32 $0x0;
	s26 =	simm.s32 $0x8C00  }
.LBB2_22:
.Ltmp36:
0x344: {  	(pc) =	sbr.rel .LBB2_25-.Ltmp36, $2  }
0x345: {  	_ =	sdelay $0x2  }
0x346: {  	v8 =	vmov v7;
	v6 =	vmov v7;
	s26 =	simm.s32 $0x8C00  }
.LBB2_42:
0x347: {  	s21 =	sld [smem:$0x80];
	_ =	sdelay $0x2  }
0x348: {  	p0 =	slt.s32 s21, $0x80  }
.Ltmp37:
0x349: {  	_ = 	snop;
	(pc) =	sbr.rel @p0 .LBB2_74-.Ltmp37, $1  }
0x34a: {  	_ =	sdelay $0x3  }
0x34b: {  	s22 =	simm.s32 $0x8880  }
0x34c: {  	v5 =	vld [tilespmem:s22+$0x0];
	_ =	sdelay $0x4  }
0x34d: {  	(xrf1) =	vsort.ascd.msk.f32 $0xffff, v5, v5;
	_ =	sdelay $0x5  }
0x34e: {  	s22 =	sshrl.u32 s21, $0x4  }
0x34f: {  	p2 =	sne.s32 s22, $0x1  }
.Ltmp38:
0x350: {  	_ = 	snop;
	(pc) =	sbr.rel @!p2 .LBB2_44-.Ltmp38, $3  }
0x351: {  	_ =	sdelay $0x1  }
0x352: {  	s24 =	simm.s32 $0x8890  }
0x353: {  	v4 =	vimm.f32 $+Inf;
	p0 =	por $0x0, $0x0;
	p1 =	por $0x0, $0x0;
	s23 =	sadd.s32 $0xFFFFFFFF, s22  }
0x354: {  	v5 =	vld [tilespmem:s24+$0x0];
	_ =	sdelay $0x4  }
0x355: {  	(xrf1) =	vsort.ascd.msk.f32 $0xffff, v5, v5;
	_ =	sdelay $0x2  }
0x356: {  	p2 =	sne.s32 s23, $0x1  }
.Ltmp39:
0x357: {  	_ = 	snop;
	(pc) =	sbr.rel @!p2 .LBB2_46-.Ltmp39, $2  }
0x358: {  	_ =	sdelay $0x2  }
0x359: {  	s23 =	sadd.s32 $0xFFFFFFFF, s23;
	s24 =	simm.s32 $0x88A0;
	p0 =	por $0x1, $0x1  }
0x35a: {  	v5 =	vld [tilespmem:s24+$0x0];
	_ =	sdelay $0x4  }
0x35b: {  	(xrf1) =	vsort.ascd.msk.f32 $0xffff, v5, v5;
	_ =	sdelay $0x2  }
0x35c: {  	p2 =	sne.s32 s23, $0x1  }
.Ltmp40:
0x35d: {  	_ = 	snop;
	(pc) =	sbr.rel @!p2 .LBB2_48-.Ltmp40, $2  }
0x35e: {  	_ =	sdelay $0x2  }
0x35f: {  	s23 =	sadd.s32 $0xFFFFFFFF, s23;
	s24 =	simm.s32 $0x88B0;
	p1 =	por $0x1, $0x1;
	v5 =	vimm.f32 $+Inf  }
.LBB2_49:
0x360: {  	v6 =	vld [tilespmem:s24+$0x0];
	p2 =	sne.s32 s23, $0x1;
	s23 =	sadd.s32 $0xFFFFFFFF, s23  }
.Ltmp41:
0x361: {  	v7, _, _ =	vpop (xrf1);
	(pc) =	sbr.rel @p2 .LBB2_49-.Ltmp41, $2  }
0x362: {  	v5 =	vmin.f32 v5, v7;
	_ =	sdelay $0x2  }
0x363: {  	s24 =	sadd.s32 $0x10, s24;
	(xrf1) =	vsort.ascd.msk.f32 $0xffff, v6, v6  }
.LBB2_50:
0x364: {  	_ = 	snop  }
0x365: {  	s23 =	sadd.s32 $0x3F, s22  }
0x366: {  	(drf) =	sdiv.u32 s23, s22;
	_ =	sdelay $0x4  }
0x367: {  	v6, _, _ =	vpop @p1 (xrf1)  }
0x368: {  	v5 =	vmin.f32 @p1 v5, v6  }
0x369: {  	v6, _, _ =	vpop @p0 (xrf1);
	v5 =	vpsel p1, v5, v4  }
0x36a: {  	v5 =	vmin.f32 @p0 v5, v6  }
0x36b: {  	s22 =	spop (drf)  }
0x36c: {  	s22 =	ssub.s32 $0x10, s22  }
0x36d: {  	v4 =	vpsel p0, v5, v4;
	v6 =	vmov s22;
	v5, _, _ =	vpop (xrf1)  }
0x36e: {  	vm0 =	veq.s32 v6, v3;
	v4 =	vmin.f32 v4, v5  }
0x36f: {  	v4 =	vnsel vm0, $0x7F800000, v4  }
0x370: {  	(xrf1) =	vsort.ascd.msk.f32 $0xffff, v4, v4;
	_ =	sdelay $0xd  }
0x371: {  	v4, _, _ =	vpop (xrf1)  }
0x372: {  	(v2sf) =	vpush v4, $0x0;
	_ =	sdelay $0x2  }
0x373: {  	s21 =	sadd.s32 $0xF, s21  }
0x374: {  	s29 =	sand.u32 $0xF, s21  }
0x375: {  	s30 =	sshra.s32 s21, $0x1F;
	p5 =	slt.s32 s21, $0x0;
	p6 =	sne.s32 s29, $0x0  }
0x376: {  	s31 =	sshrl.u32 s30, $0x1C;
	p0 =	por !p5, !p6  }
0x377: {  	s21 =	sadd.s32 s31, s21;
	p0 =	por !p0, !p0;
	s22 =	simm.s32 $0x1  }
0x378: {  	s21 =	sshra.s32 s21, $0x4;
	s22 =	simm.s32 @!p0 $0x0  }
0x379: {  	s24 =	ssub.s32 s21, s22  }
0x37a: {  	p0 =	slt.s32 s24, $0x1  }
.Ltmp42:
0x37b: {  	_ = 	snop;
	(pc) =	sbr.rel @p0 .LBB2_51-.Ltmp42, $2  }
0x37c: {  	_ =	sdelay $0x2  }
0x37d: {  	s21 =	spop (v2sf)  }
0x37e: {  	p0 =	sne.s32 s24, $0x1  }
.Ltmp43:
0x37f: {  	_ = 	snop;
	(pc) =	sbr.rel @!p0 .LBB2_53-.Ltmp43, $3  }
0x380: {  	_ =	sdelay $0x1  }
0x381: {  	s22 =	simm.s32 $0x8880  }
0x382: {  	v5 =	vbroadcast v4, $0x0;
	v8 =	vimm.s32 $0x0;
	s23 =	simm.s32 $0x8C00;
	s24 =	sadd.s32 $0xFFFFFFFF, s24;
	p1 =	por $0x0, $0x0;
	v4 =	vld [tilespmem:s22+$0x0]  }
0x383: {  	_ =	sdelay $0x3  }
0x384: {  	vm0 =	vge.f32 v4, v5  }
0x385: {  	v6 =	vsel vm0, $0x1, v2  }
0x386: {  	(xrf0) =	vadd.scan.msk.s32 $0xffff, v6;
	_ =	sdelay $0x5  }
0x387: {  	v6, _, _ =	vpop (xrf0)  }
0x388: {  	v6 =	vadd.s32 v6, v8  }
0x389: {  	v6 =	vadd.s32 $0xFFFFFFFF, v6  }
0x38a: {  	vm1 =	vgt.s32 v6, $0x0  }
0x38b: {  	v6 =	vnsel vm1, $0x0, v6  }
0x38c: {  	v9 =	vld [tilespmem:s23+$0x0];
	_ =	sdelay $0x1  }
0x38d: {  	p2 =	sne.s32 s24, $0x1  }
.Ltmp44:
0x38e: {  	_ = 	snop;
	(pc) =	sbr.rel @!p2 .LBB2_55-.Ltmp44, $4  }
0x38f: {  	v7 =	vmpcnt.ones.xlane vm0;
	[tilespmem:v6+s13+$0x0] =	vst.idx.msk vm0, v4  }
0x390: {  	s26 =	simm.s32 $0x8890;
	[tilespmem:v6+s14+$0x0] =	vst.idx.msk vm0, v9  }
0x391: {  	v7 =	vadd.s32 v8, v7;
	v4 =	vld [tilespmem:s26+$0x0]  }
0x392: {  	s28 =	sadd.s32 $0xFFFFFFFF, s24;
	p1 =	por $0x1, $0x1;
	s25 =	simm.s32 $0x8C00;
	v6 =	vmov v7  }
.LBB2_56:
0x393: {  	p2 =	sne.s32 s28, $0x1;
	_ =	sdelay $0x2  }
0x394: {  	vm0 =	vge.f32 v4, v5  }
0x395: {  	v8 =	vsel vm0, $0x1, v2;
	v9 =	vmpcnt.ones.xlane vm0  }
0x396: {  	(xrf0) =	vadd.scan.msk.s32 $0xffff, v8  }
0x397: {  	v7 =	vadd.s32 v7, v9;
	_ =	sdelay $0x4  }
0x398: {  	v8, _, _ =	vpop (xrf0)  }
0x399: {  	v8 =	vadd.s32 v8, v6;
	v6 =	vmov v7  }
0x39a: {  	v8 =	vadd.s32 $0xFFFFFFFF, v8  }
0x39b: {  	vm1 =	vgt.s32 v8, $0x0  }
0x39c: {  	s25 =	sadd.s32 $0x10, s25;
	v8 =	vnsel vm1, $0x0, v8  }
0x39d: {  	v9 =	vld [tilespmem:s25+$0x0];
	_ =	sdelay $0x2  }
.Ltmp45:
0x39e: {  	(pc) =	sbr.rel @p2 .LBB2_56-.Ltmp45, $4  }
0x39f: {  	[tilespmem:v8+s13+$0x0] =	vst.idx.msk vm0, v4  }
0x3a0: {  	s26 =	sadd.s32 $0x10, s26;
	[tilespmem:v8+s14+$0x0] =	vst.idx.msk vm0, v9  }
0x3a1: {  	v4 =	vld [tilespmem:s26+$0x0]  }
0x3a2: {  	s28 =	sadd.s32 $0xFFFFFFFF, s28  }
0x3a3: {  	v8 =	vmov v7  }
.LBB2_58:
0x3a4: {  	_ =	sdelay $0x1  }
0x3a5: {  	vm0 =	vge.f32 v4, v5  }
0x3a6: {  	v5 =	vsel vm0, $0x1, v2  }
0x3a7: {  	(xrf0) =	vadd.scan.msk.s32 $0xffff, v5;
	_ =	sdelay $0x5  }
0x3a8: {  	v5, _, _ =	vpop (xrf0)  }
0x3a9: {  	v5 =	vadd.s32 v5, v6  }
0x3aa: {  	v5 =	vadd.s32 $0xFFFFFFFF, v5  }
0x3ab: {  	s25 =	sadd.s32 @p1 $0x10, s25;
	s26 =	simm.s32 $0x8C00;
	vm1 =	vgt.s32 v5, $0x0  }
0x3ac: {  	s26 =	smov.u32 @p1 s25;
	v5 =	vnsel vm1, $0x0, v5  }
0x3ad: {  	v7 =	vld [tilespmem:s26+$0x0];
	v6 =	vmpcnt.ones.xlane vm0;
	_ =	sdelay $0x1  }
0x3ae: {  	v6 =	vadd.s32 v8, v6  }
0x3af: {  	(v2sf) =	vpush v6, $0x0  }
0x3b0: {  	[tilespmem:v5+s13+$0x0] =	vst.idx.msk vm0, v4  }
0x3b1: {  	[tilespmem:v5+s14+$0x0] =	vst.idx.msk vm0, v7  }
0x3b2: {  	v5 =	vld [tilespmem:s22+$0x0];
	_ =	sdelay $0x1  }
0x3b3: {  	s26 =	simm.s32 $0x0;
	v4 =	vbroadcast v6, $0x0  }
0x3b4: {  	v6 =	vor.u32 s26, v3  }
0x3b5: {  	vm15 =	vlt.s32 v6, v4  }
0x3b6: {  	v5 =	vnsel vm15, $0xFF800000, v5  }
0x3b7: {  	[tilespmem:s22+$0x0] =	vst v5  }
0x3b8: {  	v5 =	vld [tilespmem:s23+$0x0]  }
.Ltmp46:
0x3b9: {  	_ = 	snop;
	(pc) =	sbr.rel @!p0 .LBB2_60-.Ltmp46, $2  }
0x3ba: {  	_ =	sdelay $0x2  }
0x3bb: {  	s25 =	spop (v2sf);
	v5 =	vnsel vm15, $0x7FFFFFF0, v5  }
.LBB2_59:
0x3bc: {  	[tilespmem:s23+$0x0] =	vst v5;
	s22 =	sadd.s32 $0x10, s22;
	s23 =	sadd.s32 $0x10, s23;
	s26 =	sadd.s32 $0x10, s26  }
0x3bd: {  	p0 =	sne.s32 s24, $0x1;
	s24 =	sadd.s32 $0xFFFFFFFF, s24;
	v5 =	vld [tilespmem:s22+$0x0];
	_ =	sdelay $0x2  }
0x3be: {  	v6 =	vor.u32 s26, v3  }
0x3bf: {  	vm0 =	vlt.s32 v6, v4  }
0x3c0: {  	v5 =	vnsel vm0, $0xFF800000, v5  }
0x3c1: {  	[tilespmem:s22+$0x0] =	vst v5  }
0x3c2: {  	v5 =	vld [tilespmem:s23+$0x0]  }
.Ltmp47:
0x3c3: {  	(pc) =	sbr.rel @p0 .LBB2_59-.Ltmp47, $2  }
0x3c4: {  	_ =	sdelay $0x2  }
0x3c5: {  	v5 =	vnsel vm0, $0x7FFFFFF0, v5  }
.LBB2_60:
.Ltmp48:
0x3c6: {  	(pc) =	sbr.rel .LBB2_61-.Ltmp48, $2  }
0x3c7: {  	_ =	sdelay $0x2  }
0x3c8: {  	[tilespmem:s23+$0x0] =	vst v5  }
.LBB2_51:
0x3c9: {  	s25 =	simm.s32 $0x0  }
.LBB2_61:
0x3ca: {  	s22 =	sld [smem:$0x0];
	p0 =	slt.s32 s25, $0xC0  }
.Ltmp49:
0x3cb: {  	_ = 	snop;
	(pc) =	sbr.rel @p0 .LBB2_74-.Ltmp49, $4  }
0x3cc: {  	_ = 	snop  }
0x3cd: {  	s21 =	smax.f32 s22, s21  }
0x3ce: {  	[smem:$0x0] =	sst s21  }
0x3cf: {  	[smem:$0x80] =	sst s25  }
0x3d0: {  	s21 =	sadd.s32 $0xF, s25  }
0x3d1: {  	s22 =	sand.u32 $0xF, s21  }
0x3d2: {  	s23 =	sshra.s32 s21, $0x1F;
	p0 =	slt.s32 s21, $0x0;
	p1 =	sne.s32 s22, $0x0  }
.Ltmp50:
0x3d3: {  	s31 =	sshrl.u32 s23, $0x1C;
	p0 =	por !p0, !p1;
	(pc) =	sbr.rel .LBB2_63-.Ltmp50, $4  }
0x3d4: {  	s22 =	simm.s32 $0x1;
	s21 =	sadd.s32 s31, s21;
	p0 =	por !p0, !p0  }
0x3d5: {  	s21 =	sshra.s32 s21, $0x4;
	s22 =	simm.s32 @!p0 $0x0  }
0x3d6: {  	s24 =	simm.f32 $+Inf;
	s21 =	ssub.s32 s21, s22  }
0x3d7: {  	s25 =	simm.s32 $0xFFFFFFFF;
	s22 =	simm.s32 $0x0;
	p0 =	slt.s32 s21, $0x1  }
.LBB2_64:
0x3d8: {  	v4 =	vimm.s32 $0x7FFFFFF0;
	v5 =	vimm.f32 $-Inf  }
.LBB2_70:
0x3d9: {  	(xrf1) =	vsort.ascd.msk.f32 $0xffff, v5, v5;
	_ =	sdelay $0xd  }
0x3da: {  	v6, _, _ =	vpop (xrf1)  }
0x3db: {  	v7 =	vbroadcast v6, $0xF;
	_ =	sdelay $0x1  }
0x3dc: {  	vm0 =	veq.f32 v5, v7  }
0x3dd: {  	v4 =	vnsel vm0, $0x7FFFFFF0, v4  }
0x3de: {  	(xrf1) =	vsort.ascd.msk.u32 $0xffff, v4, v4;
	_ =	sdelay $0xd  }
0x3df: {  	(v2sf) =	vpush v6, $0xF;
	v4, _, _ =	vpop (xrf1)  }
0x3e0: {  	(v2sf) =	vpush v4, $0x0;
	_ =	sdelay $0x6  }
0x3e1: {  	s23 =	sand.u32 $0x30, s22  }
0x3e2: {  	v5 =	vld [tilespmem:s23+$0x8F80]  }
0x3e3: {  	s24 =	sand.u32 $0xF, s22;
	s22 =	sadd.s32 $0x1, s22;
	v63 =	vld [tilespmem:s23+$0x9000]  }
0x3e4: {  	p1 =	sne.s32 s22, $0x40  }
.Ltmp51:
0x3e5: {  	v8 =	vmov s24;
	(pc) =	sbr.rel @!p1 .LBB2_71-.Ltmp51, $4  }
0x3e6: {  	vm15 =	veq.s32 v8, v3;
	v4 =	vbroadcast v4, $0x0  }
0x3e7: {  	v5 =	vsel vm15, v7, v5  }
0x3e8: {  	[tilespmem:s23+$0x8F80] =	vst v5;
	s24 =	spop (v2sf);
	v4 =	vsel vm15, v4, v63  }
0x3e9: {  	[tilespmem:s23+$0x9000] =	vst v4;
	s25 =	spop (v2sf)  }
.LBB2_63:
.Ltmp52:
0x3ea: {  	(pc) =	sbr.rel @p0 .LBB2_64-.Ltmp52, $1  }
0x3eb: {  	_ =	sdelay $0x3  }
0x3ec: {  	p2 =	sne.s32 s21, $0x1  }
.Ltmp53:
0x3ed: {  	_ = 	snop;
	(pc) =	sbr.rel @!p2 .LBB2_69-.Ltmp53, $3  }
0x3ee: {  	_ =	sdelay $0x1  }
0x3ef: {  	s23 =	simm.s32 $0x8880;
	v5 =	vmov s24;
	v6 =	vmov s25;
	v4 =	vimm.f32 $-Inf;
	s24 =	simm.s32 $0x8C00;
	s28 =	sadd.s32 $0xFFFFFFFF, s21  }
0x3f0: {  	v7 =	vimm.s32 $0x7FFFFFF0;
	p1 =	por $0x0, $0x0;
	s25 =	simm.s32 $0x8880;
	v9 =	vimm.f32 $-Inf;
	s26 =	simm.s32 $0x8C00;
	v11 =	vimm.s32 $0x7FFFFFF0  }
0x3f1: {  	v9 =	vld [tilespmem:s23+$0x0]  }
0x3f2: {  	v8 =	vld [tilespmem:s24+$0x0];
	_ =	sdelay $0x1  }
0x3f3: {  	p2 =	sne.s32 s28, $0x1  }
.Ltmp54:
0x3f4: {  	_ = 	snop;
	(pc) =	sbr.rel @!p2 .LBB2_67-.Ltmp54, $4  }
0x3f5: {  	_ = 	snop  }
0x3f6: {  	vm1 =	veq.f32 v9, v5;
	vm2 =	veq.s32 v8, v6  }
0x3f7: {  	s28 =	sadd.s32 $0xFFFFFFFF, s28;
	v11 =	vimm.s32 $0x7FFFFFF0;
	vm1 =	vmand vm1, vm2  }
0x3f8: {  	p1 =	por $0x1, $0x1;
	s25 =	simm.s32 $0x8880;
	s26 =	simm.s32 $0x8C00;
	vm0 =	vlt.s32 v8, v7;
	v10 =	vsel vm1, $0xFF800000, v9;
	v9 =	vimm.f32 $-Inf  }
.LBB2_68:
0x3f9: {  	p2 =	sne.s32 s28, $0x1;
	[tilespmem:s25+$0x0] =	vst v10;
	vm1 =	vgt.f32 v10, v9;
	vm2 =	veq.f32 v10, v9;
	s25 =	sadd.s32 $0x10, s25  }
0x3fa: {  	s26 =	sadd.s32 $0x10, s26;
	v12 =	vld [tilespmem:s25+$0x0];
	vm0 =	vmand vm0, vm2  }
0x3fb: {  	v13 =	vld [tilespmem:s26+$0x0];
	vm0 =	vmor vm1, vm0  }
0x3fc: {  	v9 =	vsel vm0, v10, v9;
	v11 =	vsel vm0, v8, v11;
	_ =	sdelay $0x1  }
.Ltmp55:
0x3fd: {  	(pc) =	sbr.rel @p2 .LBB2_68-.Ltmp55, $4  }
0x3fe: {  	_ = 	snop  }
0x3ff: {  	vm1 =	veq.f32 v12, v5;
	vm2 =	veq.s32 v13, v6;
	vm0 =	vlt.s32 v13, v11;
	v8 =	vmovc v13  }
0x400: {  	vm1 =	vmand vm1, vm2  }
0x401: {  	s28 =	sadd.s32 $0xFFFFFFFF, s28;
	v10 =	vsel vm1, $0xFF800000, v12  }
.LBB2_69:
0x402: {  	s28 =	sadd.s32 @p1 $0x10, s25  }
0x403: {  	[tilespmem:s25+$0x0] =	vst @p1 v10;
	s25 =	sadd.s32 @p1 $0x10, s26;
	s23 =	smov.u32 @p1 s28  }
0x404: {  	s24 =	smov.u32 @p1 s25;
	v12 =	vld [tilespmem:s23+$0x0]  }
0x405: {  	v13 =	vld [tilespmem:s24+$0x0];
	_ =	sdelay $0x2  }
0x406: {  	vm1 =	veq.f32 @p1 v10, v9  }
0x407: {  	vm0 =	vmand @p1 vm0, vm1;
	vm1 =	vgt.f32 @p1 v10, v9  }
0x408: {  	vm0 =	vmor @p1 vm1, vm0;
	vm11 =	veq.f32 v12, v5;
	vm2 =	veq.s32 v13, v6  }
0x409: {  	v5 =	vsel @p1 vm0, v10, v9;
	v6 =	vsel @p1 vm0, v8, v11;
	vm12 =	vmand vm11, vm2  }
.Ltmp56:
0x40a: {  	v6 =	vpsel p1, v6, v7;
	v4 =	vpsel p1, v5, v4;
	v7 =	vsel vm12, $0xFF800000, v12;
	(pc) =	sbr.rel .LBB2_70-.Ltmp56, $4  }
0x40b: {  	vm13 =	vlt.s32 v13, v6;
	vm14 =	veq.f32 v7, v4  }
0x40c: {  	vm15 =	vgt.f32 v7, v4;
	vm0 =	vmand vm13, vm14  }
0x40d: {  	vm0 =	vmor vm15, vm0  }
0x40e: {  	[tilespmem:s23+$0x0] =	vst v7;
	v5 =	vsel vm0, v7, v4;
	v4 =	vsel vm0, v13, v6  }
.LBB2_67:
.Ltmp57:
0x40f: {  	(pc) =	sbr.rel .LBB2_69-.Ltmp57, $2  }
0x410: {  	_ =	sdelay $0x2  }
0x411: {  	s25 =	simm.s32 $0x8880;
	v9 =	vimm.f32 $-Inf;
	s26 =	simm.s32 $0x8C00;
	v11 =	vimm.s32 $0x7FFFFFF0  }
.LBB2_71:
0x412: {  	v4 =	vld [tilespmem:$0x8F80]  }
0x413: {  	v5 =	vld [tilespmem:$0x9000]  }
0x414: {  	v6 =	vld [tilespmem:$0x8F90]  }
0x415: {  	v7 =	vld [tilespmem:$0x9010]  }
0x416: {  	v8 =	vld [tilespmem:$0x8FA0]  }
0x417: {  	v63 =	vld [tilespmem:$0x9030];
	[tilespmem:$0x8880] =	vst v4  }
0x418: {  	v4 =	vld [tilespmem:$0x9020];
	[tilespmem:$0x8C00] =	vst v5  }
0x419: {  	v5 =	vld [tilespmem:$0x8FB0];
	[tilespmem:$0x8890] =	vst v6  }
0x41a: {  	[tilespmem:$0x8C10] =	vst v7  }
0x41b: {  	[tilespmem:$0x88A0] =	vst v8  }
0x41c: {  	[tilespmem:$0x8C30] =	vst v63  }
0x41d: {  	[tilespmem:$0x8C20] =	vst v4  }
0x41e: {  	s21 =	simm.s32 $0x140;
	s22 =	simm.s32 $0x40;
	[tilespmem:$0x88B0] =	vst v5  }
.LBB2_72:
0x41f: {  	p0 =	sne.s32 s21, $0xC40;
	[tilespmem:s22+$0x8880] =	vst v0;
	s23 =	smov.u32 s21;
	s21 =	sadd.s32 $0x40, s21  }
.Ltmp58:
0x420: {  	[tilespmem:s22+$0x8C00] =	vst v1;
	(pc) =	sbr.rel @p0 .LBB2_72-.Ltmp58, $2  }
0x421: {  	_ =	sdelay $0x2  }
0x422: {  	s22 =	sshra.s32 s23, $0x2  }
0x423: {  	[tilespmem:s22+$0x8880] =	vst v0  }
0x424: {  	[tilespmem:s22+$0x8C00] =	vst v1  }
0x425: {  	v4 =	vld [tilespmem:$0x8FB0];
	_ =	sdelay $0x4  }
0x426: {  	(v2sf) =	vpush v4, $0xF;
	_ =	sdelay $0xb  }
0x427: {  	[smem:$0x80] =	sst s15  }
0x428: {  	s21 =	sld [smem:$0x0];
	_ =	sdelay $0x1  }
0x429: {  	s31 =	spop (v2sf)  }
0x42a: {  	s21 =	smax.f32 s21, s31  }
0x42b: {  	[smem:$0x0] =	sst s21  }
.LBB2_74:
0x42c: {  	s21 =	sld [smem:$0x80];
	_ =	sdelay $0x2  }
0x42d: {  	s21 =	sadd.s32 $0xF, s21  }
0x42e: {  	s22 =	sand.u32 $0xF, s21  }
0x42f: {  	s23 =	sshra.s32 s21, $0x1F;
	p0 =	slt.s32 s21, $0x1;
	p1 =	sne.s32 s22, $0x0  }
.Ltmp59:
0x430: {  	s31 =	sshrl.u32 s23, $0x1C;
	p0 =	por !p0, !p1;
	(pc) =	sbr.rel .LBB2_75-.Ltmp59, $4  }
0x431: {  	s22 =	simm.s32 $0x1;
	s21 =	sadd.s32 s31, s21;
	p0 =	por !p0, !p0  }
0x432: {  	s21 =	sshra.s32 s21, $0x4;
	s22 =	simm.s32 @!p0 $0x0  }
0x433: {  	s24 =	simm.f32 $+Inf;
	s21 =	ssub.s32 s21, s22  }
0x434: {  	s25 =	simm.s32 $0xFFFFFFFF;
	s22 =	simm.s32 $0x0;
	p0 =	slt.s32 s21, $0x1  }
.LBB2_76:
0x435: {  	v4 =	vimm.s32 $0x7FFFFFF0;
	v5 =	vimm.f32 $-Inf  }
.LBB2_82:
0x436: {  	(xrf1) =	vsort.ascd.msk.f32 $0xffff, v5, v5;
	_ =	sdelay $0xd  }
0x437: {  	v6, _, _ =	vpop (xrf1)  }
0x438: {  	v7 =	vbroadcast v6, $0xF;
	_ =	sdelay $0x1  }
0x439: {  	vm0 =	veq.f32 v5, v7  }
0x43a: {  	v4 =	vnsel vm0, $0x7FFFFFF0, v4  }
0x43b: {  	(xrf1) =	vsort.ascd.msk.u32 $0xffff, v4, v4;
	_ =	sdelay $0xd  }
0x43c: {  	(v2sf) =	vpush v6, $0xF;
	v4, _, _ =	vpop (xrf1)  }
0x43d: {  	(v2sf) =	vpush v4, $0x0;
	_ =	sdelay $0x6  }
0x43e: {  	s23 =	sand.u32 $0x30, s22  }
0x43f: {  	v5 =	vld [tilespmem:s23+$0x8F80]  }
0x440: {  	s24 =	sand.u32 $0xF, s22;
	s22 =	sadd.s32 $0x1, s22;
	v63 =	vld [tilespmem:s23+$0x9000]  }
0x441: {  	p1 =	sne.s32 s22, $0x40  }
.Ltmp60:
0x442: {  	v8 =	vmov s24;
	(pc) =	sbr.rel @!p1 .LBB2_83-.Ltmp60, $4  }
0x443: {  	vm15 =	veq.s32 v8, v3;
	v4 =	vbroadcast v4, $0x0  }
0x444: {  	v5 =	vsel vm15, v7, v5  }
0x445: {  	[tilespmem:s23+$0x8F80] =	vst v5;
	s24 =	spop (v2sf);
	v4 =	vsel vm15, v4, v63  }
0x446: {  	[tilespmem:s23+$0x9000] =	vst v4;
	s25 =	spop (v2sf)  }
.LBB2_75:
.Ltmp61:
0x447: {  	(pc) =	sbr.rel @p0 .LBB2_76-.Ltmp61, $1  }
0x448: {  	_ =	sdelay $0x3  }
0x449: {  	p2 =	sne.s32 s21, $0x1  }
.Ltmp62:
0x44a: {  	_ = 	snop;
	(pc) =	sbr.rel @!p2 .LBB2_81-.Ltmp62, $3  }
0x44b: {  	_ =	sdelay $0x1  }
0x44c: {  	s23 =	simm.s32 $0x8880;
	v5 =	vmov s24;
	v6 =	vmov s25;
	v4 =	vimm.f32 $-Inf;
	s24 =	simm.s32 $0x8C00;
	s28 =	sadd.s32 $0xFFFFFFFF, s21  }
0x44d: {  	v7 =	vimm.s32 $0x7FFFFFF0;
	p1 =	por $0x0, $0x0;
	s25 =	simm.s32 $0x8880;
	v9 =	vimm.f32 $-Inf;
	s26 =	simm.s32 $0x8C00;
	v11 =	vimm.s32 $0x7FFFFFF0  }
0x44e: {  	v9 =	vld [tilespmem:s23+$0x0]  }
0x44f: {  	v8 =	vld [tilespmem:s24+$0x0];
	_ =	sdelay $0x1  }
0x450: {  	p2 =	sne.s32 s28, $0x1  }
.Ltmp63:
0x451: {  	_ = 	snop;
	(pc) =	sbr.rel @!p2 .LBB2_79-.Ltmp63, $4  }
0x452: {  	_ = 	snop  }
0x453: {  	vm1 =	veq.f32 v9, v5;
	vm2 =	veq.s32 v8, v6  }
0x454: {  	s28 =	sadd.s32 $0xFFFFFFFF, s28;
	v11 =	vimm.s32 $0x7FFFFFF0;
	vm1 =	vmand vm1, vm2  }
0x455: {  	p1 =	por $0x1, $0x1;
	s25 =	simm.s32 $0x8880;
	s26 =	simm.s32 $0x8C00;
	vm0 =	vlt.s32 v8, v7;
	v10 =	vsel vm1, $0xFF800000, v9;
	v9 =	vimm.f32 $-Inf  }
.LBB2_80:
0x456: {  	p2 =	sne.s32 s28, $0x1;
	[tilespmem:s25+$0x0] =	vst v10;
	vm1 =	vgt.f32 v10, v9;
	vm2 =	veq.f32 v10, v9;
	s25 =	sadd.s32 $0x10, s25  }
0x457: {  	s26 =	sadd.s32 $0x10, s26;
	v12 =	vld [tilespmem:s25+$0x0];
	vm0 =	vmand vm0, vm2  }
0x458: {  	v13 =	vld [tilespmem:s26+$0x0];
	vm0 =	vmor vm1, vm0  }
0x459: {  	v9 =	vsel vm0, v10, v9;
	v11 =	vsel vm0, v8, v11;
	_ =	sdelay $0x1  }
.Ltmp64:
0x45a: {  	(pc) =	sbr.rel @p2 .LBB2_80-.Ltmp64, $4  }
0x45b: {  	_ = 	snop  }
0x45c: {  	vm1 =	veq.f32 v12, v5;
	vm2 =	veq.s32 v13, v6;
	vm0 =	vlt.s32 v13, v11;
	v8 =	vmovc v13  }
0x45d: {  	vm1 =	vmand vm1, vm2  }
0x45e: {  	s28 =	sadd.s32 $0xFFFFFFFF, s28;
	v10 =	vsel vm1, $0xFF800000, v12  }
.LBB2_81:
0x45f: {  	s28 =	sadd.s32 @p1 $0x10, s25  }
0x460: {  	[tilespmem:s25+$0x0] =	vst @p1 v10;
	s25 =	sadd.s32 @p1 $0x10, s26;
	s23 =	smov.u32 @p1 s28  }
0x461: {  	s24 =	smov.u32 @p1 s25;
	v12 =	vld [tilespmem:s23+$0x0]  }
0x462: {  	v13 =	vld [tilespmem:s24+$0x0];
	_ =	sdelay $0x2  }
0x463: {  	vm1 =	veq.f32 @p1 v10, v9  }
0x464: {  	vm0 =	vmand @p1 vm0, vm1;
	vm1 =	vgt.f32 @p1 v10, v9  }
0x465: {  	vm0 =	vmor @p1 vm1, vm0;
	vm11 =	veq.f32 v12, v5;
	vm2 =	veq.s32 v13, v6  }
0x466: {  	v5 =	vsel @p1 vm0, v10, v9;
	v6 =	vsel @p1 vm0, v8, v11;
	vm12 =	vmand vm11, vm2  }
.Ltmp65:
0x467: {  	v6 =	vpsel p1, v6, v7;
	v4 =	vpsel p1, v5, v4;
	v7 =	vsel vm12, $0xFF800000, v12;
	(pc) =	sbr.rel .LBB2_82-.Ltmp65, $4  }
0x468: {  	vm13 =	vlt.s32 v13, v6;
	vm14 =	veq.f32 v7, v4  }
0x469: {  	vm15 =	vgt.f32 v7, v4;
	vm0 =	vmand vm13, vm14  }
0x46a: {  	vm0 =	vmor vm15, vm0  }
0x46b: {  	[tilespmem:s23+$0x0] =	vst v7;
	v5 =	vsel vm0, v7, v4;
	v4 =	vsel vm0, v13, v6  }
.LBB2_79:
.Ltmp66:
0x46c: {  	(pc) =	sbr.rel .LBB2_81-.Ltmp66, $2  }
0x46d: {  	_ =	sdelay $0x2  }
0x46e: {  	s25 =	simm.s32 $0x8880;
	v9 =	vimm.f32 $-Inf;
	s26 =	simm.s32 $0x8C00;
	v11 =	vimm.s32 $0x7FFFFFF0  }
.LBB2_44:
.Ltmp67:
0x46f: {  	(pc) =	sbr.rel .LBB2_50-.Ltmp67, $2  }
0x470: {  	_ =	sdelay $0x2  }
0x471: {  	v5 =	vimm.f32 $+Inf  }
.LBB2_46:
.Ltmp68:
0x472: {  	(pc) =	sbr.rel .LBB2_50-.Ltmp68, $2  }
0x473: {  	_ =	sdelay $0x3  }
0x474: {  	v5 =	vimm.f32 $+Inf  }
.LBB2_48:
.Ltmp69:
0x475: {  	(pc) =	sbr.rel .LBB2_50-.Ltmp69, $2  }
0x476: {  	_ =	sdelay $0x2  }
0x477: {  	v5 =	vimm.f32 $+Inf  }
.LBB2_53:
.Ltmp70:
0x478: {  	(pc) =	sbr.rel .LBB2_58-.Ltmp70, $2  }
0x479: {  	_ =	sdelay $0x2  }
0x47a: {  	v6 =	vimm.s32 $0x0;
	s25 =	simm.s32 $0x8C00  }
.LBB2_55:
.Ltmp71:
0x47b: {  	(pc) =	sbr.rel .LBB2_58-.Ltmp71, $2  }
0x47c: {  	_ =	sdelay $0x2  }
0x47d: {  	v8 =	vmov v7;
	v6 =	vmov v7;
	s25 =	simm.s32 $0x8C00  }
.LBB2_85:
0x47e: {  	_ =	sfence.sel $0x180000  }
0x47f: {  	[bflag:$0x0] =	sbarrier.arrive $0xFFFF  }
0x480: {  	p0 =	sne.s32 s3, $0x0;
	_ =	strace $0x90000047  }
0x481: {  	s0 =	sadd.s32 @!p0 $0x100000, s0;
	[bflag:$0x2] =	sbarrier.arrive $0xFFFF  }
0x482: {  	[sflag:s0] =	ssyncadd.tile.s32 @!p0 $0x1;
	_ =	shalt  }
.Lfunc_end2:
_tile_overlayer_lowered:
.L_overlay_start_2:
0x483: {  	(tag) =	ssettag $0x2  }
0x484: {  	s0 =	rddreg [dreg:$0x0];
	s2 =	stileid.u32  }
0x485: {  	s1 =	rddreg [dreg:$0x1];
	p0 =	sne.s32 s2, $0x0  }
0x486: {  	s3 =	rddreg [dreg:$0x2];
	[bflag:$0x3] =	sbarrier.arrive $0xFFFF;
	s2 =	simm.s32 @!p0 $0x1C01  }
0x487: {  	[timem:s3], [sflag:s2] =	dma.local @!p0 [hbm:s0], s1  }
0x488: {  	s0 =	simm.s32 @!p0 $0x1  }
0x489: {  	_ =	swait.ge @!p0 [sflag:s0], s1  }
0x48a: {  	s1 =	ssub.s32 @!p0 $0x0, s1;
	[sflag:s0] =	ssyncset.done @!p0 $0x0  }
0x48b: {  	[sflag:s0] =	ssyncadd.s32 @!p0 s1  }
0x48c: {  	[bflag:$0x3] =	sbarrier.arrive $0xFFFF  }
0x48d: {  	_ =	shalt  }

</sc_bundles>
